<compile_context>
chip_gen: v7x
topology: tpu7x:2x2x1
jax: 0.10.2.dev20260603
libtpu: 0.0.44.dev20260713+nightly
codegen_flags: <defaults>
</compile_context>

<pallas_src>
import jax
import jax.numpy as jnp
from jax import lax
from jax.experimental import pallas as pl
from jax.experimental.pallas import tpu as pltpu
from jax.experimental.pallas import tpu_sc as plsc

N = 10000
E = 320000
CH = 128
CHH = CH // 2
NEG = 0.2

NC = 2
NS = 16
NW = NC * NS
B = 128
NP = 10240
NR = NP // B
E_PAD = NW * B * NR
EPT2 = E_PAD // NW
NCHUNK2 = EPT2 // B
EPT3 = E_PAD // NS
SCH = 32
NSC = EPT3 // (SCH * B)
RPT = NP // NS


def _k1_body(x_ref, w_ref, wp_ref, attd_ref, atts_ref,
             h0_ref, h1_ref, h0b_ref, h1b_ref, scal_ref):
  xb = x_ref[...]
  h = jnp.dot(xb, w_ref[...], preferred_element_type=jnp.float32)
  h0_ref[...] = h[:, :CHH]
  h1_ref[...] = h[:, CHH:]
  hp = jnp.dot(xb, wp_ref[...], preferred_element_type=jnp.float32)
  h0b_ref[...] = hp[:, :CHH].astype(jnp.bfloat16)
  h1b_ref[...] = hp[:, CHH:].astype(jnp.bfloat16)
  ad = jnp.sum(h * attd_ref[...], axis=1)
  as_ = jnp.sum(h * atts_ref[...], axis=1)
  a = ad + as_
  a = jnp.where(a >= 0, a, NEG * a)
  exs = jnp.exp(a)
  z = jnp.zeros_like(ad)
  scal_ref[...] = jnp.stack([ad, as_, exs, z, z, z, z, z], axis=1)


def _k1(x, weight, weight_p, attd, atts):
  R = 2000
  return pl.pallas_call(
      _k1_body,
      grid=(N // R,),
      in_specs=[
          pl.BlockSpec((R, CH), lambda i: (i, 0)),
          pl.BlockSpec((CH, CH), lambda i: (0, 0)),
          pl.BlockSpec((CH, CH), lambda i: (0, 0)),
          pl.BlockSpec((1, CH), lambda i: (0, 0)),
          pl.BlockSpec((1, CH), lambda i: (0, 0)),
      ],
      out_specs=[
          pl.BlockSpec((R, CHH), lambda i: (i, 0)),
          pl.BlockSpec((R, CHH), lambda i: (i, 0)),
          pl.BlockSpec((R, CHH), lambda i: (i, 0)),
          pl.BlockSpec((R, CHH), lambda i: (i, 0)),
          pl.BlockSpec((R, 8), lambda i: (i, 0)),
      ],
      out_shape=[
          jax.ShapeDtypeStruct((N, CHH), jnp.float32),
          jax.ShapeDtypeStruct((N, CHH), jnp.float32),
          jax.ShapeDtypeStruct((N, CHH), jnp.bfloat16),
          jax.ShapeDtypeStruct((N, CHH), jnp.bfloat16),
          jax.ShapeDtypeStruct((N, 8), jnp.float32),
      ],
  )(x, weight, weight_p, attd, atts)


def _k2_body(src_hbm, dst_hbm, ad_hbm, as_hbm,
             denom_hbm, ex_hbm,
             ad_v, as_v, src_v, dst_v, ex_v, den_v, den2_v, zb_v, ridx_v,
             spden):
  cid = lax.axis_index("c")
  sid = lax.axis_index("s")
  wid = sid * NC + cid

  pltpu.sync_copy(ad_hbm, ad_v)
  pltpu.sync_copy(as_hbm, as_v)
  pltpu.sync_copy(src_hbm.at[wid], src_v)
  pltpu.sync_copy(dst_hbm.at[wid], dst_v)

  def zero_step(i, _):
    den_v[pl.ds(i * 16, 16)] = jnp.zeros((16,), jnp.float32)
    return _
  lax.fori_loop(0, NP // 16, zero_step, None)

  def zb_step(i, _):
    zb_v[i // 8, pl.ds((i % 8) * 16, 16)] = jnp.zeros((16,), jnp.float32)
    return _
  lax.fori_loop(0, (8 * B) // 16, zb_step, None)

  def ridx_step(i, _):
    ridx_v[pl.ds(i * 16, 16)] = lax.iota(jnp.int32, 16) + i * 16
    return _
  lax.fori_loop(0, NR // 16, ridx_step, None)

  @plsc.parallel_loop(0, EPT2 // 16, unroll=4)
  def edge_group(g):
    j = g // (B // 16)
    k = g % (B // 16)
    s = src_v[j, pl.ds(k * 16, 16)]
    d = dst_v[j, pl.ds(k * 16, 16)]
    av = plsc.load_gather(ad_v, [d])
    bv = plsc.load_gather(as_v, [s])
    a = av + bv
    a = jnp.where(a >= 0, a, NEG * a)
    ex = jnp.exp(a)
    ex = jnp.where(s != d, ex, jnp.zeros((16,), jnp.float32))
    ex_v[j, pl.ds(k * 16, 16)] = ex
    plsc.addupdate_scatter(den_v, [s], ex)

  pltpu.sync_copy(ex_v, ex_hbm.at[wid])

  def d2_step(i, _):
    den2_v[i // 8, pl.ds((i % 8) * 16, 16)] = den_v[pl.ds(i * 16, 16)]
    return _
  lax.fori_loop(0, NP // 16, d2_step, None)

  @pl.when(sid < 10)
  def _():
    pltpu.sync_copy(zb_v, spden.at[pl.ds(sid * 8, 8)])
  plsc.subcore_barrier()
  pltpu.sync_copy(den2_v, spden.at[ridx_v], add=True)
  plsc.subcore_barrier()

  @pl.when(sid == 0)
  def _():
    pltpu.sync_copy(spden, denom_hbm.at[cid])


def _k2(src3, dst3, ad, as_):
  mesh = plsc.VectorSubcoreMesh(core_axis_name="c", subcore_axis_name="s")
  f = pl.kernel(
      _k2_body,
      out_type=[
          jax.ShapeDtypeStruct((NC, NR, B), jnp.float32),
          jax.ShapeDtypeStruct((NW, NCHUNK2, B), jnp.float32),
      ],
      mesh=mesh,
      scratch_types=[
          pltpu.VMEM((NP,), jnp.float32),
          pltpu.VMEM((NP,), jnp.float32),
          pltpu.VMEM((NCHUNK2, B), jnp.int32),
          pltpu.VMEM((NCHUNK2, B), jnp.int32),
          pltpu.VMEM((NCHUNK2, B), jnp.float32),
          pltpu.VMEM((NP,), jnp.float32),
          pltpu.VMEM((NR, B), jnp.float32),
          pltpu.VMEM((8, B), jnp.float32),
          pltpu.VMEM((NR,), jnp.int32),
          pltpu.VMEM_SHARED((NR, B), jnp.float32),
      ],
      compiler_params=pltpu.CompilerParams(needs_layout_passes=False),
  )
  return f(src3, dst3, ad, as_)


def _k2b_body(den_ref, exs_ref, inv_ref, sw_ref):
  inv = 1.0 / (den_ref[0] + den_ref[1] + exs_ref[...])
  inv_ref[...] = inv
  sw_ref[...] = exs_ref[...] * inv


def _k2b(denom, exs2):
  return pl.pallas_call(
      _k2b_body,
      out_shape=[
          jax.ShapeDtypeStruct((NR, B), jnp.float32),
          jax.ShapeDtypeStruct((NR, B), jnp.float32),
      ],
  )(denom, exs2)


def _k3_body(h_hbm, src_hbm, dst_hbm, ex_hbm, inv_hbm,
             out_hbm,
             inv_v, src_s, dst_s, ex_s, w_v,
             g16_a, g16_b, g16_c, g16_d, fr_a, fr_b,
             sem_ga, sem_gb, sem_gc, sem_gd, sem_sa, sem_sb,
             sem_st0, sem_st1, sp_out):
  cid = lax.axis_index("c")
  sid = lax.axis_index("s")

  pltpu.sync_copy(inv_hbm, inv_v)

  @plsc.parallel_loop(0, B * (CHH // 16), unroll=4)
  def zrow_step(i):
    fr_a[i // 4, pl.ds((i % 4) * 16, 16)] = jnp.zeros((16,), jnp.float32)
  base_row = sid * RPT
  for t in range(RPT // B):
    pltpu.sync_copy(fr_a, sp_out.at[pl.ds(base_row + t * B, B)])
  plsc.subcore_barrier()

  h_half = h_hbm.at[cid]

  def stage_issue(sc, p, sem):
    pltpu.async_copy(src_hbm.at[sid, sc], src_s.at[p], sem)
    pltpu.async_copy(dst_hbm.at[sid, sc], dst_s.at[p], sem)
    pltpu.async_copy(ex_hbm.at[sid, sc], ex_s.at[p], sem)

  def stage_wait(sc, p, sem):
    pltpu.make_async_copy(src_hbm.at[sid, sc], src_s.at[p], sem).wait()
    pltpu.make_async_copy(dst_hbm.at[sid, sc], dst_s.at[p], sem).wait()
    pltpu.make_async_copy(ex_hbm.at[sid, sc], ex_s.at[p], sem).wait()

  def issue_g(p, jj, g16, sem):
    pltpu.async_copy(h_half.at[src_s.at[p, jj]], g16, sem)

  def wait_g(p, jj, g16, sem):
    pltpu.make_async_copy(h_half.at[src_s.at[p, jj]], g16, sem).wait()

  def issue_s(p, jj, fr, sem):
    pltpu.async_copy(fr, sp_out.at[dst_s.at[p, jj]], sem, add=True)

  def wait_s(p, jj, fr, sem):
    pltpu.make_async_copy(fr, sp_out.at[dst_s.at[p, jj]], sem).wait()

  def compute_w(p, jj):
    for k in range(B // 16):
      sl = pl.ds(k * 16, 16)
      s = src_s[p, jj, sl]
      ex = ex_s[p, jj, sl]
      iv = plsc.load_gather(inv_v, [s])
      w_v[sl] = ex * iv

  def scale_convert(g16, fr):
    @plsc.parallel_loop(0, B, unroll=4)
    def srow(b):
      w = jnp.full((16,), w_v[pl.ds(b, 16)][0], jnp.float32)
      for k in range(CHH // 32):
        v = g16[b, pl.ds(k * 32, 32)]
        lo, hi = plsc.unpack(v, format=plsc.PackFormat.INTERLEAVED)
        fr[b, pl.ds(k * 32, 16)] = lo * w
        fr[b, pl.ds(k * 32 + 16, 16)] = hi * w

  stage_issue(0, 0, sem_st0)

  def super_chunk(sc, _):
    p = sc % 2
    @pl.when(p == 0)
    def _():
      stage_wait(sc, 0, sem_st0)
      @pl.when(sc < NSC - 1)
      def _():
        stage_issue(sc + 1, 1, sem_st1)

    @pl.when(p == 1)
    def _():
      stage_wait(sc, 1, sem_st1)
      @pl.when(sc < NSC - 1)
      def _():
        stage_issue(sc + 1, 0, sem_st0)

    gbufs = (g16_a, g16_b, g16_c, g16_d)
    gsems = (sem_ga, sem_gb, sem_gc, sem_gd)
    fbufs = (fr_a, fr_b)
    fsems = (sem_sa, sem_sb)

    issue_g(p, 0, gbufs[0], gsems[0])
    issue_g(p, 1, gbufs[1], gsems[1])
    issue_g(p, 2, gbufs[2], gsems[2])

    def quad(q, _):
      for r in range(4):
        j = q * 4 + r
        nr = (r + 3) % 4

        @pl.when(j + 3 < SCH)
        def _():
          issue_g(p, j + 3, gbufs[nr], gsems[nr])
        compute_w(p, j)
        wait_g(p, j, gbufs[r], gsems[r])

        @pl.when(j >= 2)
        def _():
          wait_s(p, j - 2, fbufs[r % 2], fsems[r % 2])
        scale_convert(gbufs[r], fbufs[r % 2])
        issue_s(p, j, fbufs[r % 2], fsems[r % 2])
      return _
    lax.fori_loop(0, SCH // 4, quad, None)
    wait_s(p, SCH - 2, fr_a, sem_sa)
    wait_s(p, SCH - 1, fr_b, sem_sb)
    return _
  lax.fori_loop(0, NSC, super_chunk, None)

  plsc.subcore_barrier()
  for t in range(RPT // B):
    pltpu.sync_copy(sp_out.at[pl.ds(base_row + t * B, B)],
                    out_hbm.at[cid].at[pl.ds(base_row + t * B, B)])


def _k3(hb_split, src4, dst4, ex4, inv1):
  mesh = plsc.VectorSubcoreMesh(core_axis_name="c", subcore_axis_name="s")
  f = pl.kernel(
      _k3_body,
      out_type=jax.ShapeDtypeStruct((NC, NP, CHH), jnp.float32),
      mesh=mesh,
      scratch_types=[
          pltpu.VMEM((NP,), jnp.float32),
          pltpu.VMEM((2, SCH, B), jnp.int32),
          pltpu.VMEM((2, SCH, B), jnp.int32),
          pltpu.VMEM((2, SCH, B), jnp.float32),
          pltpu.VMEM((B + 16,), jnp.float32),
          pltpu.VMEM((B, CHH), jnp.bfloat16),
          pltpu.VMEM((B, CHH), jnp.bfloat16),
          pltpu.VMEM((B, CHH), jnp.bfloat16),
          pltpu.VMEM((B, CHH), jnp.bfloat16),
          pltpu.VMEM((B, CHH), jnp.float32),
          pltpu.VMEM((B, CHH), jnp.float32),
          pltpu.SemaphoreType.DMA,
          pltpu.SemaphoreType.DMA,
          pltpu.SemaphoreType.DMA,
          pltpu.SemaphoreType.DMA,
          pltpu.SemaphoreType.DMA,
          pltpu.SemaphoreType.DMA,
          pltpu.SemaphoreType.DMA,
          pltpu.SemaphoreType.DMA,
          pltpu.VMEM_SHARED((NP, CHH), jnp.float32),
      ],
      compiler_params=pltpu.CompilerParams(
          needs_layout_passes=False, use_tc_tiling_on_sc=False),
  )
  return f(hb_split, src4, dst4, ex4, inv1)


def _k4_body(p_ref, h0_ref, h1_ref, sw_ref, bias_ref, out_ref):
  sw = sw_ref[...]
  lo = p_ref[0] + sw * h0_ref[...]
  hi = p_ref[1] + sw * h1_ref[...]
  out_ref[...] = jnp.concatenate([lo, hi], axis=1) + bias_ref[...]


def _k4(parts, h0, h1, selfw, bias):
  R = 2000
  return pl.pallas_call(
      _k4_body,
      grid=(N // R,),
      in_specs=[
          pl.BlockSpec((2, R, CHH), lambda i: (0, i, 0)),
          pl.BlockSpec((R, CHH), lambda i: (i, 0)),
          pl.BlockSpec((R, CHH), lambda i: (i, 0)),
          pl.BlockSpec((R, 1), lambda i: (i, 0)),
          pl.BlockSpec((1, CH), lambda i: (0, 0)),
      ],
      out_specs=pl.BlockSpec((R, CH), lambda i: (i, 0)),
      out_shape=jax.ShapeDtypeStruct((N, CH), jnp.float32),
  )(parts, h0, h1, selfw, bias)


def _build_perm():
  perm = []
  for g in range(CH // 32):
    base = 32 * g
    for i in range(16):
      perm.extend([base + i, base + 16 + i])
  return perm

_PERM = tuple(_build_perm())


@jax.jit
def kernel(x, edge_index, weight, att, bias):
  attd = att[0, :, :CH].astype(jnp.float32)
  atts = att[0, :, CH:].astype(jnp.float32)
  weight_p = weight[:, jnp.array(_PERM, jnp.int32)]

  h0, h1, h0b, h1b, scal = _k1(x, weight, weight_p, attd, atts)
  ad, as_, exs = scal[:, 0], scal[:, 1], scal[:, 2]

  pad = jnp.zeros((E_PAD - E,), jnp.int32)
  src_flat = jnp.concatenate([edge_index[0], pad])
  dst_flat = jnp.concatenate([edge_index[1], pad])
  src3 = src_flat.reshape(NW, NCHUNK2, B)
  dst3 = dst_flat.reshape(NW, NCHUNK2, B)
  src4 = src_flat.reshape(NS, NSC, SCH, B)
  dst4 = dst_flat.reshape(NS, NSC, SCH, B)

  zpad = jnp.zeros((NP - N,), jnp.float32)
  ad2 = jnp.concatenate([ad, zpad])
  as2 = jnp.concatenate([as_, zpad])
  exs2 = jnp.concatenate([exs, zpad]).reshape(NR, B)

  denom, exJ = _k2(src3, dst3, ad2, as2)
  inv2, selfw2 = _k2b(denom, exs2)

  hb_split = jnp.stack([h0b, h1b])
  ex4 = exJ.reshape(NS, NSC, SCH, B)
  parts = _k3(hb_split, src4, dst4, ex4, inv2.reshape(NP))

  out = _k4(parts, h0, h1, selfw2.reshape(NP)[:N, None], bias[None, :])
  return out

# --- scband reference (transcript-rebuilt; emitter-appended) ---
"""Pipeline reference for scband-geo-layer-35888746726011 (READ-ONLY COPY).

The authoritative reference and input builder live on the scoring server;
editing this copy changes nothing except your own understanding.
"""

import jax, jax.numpy as jnp
import numpy as np

N = 10000
E = 320000
IN_CH = 128
OUT_CH = 128
HEADS = 1
NEG = 0.2


def setup_inputs(seed: int = 0) -> dict:
    key = jax.random.key(seed)
    ks = jax.random.split(key, 5)
    x = jax.random.normal(ks[0], (N, IN_CH), dtype=jnp.float32)
    edge_index = jax.random.randint(ks[1], (2, E), 0, N, dtype=jnp.int32)
    lim_w = (6.0 / (IN_CH + HEADS * OUT_CH)) ** 0.5
    weight = jax.random.uniform(ks[2], (IN_CH, HEADS * OUT_CH), dtype=jnp.float32, minval=-lim_w, maxval=lim_w)
    lim_a = (6.0 / (1 + 2 * OUT_CH)) ** 0.5
    att = jax.random.uniform(ks[3], (1, HEADS, 2 * OUT_CH), dtype=jnp.float32, minval=-lim_a, maxval=lim_a)
    bias = jnp.zeros((HEADS * OUT_CH,), dtype=jnp.float32)
    return {"x": x, "edge_index": edge_index, "weight": weight, "att": att, "bias": bias}


def reference(x, edge_index, weight, att, bias):
    # GeoLayer (GraphNAS) forward, att_type='gat', agg_type='sum', flow source_to_target (i=1, j=0)
    src0, dst0 = edge_index[0], edge_index[1]
    # remove_self_loops
    mask = src0 != dst0
    loop = jnp.arange(N, dtype=src0.dtype)
    sink = jnp.asarray(N, dtype=src0.dtype)
    # add_self_loops (self-loop edges routed to sink segment N, fixed shape)
    src = jnp.concatenate([jnp.where(mask, src0, sink), loop])
    dst = jnp.concatenate([jnp.where(mask, dst0, sink), loop])
    # x = torch.mm(x, weight).view(-1, heads, out_channels)
    h = (x @ weight).reshape(-1, HEADS, OUT_CH)
    x_i = h[dst]  # edge_index[i=1]
    x_j = h[src]  # edge_index[j=0]
    # gat attention
    alpha = (jnp.concatenate([x_i, x_j], axis=-1) * att).sum(axis=-1)  # [E', heads]
    alpha = jnp.where(alpha >= 0, alpha, NEG * alpha)  # leaky_relu
    # softmax grouped by edge_index[0] (as in GraphNAS apply_attention)
    amax = jax.ops.segment_max(alpha, src, num_segments=N + 1)
    amax = jax.lax.stop_gradient(amax)
    ex = jnp.exp(alpha - amax[src])
    denom = jax.ops.segment_sum(ex, src, num_segments=N + 1)
    alpha = ex / (denom[src] + 1e-16)
    msg = x_j * alpha[:, :, None]
    # scatter_add over edge_index[i=1]
    out = jax.ops.segment_sum(msg, dst, num_segments=N + 1)[:N]
    # update: concat -> view(-1, heads*out) + bias
    out = out.reshape(N, HEADS * OUT_CH) + bias
    return out

if __name__ == "__main__":
    import jax
    _d = setup_inputs()
    print(jax.jit(kernel)(*tuple(_d.values())))

</pallas_src>

<mosaic_0001>
#map = affine_map<(d0, d1) -> (0, 0, 0)>
#map1 = affine_map<(d0, d1) -> (0, 0, 0, 0)>
#map2 = affine_map<(d0, d1) -> (0)>
module attributes {stable_mosaic.version = 14 : i64} {
  func.func @_k3_body(%arg0: i32, %arg1: i32, %arg2: memref<2x10000x64xbf16, #tpu.memory_space<hbm>>, %arg3: memref<16x5x32x128xi32, #tpu.memory_space<hbm>>, %arg4: memref<16x5x32x128xi32, #tpu.memory_space<hbm>>, %arg5: memref<16x5x32x128xf32, #tpu.memory_space<hbm>>, %arg6: memref<10240xf32, #tpu.memory_space<hbm>>, %arg7: memref<2x10240x64xf32, #tpu.memory_space<hbm>>, %arg8: memref<10240xf32, #tpu.memory_space<vmem>>, %arg9: memref<2x32x128xi32, #tpu.memory_space<vmem>>, %arg10: memref<2x32x128xi32, #tpu.memory_space<vmem>>, %arg11: memref<2x32x128xf32, #tpu.memory_space<vmem>>, %arg12: memref<144xf32, #tpu.memory_space<vmem>>, %arg13: memref<128x64xbf16, #tpu.memory_space<vmem>>, %arg14: memref<128x64xbf16, #tpu.memory_space<vmem>>, %arg15: memref<128x64xbf16, #tpu.memory_space<vmem>>, %arg16: memref<128x64xbf16, #tpu.memory_space<vmem>>, %arg17: memref<128x64xf32, #tpu.memory_space<vmem>>, %arg18: memref<128x64xf32, #tpu.memory_space<vmem>>, %arg19: memref<!tpu.dma_semaphore, #tpu.memory_space<semaphore_mem>>, %arg20: memref<!tpu.dma_semaphore, #tpu.memory_space<semaphore_mem>>, %arg21: memref<!tpu.dma_semaphore, #tpu.memory_space<semaphore_mem>>, %arg22: memref<!tpu.dma_semaphore, #tpu.memory_space<semaphore_mem>>, %arg23: memref<!tpu.dma_semaphore, #tpu.memory_space<semaphore_mem>>, %arg24: memref<!tpu.dma_semaphore, #tpu.memory_space<semaphore_mem>>, %arg25: memref<!tpu.dma_semaphore, #tpu.memory_space<semaphore_mem>>, %arg26: memref<!tpu.dma_semaphore, #tpu.memory_space<semaphore_mem>>, %arg27: memref<10240x64xf32, #tpu.memory_space<vmem_shared>>) attributes {dimension_semantics = [#tpu.dimension_semantics<core_parallel>, #tpu.dimension_semantics<subcore_parallel>], iteration_bounds = array<i64: 2, 16>, scalar_prefetch = 0 : i64, scratch_operands = 20 : i64, tpu.core_type = #tpu.core_type<sc_vector_subcore>, window_params = [{transform_indices = #map}, {transform_indices = #map1}, {transform_indices = #map1}, {transform_indices = #map1}, {transform_indices = #map2}, {transform_indices = #map}]} {
    "tpu.region"() ({
      %run_scoped3A = tpu.sem_alloc : memref<!tpu.dma_semaphore, #tpu.memory_space<semaphore_mem>>
      tpu.enqueue_dma source(%arg6 : memref<10240xf32, #tpu.memory_space<hbm>>) target(%arg8 : memref<10240xf32, #tpu.memory_space<vmem>>) target_semaphore(%run_scoped3A : memref<!tpu.dma_semaphore, #tpu.memory_space<semaphore_mem>>)
      tpu.wait_dma2 semaphore(%run_scoped3A : memref<!tpu.dma_semaphore, #tpu.memory_space<semaphore_mem>>) src(%arg6 : memref<10240xf32, #tpu.memory_space<hbm>>) dst(%arg8 : memref<10240xf32, #tpu.memory_space<vmem>>)
      tpu.yield
    }) : () -> ()
    %parallel_loop3A = arith.constant 0 : i32
    %parallel_loop3A_0 = arith.constant 512 : i32
    %parallel_loop3A_1 = arith.constant 1 : i32
    scf.for %parallel_loop3A_90 = %parallel_loop3A to %parallel_loop3A_0 step %parallel_loop3A_1  : i32 {
      %parallel_loop3A_91 = arith.constant 0.000000e+00 : f32
      %parallel_loop3A_92 = vector.broadcast %parallel_loop3A_91 : f32 to vector<16xf32>
      %parallel_loop3A_93 = arith.constant 4 : i32
      %parallel_loop3A_94 = arith.divsi %parallel_loop3A_90, %parallel_loop3A_93 : i32
      %parallel_loop3A_95 = arith.constant 0 : i32
      %parallel_loop3A_96 = arith.cmpi sgt, %parallel_loop3A_90, %parallel_loop3A_95 : i32
      %parallel_loop3A_97 = arith.extui %parallel_loop3A_96 : i1 to i32
      %parallel_loop3A_98 = arith.constant 0 : i32
      %parallel_loop3A_99 = arith.cmpi slt, %parallel_loop3A_90, %parallel_loop3A_98 : i32
      %parallel_loop3A_100 = arith.extui %parallel_loop3A_99 : i1 to i32
      %parallel_loop3A_101 = arith.subi %parallel_loop3A_97, %parallel_loop3A_100 : i32
      %parallel_loop3A_102 = arith.constant 0 : i32
      %parallel_loop3A_103 = arith.cmpi sgt, %parallel_loop3A_93, %parallel_loop3A_102 : i32
      %parallel_loop3A_104 = arith.extui %parallel_loop3A_103 : i1 to i32
      %parallel_loop3A_105 = arith.constant 0 : i32
      %parallel_loop3A_106 = arith.cmpi slt, %parallel_loop3A_93, %parallel_loop3A_105 : i32
      %parallel_loop3A_107 = arith.extui %parallel_loop3A_106 : i1 to i32
      %parallel_loop3A_108 = arith.subi %parallel_loop3A_104, %parallel_loop3A_107 : i32
      %parallel_loop3A_109 = arith.cmpi ne, %parallel_loop3A_101, %parallel_loop3A_108 : i32
      %parallel_loop3A_110 = arith.remsi %parallel_loop3A_90, %parallel_loop3A_93 : i32
      %parallel_loop3A_111 = arith.constant 0 : i32
      %parallel_loop3A_112 = arith.cmpi ne, %parallel_loop3A_110, %parallel_loop3A_111 : i32
      %parallel_loop3A_113 = arith.andi %parallel_loop3A_109, %parallel_loop3A_112 : i1
      %parallel_loop3A_114 = arith.constant 1 : i32
      %parallel_loop3A_115 = arith.subi %parallel_loop3A_94, %parallel_loop3A_114 : i32
      %parallel_loop3A_116 = arith.select %parallel_loop3A_113, %parallel_loop3A_115, %parallel_loop3A_94 : i32
      %parallel_loop3A_117 = arith.constant 4 : i32
      %parallel_loop3A_118 = arith.constant 0 : i32
      %parallel_loop3A_119 = arith.cmpi eq, %parallel_loop3A_117, %parallel_loop3A_118 : i32
      %parallel_loop3A_120 = arith.constant 1 : i32
      %parallel_loop3A_121 = arith.select %parallel_loop3A_119, %parallel_loop3A_120, %parallel_loop3A_117 : i32
      %parallel_loop3A_122 = arith.remsi %parallel_loop3A_90, %parallel_loop3A_121 : i32
      %parallel_loop3A_123 = arith.constant 0 : i32
      %parallel_loop3A_124 = arith.cmpi ne, %parallel_loop3A_122, %parallel_loop3A_123 : i32
      %parallel_loop3A_125 = arith.constant 0 : i32
      %parallel_loop3A_126 = arith.cmpi slt, %parallel_loop3A_122, %parallel_loop3A_125 : i32
      %parallel_loop3A_127 = arith.constant 0 : i32
      %parallel_loop3A_128 = arith.cmpi slt, %parallel_loop3A_121, %parallel_loop3A_127 : i32
      %parallel_loop3A_129 = arith.xori %parallel_loop3A_126, %parallel_loop3A_128 : i1
      %parallel_loop3A_130 = arith.andi %parallel_loop3A_129, %parallel_loop3A_124 : i1
      %parallel_loop3A_131 = arith.addi %parallel_loop3A_122, %parallel_loop3A_121 : i32
      %parallel_loop3A_132 = arith.select %parallel_loop3A_130, %parallel_loop3A_131, %parallel_loop3A_122 : i32
      %parallel_loop3A_133 = arith.constant 16 : i32
      %parallel_loop3A_134 = arith.muli %parallel_loop3A_132, %parallel_loop3A_133 : i32
      %parallel_loop3A_135 = arith.index_cast %parallel_loop3A_116 : i32 to index
      %parallel_loop3A_136 = arith.index_cast %parallel_loop3A_134 : i32 to index
      %parallel_loop3A_137 = tpu.vector_load %arg17[%parallel_loop3A_135, %parallel_loop3A_136] {strides = array<i32>} : memref<128x64xf32, #tpu.memory_space<vmem>>, vector<16xf32>,
      tpu.vector_store %arg17[%parallel_loop3A_135, %parallel_loop3A_136], %parallel_loop3A_92 {strides = array<i32>} : memref<128x64xf32, #tpu.memory_space<vmem>>, vector<16xf32>,
    } {sc.loop_unroll_factor = 4 : i64, sc.parallel_access}
    %mul3A = arith.constant 640 : i32
    %mul3A_2 = arith.muli %arg1, %mul3A : i32
    %add3A = arith.constant 0 : i32
    %add3A_3 = arith.addi %mul3A_2, %add3A : i32
    "tpu.region"() ({
      %run_scoped3A = tpu.sem_alloc : memref<!tpu.dma_semaphore, #tpu.memory_space<semaphore_mem>>
      %dma_start3A_90 = arith.constant 0 : i32
      %dma_start3A_91 = tpu.memref_slice %arg27[%add3A_3, %dma_start3A_90] : memref<10240x64xf32, #tpu.memory_space<vmem_shared>> -> memref<128x64xf32, #tpu.memory_space<vmem_shared>>
      %dma_start3A_92 = arith.constant 0 : i32
      %dma_start3A_93 = tpu.memref_slice %arg27[%add3A_3, %dma_start3A_92] : memref<10240x64xf32, #tpu.memory_space<vmem_shared>> -> memref<128x64xf32, #tpu.memory_space<vmem_shared>>
      tpu.enqueue_dma source(%arg17 : memref<128x64xf32, #tpu.memory_space<vmem>>) target(%dma_start3A_93 : memref<128x64xf32, #tpu.memory_space<vmem_shared>>) target_semaphore(%run_scoped3A : memref<!tpu.dma_semaphore, #tpu.memory_space<semaphore_mem>>)
      %dma_wait3A = arith.constant 0 : i32
      %dma_wait3A_94 = tpu.memref_slice %arg27[%add3A_3, %dma_wait3A] : memref<10240x64xf32, #tpu.memory_space<vmem_shared>> -> memref<128x64xf32, #tpu.memory_space<vmem_shared>>
      %dma_wait3A_95 = arith.constant 0 : i32
      %dma_wait3A_96 = tpu.memref_slice %arg27[%add3A_3, %dma_wait3A_95] : memref<10240x64xf32, #tpu.memory_space<vmem_shared>> -> memref<128x64xf32, #tpu.memory_space<vmem_shared>>
      tpu.wait_dma2 semaphore(%run_scoped3A : memref<!tpu.dma_semaphore, #tpu.memory_space<semaphore_mem>>) src(%arg17 : memref<128x64xf32, #tpu.memory_space<vmem>>) dst(%dma_wait3A_96 : memref<128x64xf32, #tpu.memory_space<vmem_shared>>)
      tpu.yield
    }) : () -> ()
    %add3A_4 = arith.constant 128 : i32
    %add3A_5 = arith.addi %mul3A_2, %add3A_4 : i32
    "tpu.region"() ({
      %run_scoped3A = tpu.sem_alloc : memref<!tpu.dma_semaphore, #tpu.memory_space<semaphore_mem>>
      %dma_start3A_90 = arith.constant 0 : i32
      %dma_start3A_91 = tpu.memref_slice %arg27[%add3A_5, %dma_start3A_90] : memref<10240x64xf32, #tpu.memory_space<vmem_shared>> -> memref<128x64xf32, #tpu.memory_space<vmem_shared>>
      %dma_start3A_92 = arith.constant 0 : i32
      %dma_start3A_93 = tpu.memref_slice %arg27[%add3A_5, %dma_start3A_92] : memref<10240x64xf32, #tpu.memory_space<vmem_shared>> -> memref<128x64xf32, #tpu.memory_space<vmem_shared>>
      tpu.enqueue_dma source(%arg17 : memref<128x64xf32, #tpu.memory_space<vmem>>) target(%dma_start3A_93 : memref<128x64xf32, #tpu.memory_space<vmem_shared>>) target_semaphore(%run_scoped3A : memref<!tpu.dma_semaphore, #tpu.memory_space<semaphore_mem>>)
      %dma_wait3A = arith.constant 0 : i32
      %dma_wait3A_94 = tpu.memref_slice %arg27[%add3A_5, %dma_wait3A] : memref<10240x64xf32, #tpu.memory_space<vmem_shared>> -> memref<128x64xf32, #tpu.memory_space<vmem_shared>>
      %dma_wait3A_95 = arith.constant 0 : i32
      %dma_wait3A_96 = tpu.memref_slice %arg27[%add3A_5, %dma_wait3A_95] : memref<10240x64xf32, #tpu.memory_space<vmem_shared>> -> memref<128x64xf32, #tpu.memory_space<vmem_shared>>
      tpu.wait_dma2 semaphore(%run_scoped3A : memref<!tpu.dma_semaphore, #tpu.memory_space<semaphore_mem>>) src(%arg17 : memref<128x64xf32, #tpu.memory_space<vmem>>) dst(%dma_wait3A_96 : memref<128x64xf32, #tpu.memory_space<vmem_shared>>)
      tpu.yield
    }) : () -> ()
    %add3A_6 = arith.constant 256 : i32
    %add3A_7 = arith.addi %mul3A_2, %add3A_6 : i32
    "tpu.region"() ({
      %run_scoped3A = tpu.sem_alloc : memref<!tpu.dma_semaphore, #tpu.memory_space<semaphore_mem>>
      %dma_start3A_90 = arith.constant 0 : i32
      %dma_start3A_91 = tpu.memref_slice %arg27[%add3A_7, %dma_start3A_90] : memref<10240x64xf32, #tpu.memory_space<vmem_shared>> -> memref<128x64xf32, #tpu.memory_space<vmem_shared>>
      %dma_start3A_92 = arith.constant 0 : i32
      %dma_start3A_93 = tpu.memref_slice %arg27[%add3A_7, %dma_start3A_92] : memref<10240x64xf32, #tpu.memory_space<vmem_shared>> -> memref<128x64xf32, #tpu.memory_space<vmem_shared>>
      tpu.enqueue_dma source(%arg17 : memref<128x64xf32, #tpu.memory_space<vmem>>) target(%dma_start3A_93 : memref<128x64xf32, #tpu.memory_space<vmem_shared>>) target_semaphore(%run_scoped3A : memref<!tpu.dma_semaphore, #tpu.memory_space<semaphore_mem>>)
      %dma_wait3A = arith.constant 0 : i32
      %dma_wait3A_94 = tpu.memref_slice %arg27[%add3A_7, %dma_wait3A] : memref<10240x64xf32, #tpu.memory_space<vmem_shared>> -> memref<128x64xf32, #tpu.memory_space<vmem_shared>>
      %dma_wait3A_95 = arith.constant 0 : i32
      %dma_wait3A_96 = tpu.memref_slice %arg27[%add3A_7, %dma_wait3A_95] : memref<10240x64xf32, #tpu.memory_space<vmem_shared>> -> memref<128x64xf32, #tpu.memory_space<vmem_shared>>
      tpu.wait_dma2 semaphore(%run_scoped3A : memref<!tpu.dma_semaphore, #tpu.memory_space<semaphore_mem>>) src(%arg17 : memref<128x64xf32, #tpu.memory_space<vmem>>) dst(%dma_wait3A_96 : memref<128x64xf32, #tpu.memory_space<vmem_shared>>)
      tpu.yield
    }) : () -> ()
    %add3A_8 = arith.constant 384 : i32
    %add3A_9 = arith.addi %mul3A_2, %add3A_8 : i32
    "tpu.region"() ({
      %run_scoped3A = tpu.sem_alloc : memref<!tpu.dma_semaphore, #tpu.memory_space<semaphore_mem>>
      %dma_start3A_90 = arith.constant 0 : i32
      %dma_start3A_91 = tpu.memref_slice %arg27[%add3A_9, %dma_start3A_90] : memref<10240x64xf32, #tpu.memory_space<vmem_shared>> -> memref<128x64xf32, #tpu.memory_space<vmem_shared>>
      %dma_start3A_92 = arith.constant 0 : i32
      %dma_start3A_93 = tpu.memref_slice %arg27[%add3A_9, %dma_start3A_92] : memref<10240x64xf32, #tpu.memory_space<vmem_shared>> -> memref<128x64xf32, #tpu.memory_space<vmem_shared>>
      tpu.enqueue_dma source(%arg17 : memref<128x64xf32, #tpu.memory_space<vmem>>) target(%dma_start3A_93 : memref<128x64xf32, #tpu.memory_space<vmem_shared>>) target_semaphore(%run_scoped3A : memref<!tpu.dma_semaphore, #tpu.memory_space<semaphore_mem>>)
      %dma_wait3A = arith.constant 0 : i32
      %dma_wait3A_94 = tpu.memref_slice %arg27[%add3A_9, %dma_wait3A] : memref<10240x64xf32, #tpu.memory_space<vmem_shared>> -> memref<128x64xf32, #tpu.memory_space<vmem_shared>>
      %dma_wait3A_95 = arith.constant 0 : i32
      %dma_wait3A_96 = tpu.memref_slice %arg27[%add3A_9, %dma_wait3A_95] : memref<10240x64xf32, #tpu.memory_space<vmem_shared>> -> memref<128x64xf32, #tpu.memory_space<vmem_shared>>
      tpu.wait_dma2 semaphore(%run_scoped3A : memref<!tpu.dma_semaphore, #tpu.memory_space<semaphore_mem>>) src(%arg17 : memref<128x64xf32, #tpu.memory_space<vmem>>) dst(%dma_wait3A_96 : memref<128x64xf32, #tpu.memory_space<vmem_shared>>)
      tpu.yield
    }) : () -> ()
    %add3A_10 = arith.constant 512 : i32
    %add3A_11 = arith.addi %mul3A_2, %add3A_10 : i32
    "tpu.region"() ({
      %run_scoped3A = tpu.sem_alloc : memref<!tpu.dma_semaphore, #tpu.memory_space<semaphore_mem>>
      %dma_start3A_90 = arith.constant 0 : i32
      %dma_start3A_91 = tpu.memref_slice %arg27[%add3A_11, %dma_start3A_90] : memref<10240x64xf32, #tpu.memory_space<vmem_shared>> -> memref<128x64xf32, #tpu.memory_space<vmem_shared>>
      %dma_start3A_92 = arith.constant 0 : i32
      %dma_start3A_93 = tpu.memref_slice %arg27[%add3A_11, %dma_start3A_92] : memref<10240x64xf32, #tpu.memory_space<vmem_shared>> -> memref<128x64xf32, #tpu.memory_space<vmem_shared>>
      tpu.enqueue_dma source(%arg17 : memref<128x64xf32, #tpu.memory_space<vmem>>) target(%dma_start3A_93 : memref<128x64xf32, #tpu.memory_space<vmem_shared>>) target_semaphore(%run_scoped3A : memref<!tpu.dma_semaphore, #tpu.memory_space<semaphore_mem>>)
      %dma_wait3A = arith.constant 0 : i32
      %dma_wait3A_94 = tpu.memref_slice %arg27[%add3A_11, %dma_wait3A] : memref<10240x64xf32, #tpu.memory_space<vmem_shared>> -> memref<128x64xf32, #tpu.memory_space<vmem_shared>>
      %dma_wait3A_95 = arith.constant 0 : i32
      %dma_wait3A_96 = tpu.memref_slice %arg27[%add3A_11, %dma_wait3A_95] : memref<10240x64xf32, #tpu.memory_space<vmem_shared>> -> memref<128x64xf32, #tpu.memory_space<vmem_shared>>
      tpu.wait_dma2 semaphore(%run_scoped3A : memref<!tpu.dma_semaphore, #tpu.memory_space<semaphore_mem>>) src(%arg17 : memref<128x64xf32, #tpu.memory_space<vmem>>) dst(%dma_wait3A_96 : memref<128x64xf32, #tpu.memory_space<vmem_shared>>)
      tpu.yield
    }) : () -> ()
    %barrier3A = arith.constant 0 : index
    tpu.barrier barrier_id(%barrier3A)
    %dma_start3A = arith.constant 0 : i32
    %dma_start3A_12 = arith.constant 0 : i32
    %dma_start3A_13 = arith.constant 0 : i32
    %dma_start3A_14 = arith.constant 0 : i32
    %dma_start3A_15 = tpu.memref_slice %arg9[%dma_start3A_12, %dma_start3A_13, %dma_start3A_14] : memref<2x32x128xi32, #tpu.memory_space<vmem>> -> memref<1x32x128xi32, #tpu.memory_space<vmem>>
    %dma_start3A_16 = tpu.memref_squeeze %dma_start3A_15 : memref<1x32x128xi32, #tpu.memory_space<vmem>> -> memref<32x128xi32, #tpu.memory_space<vmem>>
    %dma_start3A_17 = arith.constant 0 : i32
    %dma_start3A_18 = arith.constant 0 : i32
    %dma_start3A_19 = tpu.memref_slice %arg3[%arg1, %dma_start3A, %dma_start3A_17, %dma_start3A_18] : memref<16x5x32x128xi32, #tpu.memory_space<hbm>> -> memref<1x1x32x128xi32, #tpu.memory_space<hbm>>
    %dma_start3A_20 = tpu.memref_squeeze %dma_start3A_19 : memref<1x1x32x128xi32, #tpu.memory_space<hbm>> -> memref<32x128xi32, #tpu.memory_space<hbm>>
    %dma_start3A_21 = arith.constant 0 : i32
    %dma_start3A_22 = arith.constant 0 : i32
    %dma_start3A_23 = tpu.memref_slice %arg9[%dma_start3A_12, %dma_start3A_21, %dma_start3A_22] : memref<2x32x128xi32, #tpu.memory_space<vmem>> -> memref<1x32x128xi32, #tpu.memory_space<vmem>>
    %dma_start3A_24 = tpu.memref_squeeze %dma_start3A_23 : memref<1x32x128xi32, #tpu.memory_space<vmem>> -> memref<32x128xi32, #tpu.memory_space<vmem>>
    %dma_start3A_25 = arith.constant 0 : i32
    %dma_start3A_26 = arith.constant 0 : i32
    %dma_start3A_27 = tpu.memref_slice %arg3[%arg1, %dma_start3A, %dma_start3A_25, %dma_start3A_26] : memref<16x5x32x128xi32, #tpu.memory_space<hbm>> -> memref<1x1x32x128xi32, #tpu.memory_space<hbm>>
    %dma_start3A_28 = tpu.memref_squeeze %dma_start3A_27 : memref<1x1x32x128xi32, #tpu.memory_space<hbm>> -> memref<32x128xi32, #tpu.memory_space<hbm>>
    tpu.enqueue_dma source(%dma_start3A_28 : memref<32x128xi32, #tpu.memory_space<hbm>>) target(%dma_start3A_24 : memref<32x128xi32, #tpu.memory_space<vmem>>) target_semaphore(%arg25 : memref<!tpu.dma_semaphore, #tpu.memory_space<semaphore_mem>>)
    %dma_start3A_29 = arith.constant 0 : i32
    %dma_start3A_30 = arith.constant 0 : i32
    %dma_start3A_31 = arith.constant 0 : i32
    %dma_start3A_32 = arith.constant 0 : i32
    %dma_start3A_33 = tpu.memref_slice %arg10[%dma_start3A_30, %dma_start3A_31, %dma_start3A_32] : memref<2x32x128xi32, #tpu.memory_space<vmem>> -> memref<1x32x128xi32, #tpu.memory_space<vmem>>
    %dma_start3A_34 = tpu.memref_squeeze %dma_start3A_33 : memref<1x32x128xi32, #tpu.memory_space<vmem>> -> memref<32x128xi32, #tpu.memory_space<vmem>>
    %dma_start3A_35 = arith.constant 0 : i32
    %dma_start3A_36 = arith.constant 0 : i32
    %dma_start3A_37 = tpu.memref_slice %arg4[%arg1, %dma_start3A_29, %dma_start3A_35, %dma_start3A_36] : memref<16x5x32x128xi32, #tpu.memory_space<hbm>> -> memref<1x1x32x128xi32, #tpu.memory_space<hbm>>
    %dma_start3A_38 = tpu.memref_squeeze %dma_start3A_37 : memref<1x1x32x128xi32, #tpu.memory_space<hbm>> -> memref<32x128xi32, #tpu.memory_space<hbm>>
    %dma_start3A_39 = arith.constant 0 : i32
    %dma_start3A_40 = arith.constant 0 : i32
    %dma_start3A_41 = tpu.memref_slice %arg10[%dma_start3A_30, %dma_start3A_39, %dma_start3A_40] : memref<2x32x128xi32, #tpu.memory_space<vmem>> -> memref<1x32x128xi32, #tpu.memory_space<vmem>>
    %dma_start3A_42 = tpu.memref_squeeze %dma_start3A_41 : memref<1x32x128xi32, #tpu.memory_space<vmem>> -> memref<32x128xi32, #tpu.memory_space<vmem>>
    %dma_start3A_43 = arith.constant 0 : i32
    %dma_start3A_44 = arith.constant 0 : i32
    %dma_start3A_45 = tpu.memref_slice %arg4[%arg1, %dma_start3A_29, %dma_start3A_43, %dma_start3A_44] : memref<16x5x32x128xi32, #tpu.memory_space<hbm>> -> memref<1x1x32x128xi32, #tpu.memory_space<hbm>>
    %dma_start3A_46 = tpu.memref_squeeze %dma_start3A_45 : memref<1x1x32x128xi32, #tpu.memory_space<hbm>> -> memref<32x128xi32, #tpu.memory_space<hbm>>
    tpu.enqueue_dma source(%dma_start3A_46 : memref<32x128xi32, #tpu.memory_space<hbm>>) target(%dma_start3A_42 : memref<32x128xi32, #tpu.memory_space<vmem>>) target_semaphore(%arg25 : memref<!tpu.dma_semaphore, #tpu.memory_space<semaphore_mem>>)
    %dma_start3A_47 = arith.constant 0 : i32
    %dma_start3A_48 = arith.constant 0 : i32
    %dma_start3A_49 = arith.constant 0 : i32
    %dma_start3A_50 = arith.constant 0 : i32
    %dma_start3A_51 = tpu.memref_slice %arg11[%dma_start3A_48, %dma_start3A_49, %dma_start3A_50] : memref<2x32x128xf32, #tpu.memory_space<vmem>> -> memref<1x32x128xf32, #tpu.memory_space<vmem>>
    %dma_start3A_52 = tpu.memref_squeeze %dma_start3A_51 : memref<1x32x128xf32, #tpu.memory_space<vmem>> -> memref<32x128xf32, #tpu.memory_space<vmem>>
    %dma_start3A_53 = arith.constant 0 : i32
    %dma_start3A_54 = arith.constant 0 : i32
    %dma_start3A_55 = tpu.memref_slice %arg5[%arg1, %dma_start3A_47, %dma_start3A_53, %dma_start3A_54] : memref<16x5x32x128xf32, #tpu.memory_space<hbm>> -> memref<1x1x32x128xf32, #tpu.memory_space<hbm>>
    %dma_start3A_56 = tpu.memref_squeeze %dma_start3A_55 : memref<1x1x32x128xf32, #tpu.memory_space<hbm>> -> memref<32x128xf32, #tpu.memory_space<hbm>>
    %dma_start3A_57 = arith.constant 0 : i32
    %dma_start3A_58 = arith.constant 0 : i32
    %dma_start3A_59 = tpu.memref_slice %arg11[%dma_start3A_48, %dma_start3A_57, %dma_start3A_58] : memref<2x32x128xf32, #tpu.memory_space<vmem>> -> memref<1x32x128xf32, #tpu.memory_space<vmem>>
    %dma_start3A_60 = tpu.memref_squeeze %dma_start3A_59 : memref<1x32x128xf32, #tpu.memory_space<vmem>> -> memref<32x128xf32, #tpu.memory_space<vmem>>
    %dma_start3A_61 = arith.constant 0 : i32
    %dma_start3A_62 = arith.constant 0 : i32
    %dma_start3A_63 = tpu.memref_slice %arg5[%arg1, %dma_start3A_47, %dma_start3A_61, %dma_start3A_62] : memref<16x5x32x128xf32, #tpu.memory_space<hbm>> -> memref<1x1x32x128xf32, #tpu.memory_space<hbm>>
    %dma_start3A_64 = tpu.memref_squeeze %dma_start3A_63 : memref<1x1x32x128xf32, #tpu.memory_space<hbm>> -> memref<32x128xf32, #tpu.memory_space<hbm>>
    tpu.enqueue_dma source(%dma_start3A_64 : memref<32x128xf32, #tpu.memory_space<hbm>>) target(%dma_start3A_60 : memref<32x128xf32, #tpu.memory_space<vmem>>) target_semaphore(%arg25 : memref<!tpu.dma_semaphore, #tpu.memory_space<semaphore_mem>>)
    %scan3A = arith.constant 0 : i32
    %scan3A_65 = arith.constant 5 : i32
    %scan3A_66 = arith.addi %scan3A, %scan3A_65 : i32
    %scan3A_67 = arith.constant 1 : i32
    scf.for %scan3A_90 = %scan3A to %scan3A_66 step %scan3A_67  : i32 {
      %jit3A = arith.constant 2 : i32
      %eq3A = arith.constant 0 : i32
      %eq3A_91 = arith.cmpi eq, %jit3A, %eq3A : i32
      %jit3A_92 = arith.constant 1 : i32
      %select_n3A = arith.select %eq3A_91, %jit3A_92, %jit3A : i32
      %rem3A = arith.remsi %scan3A_90, %select_n3A : i32
      %ne3A = arith.constant 0 : i32
      %ne3A_93 = arith.cmpi ne, %rem3A, %ne3A : i32
      %lt3A = arith.constant 0 : i32
      %lt3A_94 = arith.cmpi slt, %rem3A, %lt3A : i32
      %lt3A_95 = arith.constant 0 : i32
      %lt3A_96 = arith.cmpi slt, %select_n3A, %lt3A_95 : i32
      %ne3A_97 = arith.xori %lt3A_94, %lt3A_96 : i1
      %and3A = arith.andi %ne3A_97, %ne3A_93 : i1
      %add3A_98 = arith.addi %rem3A, %select_n3A : i32
      %select_n3A_99 = arith.select %and3A, %add3A_98, %rem3A : i32
      %eq3A_100 = arith.constant 0 : i32
      %eq3A_101 = arith.cmpi eq, %select_n3A_99, %eq3A_100 : i32
      %convert_element_type3A = arith.extui %eq3A_101 : i1 to i32
      %cond3A = arith.constant 0 : i32
      %cond3A_102 = arith.cmpi ne, %convert_element_type3A, %cond3A : i32
      scf.if %cond3A_102 {
        %dma_wait3A_159 = arith.constant 0 : i32
        %dma_wait3A_160 = arith.constant 0 : i32
        %dma_wait3A_161 = arith.constant 0 : i32
        %dma_wait3A_162 = tpu.memref_slice %arg9[%dma_wait3A_159, %dma_wait3A_160, %dma_wait3A_161] : memref<2x32x128xi32, #tpu.memory_space<vmem>> -> memref<1x32x128xi32, #tpu.memory_space<vmem>>
        %dma_wait3A_163 = tpu.memref_squeeze %dma_wait3A_162 : memref<1x32x128xi32, #tpu.memory_space<vmem>> -> memref<32x128xi32, #tpu.memory_space<vmem>>
        %dma_wait3A_164 = arith.constant 0 : i32
        %dma_wait3A_165 = arith.constant 0 : i32
        %dma_wait3A_166 = tpu.memref_slice %arg3[%arg1, %scan3A_90, %dma_wait3A_164, %dma_wait3A_165] : memref<16x5x32x128xi32, #tpu.memory_space<hbm>> -> memref<1x1x32x128xi32, #tpu.memory_space<hbm>>
        %dma_wait3A_167 = tpu.memref_squeeze %dma_wait3A_166 : memref<1x1x32x128xi32, #tpu.memory_space<hbm>> -> memref<32x128xi32, #tpu.memory_space<hbm>>
        %dma_wait3A_168 = arith.constant 0 : i32
        %dma_wait3A_169 = arith.constant 0 : i32
        %dma_wait3A_170 = tpu.memref_slice %arg9[%dma_wait3A_159, %dma_wait3A_168, %dma_wait3A_169] : memref<2x32x128xi32, #tpu.memory_space<vmem>> -> memref<1x32x128xi32, #tpu.memory_space<vmem>>
        %dma_wait3A_171 = tpu.memref_squeeze %dma_wait3A_170 : memref<1x32x128xi32, #tpu.memory_space<vmem>> -> memref<32x128xi32, #tpu.memory_space<vmem>>
        %dma_wait3A_172 = arith.constant 0 : i32
        %dma_wait3A_173 = arith.constant 0 : i32
        %dma_wait3A_174 = tpu.memref_slice %arg3[%arg1, %scan3A_90, %dma_wait3A_172, %dma_wait3A_173] : memref<16x5x32x128xi32, #tpu.memory_space<hbm>> -> memref<1x1x32x128xi32, #tpu.memory_space<hbm>>
        %dma_wait3A_175 = tpu.memref_squeeze %dma_wait3A_174 : memref<1x1x32x128xi32, #tpu.memory_space<hbm>> -> memref<32x128xi32, #tpu.memory_space<hbm>>
        tpu.wait_dma2 semaphore(%arg25 : memref<!tpu.dma_semaphore, #tpu.memory_space<semaphore_mem>>) src(%dma_wait3A_175 : memref<32x128xi32, #tpu.memory_space<hbm>>) dst(%dma_wait3A_171 : memref<32x128xi32, #tpu.memory_space<vmem>>)
        %dma_wait3A_176 = arith.constant 0 : i32
        %dma_wait3A_177 = arith.constant 0 : i32
        %dma_wait3A_178 = arith.constant 0 : i32
        %dma_wait3A_179 = tpu.memref_slice %arg10[%dma_wait3A_176, %dma_wait3A_177, %dma_wait3A_178] : memref<2x32x128xi32, #tpu.memory_space<vmem>> -> memref<1x32x128xi32, #tpu.memory_space<vmem>>
        %dma_wait3A_180 = tpu.memref_squeeze %dma_wait3A_179 : memref<1x32x128xi32, #tpu.memory_space<vmem>> -> memref<32x128xi32, #tpu.memory_space<vmem>>
        %dma_wait3A_181 = arith.constant 0 : i32
        %dma_wait3A_182 = arith.constant 0 : i32
        %dma_wait3A_183 = tpu.memref_slice %arg4[%arg1, %scan3A_90, %dma_wait3A_181, %dma_wait3A_182] : memref<16x5x32x128xi32, #tpu.memory_space<hbm>> -> memref<1x1x32x128xi32, #tpu.memory_space<hbm>>
        %dma_wait3A_184 = tpu.memref_squeeze %dma_wait3A_183 : memref<1x1x32x128xi32, #tpu.memory_space<hbm>> -> memref<32x128xi32, #tpu.memory_space<hbm>>
        %dma_wait3A_185 = arith.constant 0 : i32
        %dma_wait3A_186 = arith.constant 0 : i32
        %dma_wait3A_187 = tpu.memref_slice %arg10[%dma_wait3A_176, %dma_wait3A_185, %dma_wait3A_186] : memref<2x32x128xi32, #tpu.memory_space<vmem>> -> memref<1x32x128xi32, #tpu.memory_space<vmem>>
        %dma_wait3A_188 = tpu.memref_squeeze %dma_wait3A_187 : memref<1x32x128xi32, #tpu.memory_space<vmem>> -> memref<32x128xi32, #tpu.memory_space<vmem>>
        %dma_wait3A_189 = arith.constant 0 : i32
        %dma_wait3A_190 = arith.constant 0 : i32
        %dma_wait3A_191 = tpu.memref_slice %arg4[%arg1, %scan3A_90, %dma_wait3A_189, %dma_wait3A_190] : memref<16x5x32x128xi32, #tpu.memory_space<hbm>> -> memref<1x1x32x128xi32, #tpu.memory_space<hbm>>
        %dma_wait3A_192 = tpu.memref_squeeze %dma_wait3A_191 : memref<1x1x32x128xi32, #tpu.memory_space<hbm>> -> memref<32x128xi32, #tpu.memory_space<hbm>>
        tpu.wait_dma2 semaphore(%arg25 : memref<!tpu.dma_semaphore, #tpu.memory_space<semaphore_mem>>) src(%dma_wait3A_192 : memref<32x128xi32, #tpu.memory_space<hbm>>) dst(%dma_wait3A_188 : memref<32x128xi32, #tpu.memory_space<vmem>>)
        %dma_wait3A_193 = arith.constant 0 : i32
        %dma_wait3A_194 = arith.constant 0 : i32
        %dma_wait3A_195 = arith.constant 0 : i32
        %dma_wait3A_196 = tpu.memref_slice %arg11[%dma_wait3A_193, %dma_wait3A_194, %dma_wait3A_195] : memref<2x32x128xf32, #tpu.memory_space<vmem>> -> memref<1x32x128xf32, #tpu.memory_space<vmem>>
        %dma_wait3A_197 = tpu.memref_squeeze %dma_wait3A_196 : memref<1x32x128xf32, #tpu.memory_space<vmem>> -> memref<32x128xf32, #tpu.memory_space<vmem>>
        %dma_wait3A_198 = arith.constant 0 : i32
        %dma_wait3A_199 = arith.constant 0 : i32
        %dma_wait3A_200 = tpu.memref_slice %arg5[%arg1, %scan3A_90, %dma_wait3A_198, %dma_wait3A_199] : memref<16x5x32x128xf32, #tpu.memory_space<hbm>> -> memref<1x1x32x128xf32, #tpu.memory_space<hbm>>
        %dma_wait3A_201 = tpu.memref_squeeze %dma_wait3A_200 : memref<1x1x32x128xf32, #tpu.memory_space<hbm>> -> memref<32x128xf32, #tpu.memory_space<hbm>>
        %dma_wait3A_202 = arith.constant 0 : i32
        %dma_wait3A_203 = arith.constant 0 : i32
        %dma_wait3A_204 = tpu.memref_slice %arg11[%dma_wait3A_193, %dma_wait3A_202, %dma_wait3A_203] : memref<2x32x128xf32, #tpu.memory_space<vmem>> -> memref<1x32x128xf32, #tpu.memory_space<vmem>>
        %dma_wait3A_205 = tpu.memref_squeeze %dma_wait3A_204 : memref<1x32x128xf32, #tpu.memory_space<vmem>> -> memref<32x128xf32, #tpu.memory_space<vmem>>
        %dma_wait3A_206 = arith.constant 0 : i32
        %dma_wait3A_207 = arith.constant 0 : i32
        %dma_wait3A_208 = tpu.memref_slice %arg5[%arg1, %scan3A_90, %dma_wait3A_206, %dma_wait3A_207] : memref<16x5x32x128xf32, #tpu.memory_space<hbm>> -> memref<1x1x32x128xf32, #tpu.memory_space<hbm>>
        %dma_wait3A_209 = tpu.memref_squeeze %dma_wait3A_208 : memref<1x1x32x128xf32, #tpu.memory_space<hbm>> -> memref<32x128xf32, #tpu.memory_space<hbm>>
        tpu.wait_dma2 semaphore(%arg25 : memref<!tpu.dma_semaphore, #tpu.memory_space<semaphore_mem>>) src(%dma_wait3A_209 : memref<32x128xf32, #tpu.memory_space<hbm>>) dst(%dma_wait3A_205 : memref<32x128xf32, #tpu.memory_space<vmem>>)
        %lt3A_210 = arith.constant 4 : i32
        %lt3A_211 = arith.cmpi slt, %scan3A_90, %lt3A_210 : i32
        %convert_element_type3A_212 = arith.extui %lt3A_211 : i1 to i32
        %cond3A_213 = arith.constant 0 : i32
        %cond3A_214 = arith.cmpi ne, %convert_element_type3A_212, %cond3A_213 : i32
        scf.if %cond3A_214 {
          %add3A_215 = arith.constant 1 : i32
          %add3A_216 = arith.addi %scan3A_90, %add3A_215 : i32
          %dma_start3A_217 = arith.constant 1 : i32
          %dma_start3A_218 = arith.constant 0 : i32
          %dma_start3A_219 = arith.constant 0 : i32
          %dma_start3A_220 = tpu.memref_slice %arg9[%dma_start3A_217, %dma_start3A_218, %dma_start3A_219] : memref<2x32x128xi32, #tpu.memory_space<vmem>> -> memref<1x32x128xi32, #tpu.memory_space<vmem>>
          %dma_start3A_221 = tpu.memref_squeeze %dma_start3A_220 : memref<1x32x128xi32, #tpu.memory_space<vmem>> -> memref<32x128xi32, #tpu.memory_space<vmem>>
          %dma_start3A_222 = arith.constant 0 : i32
          %dma_start3A_223 = arith.constant 0 : i32
          %dma_start3A_224 = tpu.memref_slice %arg3[%arg1, %add3A_216, %dma_start3A_222, %dma_start3A_223] : memref<16x5x32x128xi32, #tpu.memory_space<hbm>> -> memref<1x1x32x128xi32, #tpu.memory_space<hbm>>
          %dma_start3A_225 = tpu.memref_squeeze %dma_start3A_224 : memref<1x1x32x128xi32, #tpu.memory_space<hbm>> -> memref<32x128xi32, #tpu.memory_space<hbm>>
          %dma_start3A_226 = arith.constant 0 : i32
          %dma_start3A_227 = arith.constant 0 : i32
          %dma_start3A_228 = tpu.memref_slice %arg9[%dma_start3A_217, %dma_start3A_226, %dma_start3A_227] : memref<2x32x128xi32, #tpu.memory_space<vmem>> -> memref<1x32x128xi32, #tpu.memory_space<vmem>>
          %dma_start3A_229 = tpu.memref_squeeze %dma_start3A_228 : memref<1x32x128xi32, #tpu.memory_space<vmem>> -> memref<32x128xi32, #tpu.memory_space<vmem>>
          %dma_start3A_230 = arith.constant 0 : i32
          %dma_start3A_231 = arith.constant 0 : i32
          %dma_start3A_232 = tpu.memref_slice %arg3[%arg1, %add3A_216, %dma_start3A_230, %dma_start3A_231] : memref<16x5x32x128xi32, #tpu.memory_space<hbm>> -> memref<1x1x32x128xi32, #tpu.memory_space<hbm>>
          %dma_start3A_233 = tpu.memref_squeeze %dma_start3A_232 : memref<1x1x32x128xi32, #tpu.memory_space<hbm>> -> memref<32x128xi32, #tpu.memory_space<hbm>>
          tpu.enqueue_dma source(%dma_start3A_233 : memref<32x128xi32, #tpu.memory_space<hbm>>) target(%dma_start3A_229 : memref<32x128xi32, #tpu.memory_space<vmem>>) target_semaphore(%arg26 : memref<!tpu.dma_semaphore, #tpu.memory_space<semaphore_mem>>)
          %dma_start3A_234 = arith.constant 1 : i32
          %dma_start3A_235 = arith.constant 0 : i32
          %dma_start3A_236 = arith.constant 0 : i32
          %dma_start3A_237 = tpu.memref_slice %arg10[%dma_start3A_234, %dma_start3A_235, %dma_start3A_236] : memref<2x32x128xi32, #tpu.memory_space<vmem>> -> memref<1x32x128xi32, #tpu.memory_space<vmem>>
          %dma_start3A_238 = tpu.memref_squeeze %dma_start3A_237 : memref<1x32x128xi32, #tpu.memory_space<vmem>> -> memref<32x128xi32, #tpu.memory_space<vmem>>
          %dma_start3A_239 = arith.constant 0 : i32
          %dma_start3A_240 = arith.constant 0 : i32
          %dma_start3A_241 = tpu.memref_slice %arg4[%arg1, %add3A_216, %dma_start3A_239, %dma_start3A_240] : memref<16x5x32x128xi32, #tpu.memory_space<hbm>> -> memref<1x1x32x128xi32, #tpu.memory_space<hbm>>
          %dma_start3A_242 = tpu.memref_squeeze %dma_start3A_241 : memref<1x1x32x128xi32, #tpu.memory_space<hbm>> -> memref<32x128xi32, #tpu.memory_space<hbm>>
          %dma_start3A_243 = arith.constant 0 : i32
          %dma_start3A_244 = arith.constant 0 : i32
          %dma_start3A_245 = tpu.memref_slice %arg10[%dma_start3A_234, %dma_start3A_243, %dma_start3A_244] : memref<2x32x128xi32, #tpu.memory_space<vmem>> -> memref<1x32x128xi32, #tpu.memory_space<vmem>>
          %dma_start3A_246 = tpu.memref_squeeze %dma_start3A_245 : memref<1x32x128xi32, #tpu.memory_space<vmem>> -> memref<32x128xi32, #tpu.memory_space<vmem>>
          %dma_start3A_247 = arith.constant 0 : i32
          %dma_start3A_248 = arith.constant 0 : i32
          %dma_start3A_249 = tpu.memref_slice %arg4[%arg1, %add3A_216, %dma_start3A_247, %dma_start3A_248] : memref<16x5x32x128xi32, #tpu.memory_space<hbm>> -> memref<1x1x32x128xi32, #tpu.memory_space<hbm>>
          %dma_start3A_250 = tpu.memref_squeeze %dma_start3A_249 : memref<1x1x32x128xi32, #tpu.memory_space<hbm>> -> memref<32x128xi32, #tpu.memory_space<hbm>>
          tpu.enqueue_dma source(%dma_start3A_250 : memref<32x128xi32, #tpu.memory_space<hbm>>) target(%dma_start3A_246 : memref<32x128xi32, #tpu.memory_space<vmem>>) target_semaphore(%arg26 : memref<!tpu.dma_semaphore, #tpu.memory_space<semaphore_mem>>)
          %dma_start3A_251 = arith.constant 1 : i32
          %dma_start3A_252 = arith.constant 0 : i32
          %dma_start3A_253 = arith.constant 0 : i32
          %dma_start3A_254 = tpu.memref_slice %arg11[%dma_start3A_251, %dma_start3A_252, %dma_start3A_253] : memref<2x32x128xf32, #tpu.memory_space<vmem>> -> memref<1x32x128xf32, #tpu.memory_space<vmem>>
          %dma_start3A_255 = tpu.memref_squeeze %dma_start3A_254 : memref<1x32x128xf32, #tpu.memory_space<vmem>> -> memref<32x128xf32, #tpu.memory_space<vmem>>
          %dma_start3A_256 = arith.constant 0 : i32
          %dma_start3A_257 = arith.constant 0 : i32
          %dma_start3A_258 = tpu.memref_slice %arg5[%arg1, %add3A_216, %dma_start3A_256, %dma_start3A_257] : memref<16x5x32x128xf32, #tpu.memory_space<hbm>> -> memref<1x1x32x128xf32, #tpu.memory_space<hbm>>
          %dma_start3A_259 = tpu.memref_squeeze %dma_start3A_258 : memref<1x1x32x128xf32, #tpu.memory_space<hbm>> -> memref<32x128xf32, #tpu.memory_space<hbm>>
          %dma_start3A_260 = arith.constant 0 : i32
          %dma_start3A_261 = arith.constant 0 : i32
          %dma_start3A_262 = tpu.memref_slice %arg11[%dma_start3A_251, %dma_start3A_260, %dma_start3A_261] : memref<2x32x128xf32, #tpu.memory_space<vmem>> -> memref<1x32x128xf32, #tpu.memory_space<vmem>>
          %dma_start3A_263 = tpu.memref_squeeze %dma_start3A_262 : memref<1x32x128xf32, #tpu.memory_space<vmem>> -> memref<32x128xf32, #tpu.memory_space<vmem>>
          %dma_start3A_264 = arith.constant 0 : i32
          %dma_start3A_265 = arith.constant 0 : i32
          %dma_start3A_266 = tpu.memref_slice %arg5[%arg1, %add3A_216, %dma_start3A_264, %dma_start3A_265] : memref<16x5x32x128xf32, #tpu.memory_space<hbm>> -> memref<1x1x32x128xf32, #tpu.memory_space<hbm>>
          %dma_start3A_267 = tpu.memref_squeeze %dma_start3A_266 : memref<1x1x32x128xf32, #tpu.memory_space<hbm>> -> memref<32x128xf32, #tpu.memory_space<hbm>>
          tpu.enqueue_dma source(%dma_start3A_267 : memref<32x128xf32, #tpu.memory_space<hbm>>) target(%dma_start3A_263 : memref<32x128xf32, #tpu.memory_space<vmem>>) target_semaphore(%arg26 : memref<!tpu.dma_semaphore, #tpu.memory_space<semaphore_mem>>)
        } else {
        }
      } else {
      }
      %eq3A_103 = arith.constant 1 : i32
      %eq3A_104 = arith.cmpi eq, %select_n3A_99, %eq3A_103 : i32
      %convert_element_type3A_105 = arith.extui %eq3A_104 : i1 to i32
      %cond3A_106 = arith.constant 0 : i32
      %cond3A_107 = arith.cmpi ne, %convert_element_type3A_105, %cond3A_106 : i32
      scf.if %cond3A_107 {
        %dma_wait3A_159 = arith.constant 1 : i32
        %dma_wait3A_160 = arith.constant 0 : i32
        %dma_wait3A_161 = arith.constant 0 : i32
        %dma_wait3A_162 = tpu.memref_slice %arg9[%dma_wait3A_159, %dma_wait3A_160, %dma_wait3A_161] : memref<2x32x128xi32, #tpu.memory_space<vmem>> -> memref<1x32x128xi32, #tpu.memory_space<vmem>>
        %dma_wait3A_163 = tpu.memref_squeeze %dma_wait3A_162 : memref<1x32x128xi32, #tpu.memory_space<vmem>> -> memref<32x128xi32, #tpu.memory_space<vmem>>
        %dma_wait3A_164 = arith.constant 0 : i32
        %dma_wait3A_165 = arith.constant 0 : i32
        %dma_wait3A_166 = tpu.memref_slice %arg3[%arg1, %scan3A_90, %dma_wait3A_164, %dma_wait3A_165] : memref<16x5x32x128xi32, #tpu.memory_space<hbm>> -> memref<1x1x32x128xi32, #tpu.memory_space<hbm>>
        %dma_wait3A_167 = tpu.memref_squeeze %dma_wait3A_166 : memref<1x1x32x128xi32, #tpu.memory_space<hbm>> -> memref<32x128xi32, #tpu.memory_space<hbm>>
        %dma_wait3A_168 = arith.constant 0 : i32
        %dma_wait3A_169 = arith.constant 0 : i32
        %dma_wait3A_170 = tpu.memref_slice %arg9[%dma_wait3A_159, %dma_wait3A_168, %dma_wait3A_169] : memref<2x32x128xi32, #tpu.memory_space<vmem>> -> memref<1x32x128xi32, #tpu.memory_space<vmem>>
        %dma_wait3A_171 = tpu.memref_squeeze %dma_wait3A_170 : memref<1x32x128xi32, #tpu.memory_space<vmem>> -> memref<32x128xi32, #tpu.memory_space<vmem>>
        %dma_wait3A_172 = arith.constant 0 : i32
        %dma_wait3A_173 = arith.constant 0 : i32
        %dma_wait3A_174 = tpu.memref_slice %arg3[%arg1, %scan3A_90, %dma_wait3A_172, %dma_wait3A_173] : memref<16x5x32x128xi32, #tpu.memory_space<hbm>> -> memref<1x1x32x128xi32, #tpu.memory_space<hbm>>
        %dma_wait3A_175 = tpu.memref_squeeze %dma_wait3A_174 : memref<1x1x32x128xi32, #tpu.memory_space<hbm>> -> memref<32x128xi32, #tpu.memory_space<hbm>>
        tpu.wait_dma2 semaphore(%arg26 : memref<!tpu.dma_semaphore, #tpu.memory_space<semaphore_mem>>) src(%dma_wait3A_175 : memref<32x128xi32, #tpu.memory_space<hbm>>) dst(%dma_wait3A_171 : memref<32x128xi32, #tpu.memory_space<vmem>>)
        %dma_wait3A_176 = arith.constant 1 : i32
        %dma_wait3A_177 = arith.constant 0 : i32
        %dma_wait3A_178 = arith.constant 0 : i32
        %dma_wait3A_179 = tpu.memref_slice %arg10[%dma_wait3A_176, %dma_wait3A_177, %dma_wait3A_178] : memref<2x32x128xi32, #tpu.memory_space<vmem>> -> memref<1x32x128xi32, #tpu.memory_space<vmem>>
        %dma_wait3A_180 = tpu.memref_squeeze %dma_wait3A_179 : memref<1x32x128xi32, #tpu.memory_space<vmem>> -> memref<32x128xi32, #tpu.memory_space<vmem>>
        %dma_wait3A_181 = arith.constant 0 : i32
        %dma_wait3A_182 = arith.constant 0 : i32
        %dma_wait3A_183 = tpu.memref_slice %arg4[%arg1, %scan3A_90, %dma_wait3A_181, %dma_wait3A_182] : memref<16x5x32x128xi32, #tpu.memory_space<hbm>> -> memref<1x1x32x128xi32, #tpu.memory_space<hbm>>
        %dma_wait3A_184 = tpu.memref_squeeze %dma_wait3A_183 : memref<1x1x32x128xi32, #tpu.memory_space<hbm>> -> memref<32x128xi32, #tpu.memory_space<hbm>>
        %dma_wait3A_185 = arith.constant 0 : i32
        %dma_wait3A_186 = arith.constant 0 : i32
        %dma_wait3A_187 = tpu.memref_slice %arg10[%dma_wait3A_176, %dma_wait3A_185, %dma_wait3A_186] : memref<2x32x128xi32, #tpu.memory_space<vmem>> -> memref<1x32x128xi32, #tpu.memory_space<vmem>>
        %dma_wait3A_188 = tpu.memref_squeeze %dma_wait3A_187 : memref<1x32x128xi32, #tpu.memory_space<vmem>> -> memref<32x128xi32, #tpu.memory_space<vmem>>
        %dma_wait3A_189 = arith.constant 0 : i32
        %dma_wait3A_190 = arith.constant 0 : i32
        %dma_wait3A_191 = tpu.memref_slice %arg4[%arg1, %scan3A_90, %dma_wait3A_189, %dma_wait3A_190] : memref<16x5x32x128xi32, #tpu.memory_space<hbm>> -> memref<1x1x32x128xi32, #tpu.memory_space<hbm>>
        %dma_wait3A_192 = tpu.memref_squeeze %dma_wait3A_191 : memref<1x1x32x128xi32, #tpu.memory_space<hbm>> -> memref<32x128xi32, #tpu.memory_space<hbm>>
        tpu.wait_dma2 semaphore(%arg26 : memref<!tpu.dma_semaphore, #tpu.memory_space<semaphore_mem>>) src(%dma_wait3A_192 : memref<32x128xi32, #tpu.memory_space<hbm>>) dst(%dma_wait3A_188 : memref<32x128xi32, #tpu.memory_space<vmem>>)
        %dma_wait3A_193 = arith.constant 1 : i32
        %dma_wait3A_194 = arith.constant 0 : i32
        %dma_wait3A_195 = arith.constant 0 : i32
        %dma_wait3A_196 = tpu.memref_slice %arg11[%dma_wait3A_193, %dma_wait3A_194, %dma_wait3A_195] : memref<2x32x128xf32, #tpu.memory_space<vmem>> -> memref<1x32x128xf32, #tpu.memory_space<vmem>>
        %dma_wait3A_197 = tpu.memref_squeeze %dma_wait3A_196 : memref<1x32x128xf32, #tpu.memory_space<vmem>> -> memref<32x128xf32, #tpu.memory_space<vmem>>
        %dma_wait3A_198 = arith.constant 0 : i32
        %dma_wait3A_199 = arith.constant 0 : i32
        %dma_wait3A_200 = tpu.memref_slice %arg5[%arg1, %scan3A_90, %dma_wait3A_198, %dma_wait3A_199] : memref<16x5x32x128xf32, #tpu.memory_space<hbm>> -> memref<1x1x32x128xf32, #tpu.memory_space<hbm>>
        %dma_wait3A_201 = tpu.memref_squeeze %dma_wait3A_200 : memref<1x1x32x128xf32, #tpu.memory_space<hbm>> -> memref<32x128xf32, #tpu.memory_space<hbm>>
        %dma_wait3A_202 = arith.constant 0 : i32
        %dma_wait3A_203 = arith.constant 0 : i32
        %dma_wait3A_204 = tpu.memref_slice %arg11[%dma_wait3A_193, %dma_wait3A_202, %dma_wait3A_203] : memref<2x32x128xf32, #tpu.memory_space<vmem>> -> memref<1x32x128xf32, #tpu.memory_space<vmem>>
        %dma_wait3A_205 = tpu.memref_squeeze %dma_wait3A_204 : memref<1x32x128xf32, #tpu.memory_space<vmem>> -> memref<32x128xf32, #tpu.memory_space<vmem>>
        %dma_wait3A_206 = arith.constant 0 : i32
        %dma_wait3A_207 = arith.constant 0 : i32
        %dma_wait3A_208 = tpu.memref_slice %arg5[%arg1, %scan3A_90, %dma_wait3A_206, %dma_wait3A_207] : memref<16x5x32x128xf32, #tpu.memory_space<hbm>> -> memref<1x1x32x128xf32, #tpu.memory_space<hbm>>
        %dma_wait3A_209 = tpu.memref_squeeze %dma_wait3A_208 : memref<1x1x32x128xf32, #tpu.memory_space<hbm>> -> memref<32x128xf32, #tpu.memory_space<hbm>>
        tpu.wait_dma2 semaphore(%arg26 : memref<!tpu.dma_semaphore, #tpu.memory_space<semaphore_mem>>) src(%dma_wait3A_209 : memref<32x128xf32, #tpu.memory_space<hbm>>) dst(%dma_wait3A_205 : memref<32x128xf32, #tpu.memory_space<vmem>>)
        %lt3A_210 = arith.constant 4 : i32
        %lt3A_211 = arith.cmpi slt, %scan3A_90, %lt3A_210 : i32
        %convert_element_type3A_212 = arith.extui %lt3A_211 : i1 to i32
        %cond3A_213 = arith.constant 0 : i32
        %cond3A_214 = arith.cmpi ne, %convert_element_type3A_212, %cond3A_213 : i32
        scf.if %cond3A_214 {
          %add3A_215 = arith.constant 1 : i32
          %add3A_216 = arith.addi %scan3A_90, %add3A_215 : i32
          %dma_start3A_217 = arith.constant 0 : i32
          %dma_start3A_218 = arith.constant 0 : i32
          %dma_start3A_219 = arith.constant 0 : i32
          %dma_start3A_220 = tpu.memref_slice %arg9[%dma_start3A_217, %dma_start3A_218, %dma_start3A_219] : memref<2x32x128xi32, #tpu.memory_space<vmem>> -> memref<1x32x128xi32, #tpu.memory_space<vmem>>
          %dma_start3A_221 = tpu.memref_squeeze %dma_start3A_220 : memref<1x32x128xi32, #tpu.memory_space<vmem>> -> memref<32x128xi32, #tpu.memory_space<vmem>>
          %dma_start3A_222 = arith.constant 0 : i32
          %dma_start3A_223 = arith.constant 0 : i32
          %dma_start3A_224 = tpu.memref_slice %arg3[%arg1, %add3A_216, %dma_start3A_222, %dma_start3A_223] : memref<16x5x32x128xi32, #tpu.memory_space<hbm>> -> memref<1x1x32x128xi32, #tpu.memory_space<hbm>>
          %dma_start3A_225 = tpu.memref_squeeze %dma_start3A_224 : memref<1x1x32x128xi32, #tpu.memory_space<hbm>> -> memref<32x128xi32, #tpu.memory_space<hbm>>
          %dma_start3A_226 = arith.constant 0 : i32
          %dma_start3A_227 = arith.constant 0 : i32
          %dma_start3A_228 = tpu.memref_slice %arg9[%dma_start3A_217, %dma_start3A_226, %dma_start3A_227] : memref<2x32x128xi32, #tpu.memory_space<vmem>> -> memref<1x32x128xi32, #tpu.memory_space<vmem>>
          %dma_start3A_229 = tpu.memref_squeeze %dma_start3A_228 : memref<1x32x128xi32, #tpu.memory_space<vmem>> -> memref<32x128xi32, #tpu.memory_space<vmem>>
          %dma_start3A_230 = arith.constant 0 : i32
          %dma_start3A_231 = arith.constant 0 : i32
          %dma_start3A_232 = tpu.memref_slice %arg3[%arg1, %add3A_216, %dma_start3A_230, %dma_start3A_231] : memref<16x5x32x128xi32, #tpu.memory_space<hbm>> -> memref<1x1x32x128xi32, #tpu.memory_space<hbm>>
          %dma_start3A_233 = tpu.memref_squeeze %dma_start3A_232 : memref<1x1x32x128xi32, #tpu.memory_space<hbm>> -> memref<32x128xi32, #tpu.memory_space<hbm>>
          tpu.enqueue_dma source(%dma_start3A_233 : memref<32x128xi32, #tpu.memory_space<hbm>>) target(%dma_start3A_229 : memref<32x128xi32, #tpu.memory_space<vmem>>) target_semaphore(%arg25 : memref<!tpu.dma_semaphore, #tpu.memory_space<semaphore_mem>>)
          %dma_start3A_234 = arith.constant 0 : i32
          %dma_start3A_235 = arith.constant 0 : i32
          %dma_start3A_236 = arith.constant 0 : i32
          %dma_start3A_237 = tpu.memref_slice %arg10[%dma_start3A_234, %dma_start3A_235, %dma_start3A_236] : memref<2x32x128xi32, #tpu.memory_space<vmem>> -> memref<1x32x128xi32, #tpu.memory_space<vmem>>
          %dma_start3A_238 = tpu.memref_squeeze %dma_start3A_237 : memref<1x32x128xi32, #tpu.memory_space<vmem>> -> memref<32x128xi32, #tpu.memory_space<vmem>>
          %dma_start3A_239 = arith.constant 0 : i32
          %dma_start3A_240 = arith.constant 0 : i32
          %dma_start3A_241 = tpu.memref_slice %arg4[%arg1, %add3A_216, %dma_start3A_239, %dma_start3A_240] : memref<16x5x32x128xi32, #tpu.memory_space<hbm>> -> memref<1x1x32x128xi32, #tpu.memory_space<hbm>>
          %dma_start3A_242 = tpu.memref_squeeze %dma_start3A_241 : memref<1x1x32x128xi32, #tpu.memory_space<hbm>> -> memref<32x128xi32, #tpu.memory_space<hbm>>
          %dma_start3A_243 = arith.constant 0 : i32
          %dma_start3A_244 = arith.constant 0 : i32
          %dma_start3A_245 = tpu.memref_slice %arg10[%dma_start3A_234, %dma_start3A_243, %dma_start3A_244] : memref<2x32x128xi32, #tpu.memory_space<vmem>> -> memref<1x32x128xi32, #tpu.memory_space<vmem>>
          %dma_start3A_246 = tpu.memref_squeeze %dma_start3A_245 : memref<1x32x128xi32, #tpu.memory_space<vmem>> -> memref<32x128xi32, #tpu.memory_space<vmem>>
          %dma_start3A_247 = arith.constant 0 : i32
          %dma_start3A_248 = arith.constant 0 : i32
          %dma_start3A_249 = tpu.memref_slice %arg4[%arg1, %add3A_216, %dma_start3A_247, %dma_start3A_248] : memref<16x5x32x128xi32, #tpu.memory_space<hbm>> -> memref<1x1x32x128xi32, #tpu.memory_space<hbm>>
          %dma_start3A_250 = tpu.memref_squeeze %dma_start3A_249 : memref<1x1x32x128xi32, #tpu.memory_space<hbm>> -> memref<32x128xi32, #tpu.memory_space<hbm>>
          tpu.enqueue_dma source(%dma_start3A_250 : memref<32x128xi32, #tpu.memory_space<hbm>>) target(%dma_start3A_246 : memref<32x128xi32, #tpu.memory_space<vmem>>) target_semaphore(%arg25 : memref<!tpu.dma_semaphore, #tpu.memory_space<semaphore_mem>>)
          %dma_start3A_251 = arith.constant 0 : i32
          %dma_start3A_252 = arith.constant 0 : i32
          %dma_start3A_253 = arith.constant 0 : i32
          %dma_start3A_254 = tpu.memref_slice %arg11[%dma_start3A_251, %dma_start3A_252, %dma_start3A_253] : memref<2x32x128xf32, #tpu.memory_space<vmem>> -> memref<1x32x128xf32, #tpu.memory_space<vmem>>
          %dma_start3A_255 = tpu.memref_squeeze %dma_start3A_254 : memref<1x32x128xf32, #tpu.memory_space<vmem>> -> memref<32x128xf32, #tpu.memory_space<vmem>>
          %dma_start3A_256 = arith.constant 0 : i32
          %dma_start3A_257 = arith.constant 0 : i32
          %dma_start3A_258 = tpu.memref_slice %arg5[%arg1, %add3A_216, %dma_start3A_256, %dma_start3A_257] : memref<16x5x32x128xf32, #tpu.memory_space<hbm>> -> memref<1x1x32x128xf32, #tpu.memory_space<hbm>>
          %dma_start3A_259 = tpu.memref_squeeze %dma_start3A_258 : memref<1x1x32x128xf32, #tpu.memory_space<hbm>> -> memref<32x128xf32, #tpu.memory_space<hbm>>
          %dma_start3A_260 = arith.constant 0 : i32
          %dma_start3A_261 = arith.constant 0 : i32
          %dma_start3A_262 = tpu.memref_slice %arg11[%dma_start3A_251, %dma_start3A_260, %dma_start3A_261] : memref<2x32x128xf32, #tpu.memory_space<vmem>> -> memref<1x32x128xf32, #tpu.memory_space<vmem>>
          %dma_start3A_263 = tpu.memref_squeeze %dma_start3A_262 : memref<1x32x128xf32, #tpu.memory_space<vmem>> -> memref<32x128xf32, #tpu.memory_space<vmem>>
          %dma_start3A_264 = arith.constant 0 : i32
          %dma_start3A_265 = arith.constant 0 : i32
          %dma_start3A_266 = tpu.memref_slice %arg5[%arg1, %add3A_216, %dma_start3A_264, %dma_start3A_265] : memref<16x5x32x128xf32, #tpu.memory_space<hbm>> -> memref<1x1x32x128xf32, #tpu.memory_space<hbm>>
          %dma_start3A_267 = tpu.memref_squeeze %dma_start3A_266 : memref<1x1x32x128xf32, #tpu.memory_space<hbm>> -> memref<32x128xf32, #tpu.memory_space<hbm>>
          tpu.enqueue_dma source(%dma_start3A_267 : memref<32x128xf32, #tpu.memory_space<hbm>>) target(%dma_start3A_263 : memref<32x128xf32, #tpu.memory_space<vmem>>) target_semaphore(%arg25 : memref<!tpu.dma_semaphore, #tpu.memory_space<semaphore_mem>>)
        } else {
        }
      } else {
      }
      %dma_start3A_108 = arith.constant 0 : i32
      %dma_start3A_109 = arith.constant 0 : i32
      %dma_start3A_110 = tpu.memref_slice %arg9[%select_n3A_99, %dma_start3A_108, %dma_start3A_109] : memref<2x32x128xi32, #tpu.memory_space<vmem>> -> memref<1x1x128xi32, #tpu.memory_space<vmem>>
      %dma_start3A_111 = tpu.memref_squeeze %dma_start3A_110 : memref<1x1x128xi32, #tpu.memory_space<vmem>> -> memref<128xi32, #tpu.memory_space<vmem>>
      %dma_start3A_112 = arith.constant 0 : i32
      %dma_start3A_113 = arith.constant 0 : i32
      %dma_start3A_114 = tpu.memref_slice %arg2[%arg0, %dma_start3A_112, %dma_start3A_113] : memref<2x10000x64xbf16, #tpu.memory_space<hbm>> -> memref<1x10000x64xbf16, #tpu.memory_space<hbm>>
      %dma_start3A_115 = tpu.memref_squeeze %dma_start3A_114 : memref<1x10000x64xbf16, #tpu.memory_space<hbm>> -> memref<10000x64xbf16, #tpu.memory_space<hbm>>
      %dma_start3A_116 = arith.constant 0 : i32
      %dma_start3A_117 = arith.constant 0 : i32
      %dma_start3A_118 = tpu.memref_slice %dma_start3A_115[%dma_start3A_116, %dma_start3A_117] : memref<10000x64xbf16, #tpu.memory_space<hbm>> -> memref<10000x64xbf16, #tpu.memory_space<hbm>>
      tpu.enqueue_indirect_dma source(%dma_start3A_118 : memref<10000x64xbf16, #tpu.memory_space<hbm>>) target(%arg13 : memref<128x64xbf16, #tpu.memory_space<vmem>>) offsets(%dma_start3A_111 : memref<128xi32, #tpu.memory_space<vmem>>) semaphore(%arg19 : memref<!tpu.dma_semaphore, #tpu.memory_space<semaphore_mem>>)
      %dma_start3A_119 = arith.constant 1 : i32
      %dma_start3A_120 = arith.constant 0 : i32
      %dma_start3A_121 = tpu.memref_slice %arg9[%select_n3A_99, %dma_start3A_119, %dma_start3A_120] : memref<2x32x128xi32, #tpu.memory_space<vmem>> -> memref<1x1x128xi32, #tpu.memory_space<vmem>>
      %dma_start3A_122 = tpu.memref_squeeze %dma_start3A_121 : memref<1x1x128xi32, #tpu.memory_space<vmem>> -> memref<128xi32, #tpu.memory_space<vmem>>
      %dma_start3A_123 = arith.constant 0 : i32
      %dma_start3A_124 = arith.constant 0 : i32
      %dma_start3A_125 = tpu.memref_slice %arg2[%arg0, %dma_start3A_123, %dma_start3A_124] : memref<2x10000x64xbf16, #tpu.memory_space<hbm>> -> memref<1x10000x64xbf16, #tpu.memory_space<hbm>>
      %dma_start3A_126 = tpu.memref_squeeze %dma_start3A_125 : memref<1x10000x64xbf16, #tpu.memory_space<hbm>> -> memref<10000x64xbf16, #tpu.memory_space<hbm>>
      %dma_start3A_127 = arith.constant 0 : i32
      %dma_start3A_128 = arith.constant 0 : i32
      %dma_start3A_129 = tpu.memref_slice %dma_start3A_126[%dma_start3A_127, %dma_start3A_128] : memref<10000x64xbf16, #tpu.memory_space<hbm>> -> memref<10000x64xbf16, #tpu.memory_space<hbm>>
      tpu.enqueue_indirect_dma source(%dma_start3A_129 : memref<10000x64xbf16, #tpu.memory_space<hbm>>) target(%arg14 : memref<128x64xbf16, #tpu.memory_space<vmem>>) offsets(%dma_start3A_122 : memref<128xi32, #tpu.memory_space<vmem>>) semaphore(%arg20 : memref<!tpu.dma_semaphore, #tpu.memory_space<semaphore_mem>>)
      %dma_start3A_130 = arith.constant 2 : i32
      %dma_start3A_131 = arith.constant 0 : i32
      %dma_start3A_132 = tpu.memref_slice %arg9[%select_n3A_99, %dma_start3A_130, %dma_start3A_131] : memref<2x32x128xi32, #tpu.memory_space<vmem>> -> memref<1x1x128xi32, #tpu.memory_space<vmem>>
      %dma_start3A_133 = tpu.memref_squeeze %dma_start3A_132 : memref<1x1x128xi32, #tpu.memory_space<vmem>> -> memref<128xi32, #tpu.memory_space<vmem>>
      %dma_start3A_134 = arith.constant 0 : i32
      %dma_start3A_135 = arith.constant 0 : i32
      %dma_start3A_136 = tpu.memref_slice %arg2[%arg0, %dma_start3A_134, %dma_start3A_135] : memref<2x10000x64xbf16, #tpu.memory_space<hbm>> -> memref<1x10000x64xbf16, #tpu.memory_space<hbm>>
      %dma_start3A_137 = tpu.memref_squeeze %dma_start3A_136 : memref<1x10000x64xbf16, #tpu.memory_space<hbm>> -> memref<10000x64xbf16, #tpu.memory_space<hbm>>
      %dma_start3A_138 = arith.constant 0 : i32
      %dma_start3A_139 = arith.constant 0 : i32
      %dma_start3A_140 = tpu.memref_slice %dma_start3A_137[%dma_start3A_138, %dma_start3A_139] : memref<10000x64xbf16, #tpu.memory_space<hbm>> -> memref<10000x64xbf16, #tpu.memory_space<hbm>>
      tpu.enqueue_indirect_dma source(%dma_start3A_140 : memref<10000x64xbf16, #tpu.memory_space<hbm>>) target(%arg15 : memref<128x64xbf16, #tpu.memory_space<vmem>>) offsets(%dma_start3A_133 : memref<128xi32, #tpu.memory_space<vmem>>) semaphore(%arg21 : memref<!tpu.dma_semaphore, #tpu.memory_space<semaphore_mem>>)
      %scan3A_141 = arith.constant 0 : i32
      %scan3A_142 = arith.constant 8 : i32
      %scan3A_143 = arith.addi %scan3A_141, %scan3A_142 : i32
      %scan3A_144 = arith.constant 1 : i32
      scf.for %scan3A_159 = %scan3A_141 to %scan3A_143 step %scan3A_144  : i32 {
        %mul3A_160 = arith.constant 4 : i32
        %mul3A_161 = arith.muli %scan3A_159, %mul3A_160 : i32
        %add3A_162 = arith.constant 0 : i32
        %add3A_163 = arith.addi %mul3A_161, %add3A_162 : i32
        %add3A_164 = arith.constant 3 : i32
        %add3A_165 = arith.addi %add3A_163, %add3A_164 : i32
        %lt3A_166 = arith.constant 32 : i32
        %lt3A_167 = arith.cmpi slt, %add3A_165, %lt3A_166 : i32
        %convert_element_type3A_168 = arith.extui %lt3A_167 : i1 to i32
        %cond3A_169 = arith.constant 0 : i32
        %cond3A_170 = arith.cmpi ne, %convert_element_type3A_168, %cond3A_169 : i32
        scf.if %cond3A_170 {
          %add3A_680 = arith.constant 3 : i32
          %add3A_681 = arith.addi %add3A_163, %add3A_680 : i32
          %dma_start3A_682 = arith.constant 0 : i32
          %dma_start3A_683 = tpu.memref_slice %arg9[%select_n3A_99, %add3A_681, %dma_start3A_682] : memref<2x32x128xi32, #tpu.memory_space<vmem>> -> memref<1x1x128xi32, #tpu.memory_space<vmem>>
          %dma_start3A_684 = tpu.memref_squeeze %dma_start3A_683 : memref<1x1x128xi32, #tpu.memory_space<vmem>> -> memref<128xi32, #tpu.memory_space<vmem>>
          %dma_start3A_685 = arith.constant 0 : i32
          %dma_start3A_686 = arith.constant 0 : i32
          %dma_start3A_687 = tpu.memref_slice %arg2[%arg0, %dma_start3A_685, %dma_start3A_686] : memref<2x10000x64xbf16, #tpu.memory_space<hbm>> -> memref<1x10000x64xbf16, #tpu.memory_space<hbm>>
          %dma_start3A_688 = tpu.memref_squeeze %dma_start3A_687 : memref<1x10000x64xbf16, #tpu.memory_space<hbm>> -> memref<10000x64xbf16, #tpu.memory_space<hbm>>
          %dma_start3A_689 = arith.constant 0 : i32
          %dma_start3A_690 = arith.constant 0 : i32
          %dma_start3A_691 = tpu.memref_slice %dma_start3A_688[%dma_start3A_689, %dma_start3A_690] : memref<10000x64xbf16, #tpu.memory_space<hbm>> -> memref<10000x64xbf16, #tpu.memory_space<hbm>>
          tpu.enqueue_indirect_dma source(%dma_start3A_691 : memref<10000x64xbf16, #tpu.memory_space<hbm>>) target(%arg16 : memref<128x64xbf16, #tpu.memory_space<vmem>>) offsets(%dma_start3A_684 : memref<128xi32, #tpu.memory_space<vmem>>) semaphore(%arg22 : memref<!tpu.dma_semaphore, #tpu.memory_space<semaphore_mem>>)
        } else {
        }
        %get3A = arith.index_cast %select_n3A_99 : i32 to index
        %get3A_171 = arith.index_cast %add3A_163 : i32 to index
        %get3A_172 = arith.constant 0 : index
        %get3A_173 = tpu.vector_load %arg9[%get3A, %get3A_171, %get3A_172] {strides = array<i32>} : memref<2x32x128xi32, #tpu.memory_space<vmem>>, vector<16xi32>,
        %get3A_174 = arith.index_cast %select_n3A_99 : i32 to index
        %get3A_175 = arith.index_cast %add3A_163 : i32 to index
        %get3A_176 = arith.constant 0 : index
        %get3A_177 = tpu.vector_load %arg11[%get3A_174, %get3A_175, %get3A_176] {strides = array<i32>} : memref<2x32x128xf32, #tpu.memory_space<vmem>>, vector<16xf32>,
        %gather3A = tpu.vector_load_idx %arg8[%get3A_173] : memref<10240xf32, #tpu.memory_space<vmem>>[vector<16xi32>], vector<16xf32>,
        %mul3A_178 = arith.mulf %get3A_177, %gather3A : vector<16xf32>
        %swap3A = arith.constant 0 : index
        %swap3A_179 = tpu.vector_load %arg12[%swap3A] {strides = array<i32>} : memref<144xf32, #tpu.memory_space<vmem>>, vector<16xf32>,
        tpu.vector_store %arg12[%swap3A], %mul3A_178 {strides = array<i32>} : memref<144xf32, #tpu.memory_space<vmem>>, vector<16xf32>,
        %get3A_180 = arith.index_cast %select_n3A_99 : i32 to index
        %get3A_181 = arith.index_cast %add3A_163 : i32 to index
        %get3A_182 = arith.constant 16 : index
        %get3A_183 = tpu.vector_load %arg9[%get3A_180, %get3A_181, %get3A_182] {strides = array<i32>} : memref<2x32x128xi32, #tpu.memory_space<vmem>>, vector<16xi32>,
        %get3A_184 = arith.index_cast %select_n3A_99 : i32 to index
        %get3A_185 = arith.index_cast %add3A_163 : i32 to index
        %get3A_186 = arith.constant 16 : index
        %get3A_187 = tpu.vector_load %arg11[%get3A_184, %get3A_185, %get3A_186] {strides = array<i32>} : memref<2x32x128xf32, #tpu.memory_space<vmem>>, vector<16xf32>,
        %gather3A_188 = tpu.vector_load_idx %arg8[%get3A_183] : memref<10240xf32, #tpu.memory_space<vmem>>[vector<16xi32>], vector<16xf32>,
        %mul3A_189 = arith.mulf %get3A_187, %gather3A_188 : vector<16xf32>
        %swap3A_190 = arith.constant 16 : index
        %swap3A_191 = tpu.vector_load %arg12[%swap3A_190] {strides = array<i32>} : memref<144xf32, #tpu.memory_space<vmem>>, vector<16xf32>,
        tpu.vector_store %arg12[%swap3A_190], %mul3A_189 {strides = array<i32>} : memref<144xf32, #tpu.memory_space<vmem>>, vector<16xf32>,
        %get3A_192 = arith.index_cast %select_n3A_99 : i32 to index
        %get3A_193 = arith.index_cast %add3A_163 : i32 to index
        %get3A_194 = arith.constant 32 : index
        %get3A_195 = tpu.vector_load %arg9[%get3A_192, %get3A_193, %get3A_194] {strides = array<i32>} : memref<2x32x128xi32, #tpu.memory_space<vmem>>, vector<16xi32>,
        %get3A_196 = arith.index_cast %select_n3A_99 : i32 to index
        %get3A_197 = arith.index_cast %add3A_163 : i32 to index
        %get3A_198 = arith.constant 32 : index
        %get3A_199 = tpu.vector_load %arg11[%get3A_196, %get3A_197, %get3A_198] {strides = array<i32>} : memref<2x32x128xf32, #tpu.memory_space<vmem>>, vector<16xf32>,
        %gather3A_200 = tpu.vector_load_idx %arg8[%get3A_195] : memref<10240xf32, #tpu.memory_space<vmem>>[vector<16xi32>], vector<16xf32>,
        %mul3A_201 = arith.mulf %get3A_199, %gather3A_200 : vector<16xf32>
        %swap3A_202 = arith.constant 32 : index
        %swap3A_203 = tpu.vector_load %arg12[%swap3A_202] {strides = array<i32>} : memref<144xf32, #tpu.memory_space<vmem>>, vector<16xf32>,
        tpu.vector_store %arg12[%swap3A_202], %mul3A_201 {strides = array<i32>} : memref<144xf32, #tpu.memory_space<vmem>>, vector<16xf32>,
        %get3A_204 = arith.index_cast %select_n3A_99 : i32 to index
        %get3A_205 = arith.index_cast %add3A_163 : i32 to index
        %get3A_206 = arith.constant 48 : index
        %get3A_207 = tpu.vector_load %arg9[%get3A_204, %get3A_205, %get3A_206] {strides = array<i32>} : memref<2x32x128xi32, #tpu.memory_space<vmem>>, vector<16xi32>,
        %get3A_208 = arith.index_cast %select_n3A_99 : i32 to index
        %get3A_209 = arith.index_cast %add3A_163 : i32 to index
        %get3A_210 = arith.constant 48 : index
        %get3A_211 = tpu.vector_load %arg11[%get3A_208, %get3A_209, %get3A_210] {strides = array<i32>} : memref<2x32x128xf32, #tpu.memory_space<vmem>>, vector<16xf32>,
        %gather3A_212 = tpu.vector_load_idx %arg8[%get3A_207] : memref<10240xf32, #tpu.memory_space<vmem>>[vector<16xi32>], vector<16xf32>,
        %mul3A_213 = arith.mulf %get3A_211, %gather3A_212 : vector<16xf32>
        %swap3A_214 = arith.constant 48 : index
        %swap3A_215 = tpu.vector_load %arg12[%swap3A_214] {strides = array<i32>} : memref<144xf32, #tpu.memory_space<vmem>>, vector<16xf32>,
        tpu.vector_store %arg12[%swap3A_214], %mul3A_213 {strides = array<i32>} : memref<144xf32, #tpu.memory_space<vmem>>, vector<16xf32>,
        %get3A_216 = arith.index_cast %select_n3A_99 : i32 to index
        %get3A_217 = arith.index_cast %add3A_163 : i32 to index
        %get3A_218 = arith.constant 64 : index
        %get3A_219 = tpu.vector_load %arg9[%get3A_216, %get3A_217, %get3A_218] {strides = array<i32>} : memref<2x32x128xi32, #tpu.memory_space<vmem>>, vector<16xi32>,
        %get3A_220 = arith.index_cast %select_n3A_99 : i32 to index
        %get3A_221 = arith.index_cast %add3A_163 : i32 to index
        %get3A_222 = arith.constant 64 : index
        %get3A_223 = tpu.vector_load %arg11[%get3A_220, %get3A_221, %get3A_222] {strides = array<i32>} : memref<2x32x128xf32, #tpu.memory_space<vmem>>, vector<16xf32>,
        %gather3A_224 = tpu.vector_load_idx %arg8[%get3A_219] : memref<10240xf32, #tpu.memory_space<vmem>>[vector<16xi32>], vector<16xf32>,
        %mul3A_225 = arith.mulf %get3A_223, %gather3A_224 : vector<16xf32>
        %swap3A_226 = arith.constant 64 : index
        %swap3A_227 = tpu.vector_load %arg12[%swap3A_226] {strides = array<i32>} : memref<144xf32, #tpu.memory_space<vmem>>, vector<16xf32>,
        tpu.vector_store %arg12[%swap3A_226], %mul3A_225 {strides = array<i32>} : memref<144xf32, #tpu.memory_space<vmem>>, vector<16xf32>,
        %get3A_228 = arith.index_cast %select_n3A_99 : i32 to index
        %get3A_229 = arith.index_cast %add3A_163 : i32 to index
        %get3A_230 = arith.constant 80 : index
        %get3A_231 = tpu.vector_load %arg9[%get3A_228, %get3A_229, %get3A_230] {strides = array<i32>} : memref<2x32x128xi32, #tpu.memory_space<vmem>>, vector<16xi32>,
        %get3A_232 = arith.index_cast %select_n3A_99 : i32 to index
        %get3A_233 = arith.index_cast %add3A_163 : i32 to index
        %get3A_234 = arith.constant 80 : index
        %get3A_235 = tpu.vector_load %arg11[%get3A_232, %get3A_233, %get3A_234] {strides = array<i32>} : memref<2x32x128xf32, #tpu.memory_space<vmem>>, vector<16xf32>,
        %gather3A_236 = tpu.vector_load_idx %arg8[%get3A_231] : memref<10240xf32, #tpu.memory_space<vmem>>[vector<16xi32>], vector<16xf32>,
        %mul3A_237 = arith.mulf %get3A_235, %gather3A_236 : vector<16xf32>
        %swap3A_238 = arith.constant 80 : index
        %swap3A_239 = tpu.vector_load %arg12[%swap3A_238] {strides = array<i32>} : memref<144xf32, #tpu.memory_space<vmem>>, vector<16xf32>,
        tpu.vector_store %arg12[%swap3A_238], %mul3A_237 {strides = array<i32>} : memref<144xf32, #tpu.memory_space<vmem>>, vector<16xf32>,
        %get3A_240 = arith.index_cast %select_n3A_99 : i32 to index
        %get3A_241 = arith.index_cast %add3A_163 : i32 to index
        %get3A_242 = arith.constant 96 : index
        %get3A_243 = tpu.vector_load %arg9[%get3A_240, %get3A_241, %get3A_242] {strides = array<i32>} : memref<2x32x128xi32, #tpu.memory_space<vmem>>, vector<16xi32>,
        %get3A_244 = arith.index_cast %select_n3A_99 : i32 to index
        %get3A_245 = arith.index_cast %add3A_163 : i32 to index
        %get3A_246 = arith.constant 96 : index
        %get3A_247 = tpu.vector_load %arg11[%get3A_244, %get3A_245, %get3A_246] {strides = array<i32>} : memref<2x32x128xf32, #tpu.memory_space<vmem>>, vector<16xf32>,
        %gather3A_248 = tpu.vector_load_idx %arg8[%get3A_243] : memref<10240xf32, #tpu.memory_space<vmem>>[vector<16xi32>], vector<16xf32>,
        %mul3A_249 = arith.mulf %get3A_247, %gather3A_248 : vector<16xf32>
        %swap3A_250 = arith.constant 96 : index
        %swap3A_251 = tpu.vector_load %arg12[%swap3A_250] {strides = array<i32>} : memref<144xf32, #tpu.memory_space<vmem>>, vector<16xf32>,
        tpu.vector_store %arg12[%swap3A_250], %mul3A_249 {strides = array<i32>} : memref<144xf32, #tpu.memory_space<vmem>>, vector<16xf32>,
        %get3A_252 = arith.index_cast %select_n3A_99 : i32 to index
        %get3A_253 = arith.index_cast %add3A_163 : i32 to index
        %get3A_254 = arith.constant 112 : index
        %get3A_255 = tpu.vector_load %arg9[%get3A_252, %get3A_253, %get3A_254] {strides = array<i32>} : memref<2x32x128xi32, #tpu.memory_space<vmem>>, vector<16xi32>,
        %get3A_256 = arith.index_cast %select_n3A_99 : i32 to index
        %get3A_257 = arith.index_cast %add3A_163 : i32 to index
        %get3A_258 = arith.constant 112 : index
        %get3A_259 = tpu.vector_load %arg11[%get3A_256, %get3A_257, %get3A_258] {strides = array<i32>} : memref<2x32x128xf32, #tpu.memory_space<vmem>>, vector<16xf32>,
        %gather3A_260 = tpu.vector_load_idx %arg8[%get3A_255] : memref<10240xf32, #tpu.memory_space<vmem>>[vector<16xi32>], vector<16xf32>,
        %mul3A_261 = arith.mulf %get3A_259, %gather3A_260 : vector<16xf32>
        %swap3A_262 = arith.constant 112 : index
        %swap3A_263 = tpu.vector_load %arg12[%swap3A_262] {strides = array<i32>} : memref<144xf32, #tpu.memory_space<vmem>>, vector<16xf32>,
        tpu.vector_store %arg12[%swap3A_262], %mul3A_261 {strides = array<i32>} : memref<144xf32, #tpu.memory_space<vmem>>, vector<16xf32>,
        %dma_wait3A_264 = arith.constant 0 : i32
        %dma_wait3A_265 = tpu.memref_slice %arg9[%select_n3A_99, %add3A_163, %dma_wait3A_264] : memref<2x32x128xi32, #tpu.memory_space<vmem>> -> memref<1x1x128xi32, #tpu.memory_space<vmem>>
        %dma_wait3A_266 = tpu.memref_squeeze %dma_wait3A_265 : memref<1x1x128xi32, #tpu.memory_space<vmem>> -> memref<128xi32, #tpu.memory_space<vmem>>
        %dma_wait3A_267 = arith.constant 0 : i32
        %dma_wait3A_268 = arith.constant 0 : i32
        %dma_wait3A_269 = tpu.memref_slice %arg2[%arg0, %dma_wait3A_267, %dma_wait3A_268] : memref<2x10000x64xbf16, #tpu.memory_space<hbm>> -> memref<1x10000x64xbf16, #tpu.memory_space<hbm>>
        %dma_wait3A_270 = tpu.memref_squeeze %dma_wait3A_269 : memref<1x10000x64xbf16, #tpu.memory_space<hbm>> -> memref<10000x64xbf16, #tpu.memory_space<hbm>>
        %dma_wait3A_271 = arith.constant 0 : i32
        %dma_wait3A_272 = arith.constant 0 : i32
        %dma_wait3A_273 = tpu.memref_slice %dma_wait3A_270[%dma_wait3A_271, %dma_wait3A_272] : memref<10000x64xbf16, #tpu.memory_space<hbm>> -> memref<10000x64xbf16, #tpu.memory_space<hbm>>
        tpu.wait_indirect_dma semaphore(%arg19 : memref<!tpu.dma_semaphore, #tpu.memory_space<semaphore_mem>>) src(%dma_wait3A_273 : memref<10000x64xbf16, #tpu.memory_space<hbm>>) dst(%arg13 : memref<128x64xbf16, #tpu.memory_space<vmem>>)
        %ge3A = arith.constant 2 : i32
        %ge3A_274 = arith.cmpi sge, %add3A_163, %ge3A : i32
        %convert_element_type3A_275 = arith.extui %ge3A_274 : i1 to i32
        %cond3A_276 = arith.constant 0 : i32
        %cond3A_277 = arith.cmpi ne, %convert_element_type3A_275, %cond3A_276 : i32
        scf.if %cond3A_277 {
          %sub3A = arith.constant 2 : i32
          %sub3A_680 = arith.subi %add3A_163, %sub3A : i32
          %dma_wait3A_681 = arith.constant 0 : i32
          %dma_wait3A_682 = tpu.memref_slice %arg10[%select_n3A_99, %sub3A_680, %dma_wait3A_681] : memref<2x32x128xi32, #tpu.memory_space<vmem>> -> memref<1x1x128xi32, #tpu.memory_space<vmem>>
          %dma_wait3A_683 = tpu.memref_squeeze %dma_wait3A_682 : memref<1x1x128xi32, #tpu.memory_space<vmem>> -> memref<128xi32, #tpu.memory_space<vmem>>
          %dma_wait3A_684 = arith.constant 0 : i32
          %dma_wait3A_685 = arith.constant 0 : i32
          %dma_wait3A_686 = tpu.memref_slice %arg27[%dma_wait3A_684, %dma_wait3A_685] : memref<10240x64xf32, #tpu.memory_space<vmem_shared>> -> memref<10240x64xf32, #tpu.memory_space<vmem_shared>>
          tpu.wait_indirect_dma semaphore(%arg23 : memref<!tpu.dma_semaphore, #tpu.memory_space<semaphore_mem>>) src(%arg17 : memref<128x64xf32, #tpu.memory_space<vmem>>) dst(%dma_wait3A_686 : memref<10240x64xf32, #tpu.memory_space<vmem_shared>>)
        } else {
        }
        %parallel_loop3A_278 = arith.constant 0 : i32
        %parallel_loop3A_279 = arith.constant 128 : i32
        %parallel_loop3A_280 = arith.constant 1 : i32
        scf.for %parallel_loop3A_680 = %parallel_loop3A_278 to %parallel_loop3A_279 step %parallel_loop3A_280  : i32 {
          %parallel_loop3A_681 = arith.index_cast %parallel_loop3A_680 : i32 to index
          %parallel_loop3A_682 = tpu.vector_load %arg12[%parallel_loop3A_681] {strides = array<i32>} : memref<144xf32, #tpu.memory_space<vmem>>, vector<16xf32>,
          %parallel_loop3A_683 = vector.extract_strided_slice %parallel_loop3A_682 {offsets = [0], sizes = [1], strides = [1]} : vector<16xf32> to vector<1xf32>
          %parallel_loop3A_684 = vector.extract %parallel_loop3A_683[0] : f32 from vector<1xf32>
          %parallel_loop3A_685 = vector.broadcast %parallel_loop3A_684 : f32 to vector<16xf32>
          %parallel_loop3A_686 = arith.index_cast %parallel_loop3A_680 : i32 to index
          %parallel_loop3A_687 = arith.constant 0 : index
          %parallel_loop3A_688 = tpu.vector_load %arg13[%parallel_loop3A_686, %parallel_loop3A_687] {strides = array<i32>} : memref<128x64xbf16, #tpu.memory_space<vmem>>, vector<32xbf16>,
          %parallel_loop3A_689 = tpu.unpack_subelements %parallel_loop3A_688, 0 {pack_format = #tpu.pack_format<interleaved>} : vector<32xbf16> -> vector<16xf32>
          %parallel_loop3A_690 = tpu.unpack_subelements %parallel_loop3A_688, 1 {pack_format = #tpu.pack_format<interleaved>} : vector<32xbf16> -> vector<16xf32>
          %parallel_loop3A_691 = arith.mulf %parallel_loop3A_689, %parallel_loop3A_685 : vector<16xf32>
          %parallel_loop3A_692 = arith.index_cast %parallel_loop3A_680 : i32 to index
          %parallel_loop3A_693 = arith.constant 0 : index
          %parallel_loop3A_694 = tpu.vector_load %arg17[%parallel_loop3A_692, %parallel_loop3A_693] {strides = array<i32>} : memref<128x64xf32, #tpu.memory_space<vmem>>, vector<16xf32>,
          tpu.vector_store %arg17[%parallel_loop3A_692, %parallel_loop3A_693], %parallel_loop3A_691 {strides = array<i32>} : memref<128x64xf32, #tpu.memory_space<vmem>>, vector<16xf32>,
          %parallel_loop3A_695 = arith.mulf %parallel_loop3A_690, %parallel_loop3A_685 : vector<16xf32>
          %parallel_loop3A_696 = arith.index_cast %parallel_loop3A_680 : i32 to index
          %parallel_loop3A_697 = arith.constant 16 : index
          %parallel_loop3A_698 = tpu.vector_load %arg17[%parallel_loop3A_696, %parallel_loop3A_697] {strides = array<i32>} : memref<128x64xf32, #tpu.memory_space<vmem>>, vector<16xf32>,
          tpu.vector_store %arg17[%parallel_loop3A_696, %parallel_loop3A_697], %parallel_loop3A_695 {strides = array<i32>} : memref<128x64xf32, #tpu.memory_space<vmem>>, vector<16xf32>,
          %parallel_loop3A_699 = arith.index_cast %parallel_loop3A_680 : i32 to index
          %parallel_loop3A_700 = arith.constant 32 : index
          %parallel_loop3A_701 = tpu.vector_load %arg13[%parallel_loop3A_699, %parallel_loop3A_700] {strides = array<i32>} : memref<128x64xbf16, #tpu.memory_space<vmem>>, vector<32xbf16>,
          %parallel_loop3A_702 = tpu.unpack_subelements %parallel_loop3A_701, 0 {pack_format = #tpu.pack_format<interleaved>} : vector<32xbf16> -> vector<16xf32>
          %parallel_loop3A_703 = tpu.unpack_subelements %parallel_loop3A_701, 1 {pack_format = #tpu.pack_format<interleaved>} : vector<32xbf16> -> vector<16xf32>
          %parallel_loop3A_704 = arith.mulf %parallel_loop3A_702, %parallel_loop3A_685 : vector<16xf32>
          %parallel_loop3A_705 = arith.index_cast %parallel_loop3A_680 : i32 to index
          %parallel_loop3A_706 = arith.constant 32 : index
          %parallel_loop3A_707 = tpu.vector_load %arg17[%parallel_loop3A_705, %parallel_loop3A_706] {strides = array<i32>} : memref<128x64xf32, #tpu.memory_space<vmem>>, vector<16xf32>,
          tpu.vector_store %arg17[%parallel_loop3A_705, %parallel_loop3A_706], %parallel_loop3A_704 {strides = array<i32>} : memref<128x64xf32, #tpu.memory_space<vmem>>, vector<16xf32>,
          %parallel_loop3A_708 = arith.mulf %parallel_loop3A_703, %parallel_loop3A_685 : vector<16xf32>
          %parallel_loop3A_709 = arith.index_cast %parallel_loop3A_680 : i32 to index
          %parallel_loop3A_710 = arith.constant 48 : index
          %parallel_loop3A_711 = tpu.vector_load %arg17[%parallel_loop3A_709, %parallel_loop3A_710] {strides = array<i32>} : memref<128x64xf32, #tpu.memory_space<vmem>>, vector<16xf32>,
          tpu.vector_store %arg17[%parallel_loop3A_709, %parallel_loop3A_710], %parallel_loop3A_708 {strides = array<i32>} : memref<128x64xf32, #tpu.memory_space<vmem>>, vector<16xf32>,
        } {sc.loop_unroll_factor = 4 : i64, sc.parallel_access}
        %dma_start3A_281 = arith.constant 0 : i32
        %dma_start3A_282 = tpu.memref_slice %arg10[%select_n3A_99, %add3A_163, %dma_start3A_281] : memref<2x32x128xi32, #tpu.memory_space<vmem>> -> memref<1x1x128xi32, #tpu.memory_space<vmem>>
        %dma_start3A_283 = tpu.memref_squeeze %dma_start3A_282 : memref<1x1x128xi32, #tpu.memory_space<vmem>> -> memref<128xi32, #tpu.memory_space<vmem>>
        %dma_start3A_284 = arith.constant 0 : i32
        %dma_start3A_285 = arith.constant 0 : i32
        %dma_start3A_286 = tpu.memref_slice %arg27[%dma_start3A_284, %dma_start3A_285] : memref<10240x64xf32, #tpu.memory_space<vmem_shared>> -> memref<10240x64xf32, #tpu.memory_space<vmem_shared>>
        tpu.enqueue_indirect_dma source(%arg17 : memref<128x64xf32, #tpu.memory_space<vmem>>) target(%dma_start3A_286 : memref<10240x64xf32, #tpu.memory_space<vmem_shared>>) offsets(%dma_start3A_283 : memref<128xi32, #tpu.memory_space<vmem>>) semaphore(%arg23 : memref<!tpu.dma_semaphore, #tpu.memory_space<semaphore_mem>>) {add = true}
        %mul3A_287 = arith.constant 4 : i32
        %mul3A_288 = arith.muli %scan3A_159, %mul3A_287 : i32
        %add3A_289 = arith.constant 1 : i32
        %add3A_290 = arith.addi %mul3A_288, %add3A_289 : i32
        %add3A_291 = arith.constant 3 : i32
        %add3A_292 = arith.addi %add3A_290, %add3A_291 : i32
        %lt3A_293 = arith.constant 32 : i32
        %lt3A_294 = arith.cmpi slt, %add3A_292, %lt3A_293 : i32
        %convert_element_type3A_295 = arith.extui %lt3A_294 : i1 to i32
        %cond3A_296 = arith.constant 0 : i32
        %cond3A_297 = arith.cmpi ne, %convert_element_type3A_295, %cond3A_296 : i32
        scf.if %cond3A_297 {
          %add3A_680 = arith.constant 3 : i32
          %add3A_681 = arith.addi %add3A_290, %add3A_680 : i32
          %dma_start3A_682 = arith.constant 0 : i32
          %dma_start3A_683 = tpu.memref_slice %arg9[%select_n3A_99, %add3A_681, %dma_start3A_682] : memref<2x32x128xi32, #tpu.memory_space<vmem>> -> memref<1x1x128xi32, #tpu.memory_space<vmem>>
          %dma_start3A_684 = tpu.memref_squeeze %dma_start3A_683 : memref<1x1x128xi32, #tpu.memory_space<vmem>> -> memref<128xi32, #tpu.memory_space<vmem>>
          %dma_start3A_685 = arith.constant 0 : i32
          %dma_start3A_686 = arith.constant 0 : i32
          %dma_start3A_687 = tpu.memref_slice %arg2[%arg0, %dma_start3A_685, %dma_start3A_686] : memref<2x10000x64xbf16, #tpu.memory_space<hbm>> -> memref<1x10000x64xbf16, #tpu.memory_space<hbm>>
          %dma_start3A_688 = tpu.memref_squeeze %dma_start3A_687 : memref<1x10000x64xbf16, #tpu.memory_space<hbm>> -> memref<10000x64xbf16, #tpu.memory_space<hbm>>
          %dma_start3A_689 = arith.constant 0 : i32
          %dma_start3A_690 = arith.constant 0 : i32
          %dma_start3A_691 = tpu.memref_slice %dma_start3A_688[%dma_start3A_689, %dma_start3A_690] : memref<10000x64xbf16, #tpu.memory_space<hbm>> -> memref<10000x64xbf16, #tpu.memory_space<hbm>>
          tpu.enqueue_indirect_dma source(%dma_start3A_691 : memref<10000x64xbf16, #tpu.memory_space<hbm>>) target(%arg13 : memref<128x64xbf16, #tpu.memory_space<vmem>>) offsets(%dma_start3A_684 : memref<128xi32, #tpu.memory_space<vmem>>) semaphore(%arg19 : memref<!tpu.dma_semaphore, #tpu.memory_space<semaphore_mem>>)
        } else {
        }
        %get3A_298 = arith.index_cast %select_n3A_99 : i32 to index
        %get3A_299 = arith.index_cast %add3A_290 : i32 to index
        %get3A_300 = arith.constant 0 : index
        %get3A_301 = tpu.vector_load %arg9[%get3A_298, %get3A_299, %get3A_300] {strides = array<i32>} : memref<2x32x128xi32, #tpu.memory_space<vmem>>, vector<16xi32>,
        %get3A_302 = arith.index_cast %select_n3A_99 : i32 to index
        %get3A_303 = arith.index_cast %add3A_290 : i32 to index
        %get3A_304 = arith.constant 0 : index
        %get3A_305 = tpu.vector_load %arg11[%get3A_302, %get3A_303, %get3A_304] {strides = array<i32>} : memref<2x32x128xf32, #tpu.memory_space<vmem>>, vector<16xf32>,
        %gather3A_306 = tpu.vector_load_idx %arg8[%get3A_301] : memref<10240xf32, #tpu.memory_space<vmem>>[vector<16xi32>], vector<16xf32>,
        %mul3A_307 = arith.mulf %get3A_305, %gather3A_306 : vector<16xf32>
        %swap3A_308 = arith.constant 0 : index
        %swap3A_309 = tpu.vector_load %arg12[%swap3A_308] {strides = array<i32>} : memref<144xf32, #tpu.memory_space<vmem>>, vector<16xf32>,
        tpu.vector_store %arg12[%swap3A_308], %mul3A_307 {strides = array<i32>} : memref<144xf32, #tpu.memory_space<vmem>>, vector<16xf32>,
        %get3A_310 = arith.index_cast %select_n3A_99 : i32 to index
        %get3A_311 = arith.index_cast %add3A_290 : i32 to index
        %get3A_312 = arith.constant 16 : index
        %get3A_313 = tpu.vector_load %arg9[%get3A_310, %get3A_311, %get3A_312] {strides = array<i32>} : memref<2x32x128xi32, #tpu.memory_space<vmem>>, vector<16xi32>,
        %get3A_314 = arith.index_cast %select_n3A_99 : i32 to index
        %get3A_315 = arith.index_cast %add3A_290 : i32 to index
        %get3A_316 = arith.constant 16 : index
        %get3A_317 = tpu.vector_load %arg11[%get3A_314, %get3A_315, %get3A_316] {strides = array<i32>} : memref<2x32x128xf32, #tpu.memory_space<vmem>>, vector<16xf32>,
        %gather3A_318 = tpu.vector_load_idx %arg8[%get3A_313] : memref<10240xf32, #tpu.memory_space<vmem>>[vector<16xi32>], vector<16xf32>,
        %mul3A_319 = arith.mulf %get3A_317, %gather3A_318 : vector<16xf32>
        %swap3A_320 = arith.constant 16 : index
        %swap3A_321 = tpu.vector_load %arg12[%swap3A_320] {strides = array<i32>} : memref<144xf32, #tpu.memory_space<vmem>>, vector<16xf32>,
        tpu.vector_store %arg12[%swap3A_320], %mul3A_319 {strides = array<i32>} : memref<144xf32, #tpu.memory_space<vmem>>, vector<16xf32>,
        %get3A_322 = arith.index_cast %select_n3A_99 : i32 to index
        %get3A_323 = arith.index_cast %add3A_290 : i32 to index
        %get3A_324 = arith.constant 32 : index
        %get3A_325 = tpu.vector_load %arg9[%get3A_322, %get3A_323, %get3A_324] {strides = array<i32>} : memref<2x32x128xi32, #tpu.memory_space<vmem>>, vector<16xi32>,
        %get3A_326 = arith.index_cast %select_n3A_99 : i32 to index
        %get3A_327 = arith.index_cast %add3A_290 : i32 to index
        %get3A_328 = arith.constant 32 : index
        %get3A_329 = tpu.vector_load %arg11[%get3A_326, %get3A_327, %get3A_328] {strides = array<i32>} : memref<2x32x128xf32, #tpu.memory_space<vmem>>, vector<16xf32>,
        %gather3A_330 = tpu.vector_load_idx %arg8[%get3A_325] : memref<10240xf32, #tpu.memory_space<vmem>>[vector<16xi32>], vector<16xf32>,
        %mul3A_331 = arith.mulf %get3A_329, %gather3A_330 : vector<16xf32>
        %swap3A_332 = arith.constant 32 : index
        %swap3A_333 = tpu.vector_load %arg12[%swap3A_332] {strides = array<i32>} : memref<144xf32, #tpu.memory_space<vmem>>, vector<16xf32>,
        tpu.vector_store %arg12[%swap3A_332], %mul3A_331 {strides = array<i32>} : memref<144xf32, #tpu.memory_space<vmem>>, vector<16xf32>,
        %get3A_334 = arith.index_cast %select_n3A_99 : i32 to index
        %get3A_335 = arith.index_cast %add3A_290 : i32 to index
        %get3A_336 = arith.constant 48 : index
        %get3A_337 = tpu.vector_load %arg9[%get3A_334, %get3A_335, %get3A_336] {strides = array<i32>} : memref<2x32x128xi32, #tpu.memory_space<vmem>>, vector<16xi32>,
        %get3A_338 = arith.index_cast %select_n3A_99 : i32 to index
        %get3A_339 = arith.index_cast %add3A_290 : i32 to index
        %get3A_340 = arith.constant 48 : index
        %get3A_341 = tpu.vector_load %arg11[%get3A_338, %get3A_339, %get3A_340] {strides = array<i32>} : memref<2x32x128xf32, #tpu.memory_space<vmem>>, vector<16xf32>,
        %gather3A_342 = tpu.vector_load_idx %arg8[%get3A_337] : memref<10240xf32, #tpu.memory_space<vmem>>[vector<16xi32>], vector<16xf32>,
        %mul3A_343 = arith.mulf %get3A_341, %gather3A_342 : vector<16xf32>
        %swap3A_344 = arith.constant 48 : index
        %swap3A_345 = tpu.vector_load %arg12[%swap3A_344] {strides = array<i32>} : memref<144xf32, #tpu.memory_space<vmem>>, vector<16xf32>,
        tpu.vector_store %arg12[%swap3A_344], %mul3A_343 {strides = array<i32>} : memref<144xf32, #tpu.memory_space<vmem>>, vector<16xf32>,
        %get3A_346 = arith.index_cast %select_n3A_99 : i32 to index
        %get3A_347 = arith.index_cast %add3A_290 : i32 to index
        %get3A_348 = arith.constant 64 : index
        %get3A_349 = tpu.vector_load %arg9[%get3A_346, %get3A_347, %get3A_348] {strides = array<i32>} : memref<2x32x128xi32, #tpu.memory_space<vmem>>, vector<16xi32>,
        %get3A_350 = arith.index_cast %select_n3A_99 : i32 to index
        %get3A_351 = arith.index_cast %add3A_290 : i32 to index
        %get3A_352 = arith.constant 64 : index
        %get3A_353 = tpu.vector_load %arg11[%get3A_350, %get3A_351, %get3A_352] {strides = array<i32>} : memref<2x32x128xf32, #tpu.memory_space<vmem>>, vector<16xf32>,
        %gather3A_354 = tpu.vector_load_idx %arg8[%get3A_349] : memref<10240xf32, #tpu.memory_space<vmem>>[vector<16xi32>], vector<16xf32>,
        %mul3A_355 = arith.mulf %get3A_353, %gather3A_354 : vector<16xf32>
        %swap3A_356 = arith.constant 64 : index
        %swap3A_357 = tpu.vector_load %arg12[%swap3A_356] {strides = array<i32>} : memref<144xf32, #tpu.memory_space<vmem>>, vector<16xf32>,
        tpu.vector_store %arg12[%swap3A_356], %mul3A_355 {strides = array<i32>} : memref<144xf32, #tpu.memory_space<vmem>>, vector<16xf32>,
        %get3A_358 = arith.index_cast %select_n3A_99 : i32 to index
        %get3A_359 = arith.index_cast %add3A_290 : i32 to index
        %get3A_360 = arith.constant 80 : index
        %get3A_361 = tpu.vector_load %arg9[%get3A_358, %get3A_359, %get3A_360] {strides = array<i32>} : memref<2x32x128xi32, #tpu.memory_space<vmem>>, vector<16xi32>,
        %get3A_362 = arith.index_cast %select_n3A_99 : i32 to index
        %get3A_363 = arith.index_cast %add3A_290 : i32 to index
        %get3A_364 = arith.constant 80 : index
        %get3A_365 = tpu.vector_load %arg11[%get3A_362, %get3A_363, %get3A_364] {strides = array<i32>} : memref<2x32x128xf32, #tpu.memory_space<vmem>>, vector<16xf32>,
        %gather3A_366 = tpu.vector_load_idx %arg8[%get3A_361] : memref<10240xf32, #tpu.memory_space<vmem>>[vector<16xi32>], vector<16xf32>,
        %mul3A_367 = arith.mulf %get3A_365, %gather3A_366 : vector<16xf32>
        %swap3A_368 = arith.constant 80 : index
        %swap3A_369 = tpu.vector_load %arg12[%swap3A_368] {strides = array<i32>} : memref<144xf32, #tpu.memory_space<vmem>>, vector<16xf32>,
        tpu.vector_store %arg12[%swap3A_368], %mul3A_367 {strides = array<i32>} : memref<144xf32, #tpu.memory_space<vmem>>, vector<16xf32>,
        %get3A_370 = arith.index_cast %select_n3A_99 : i32 to index
        %get3A_371 = arith.index_cast %add3A_290 : i32 to index
        %get3A_372 = arith.constant 96 : index
        %get3A_373 = tpu.vector_load %arg9[%get3A_370, %get3A_371, %get3A_372] {strides = array<i32>} : memref<2x32x128xi32, #tpu.memory_space<vmem>>, vector<16xi32>,
        %get3A_374 = arith.index_cast %select_n3A_99 : i32 to index
        %get3A_375 = arith.index_cast %add3A_290 : i32 to index
        %get3A_376 = arith.constant 96 : index
        %get3A_377 = tpu.vector_load %arg11[%get3A_374, %get3A_375, %get3A_376] {strides = array<i32>} : memref<2x32x128xf32, #tpu.memory_space<vmem>>, vector<16xf32>,
        %gather3A_378 = tpu.vector_load_idx %arg8[%get3A_373] : memref<10240xf32, #tpu.memory_space<vmem>>[vector<16xi32>], vector<16xf32>,
        %mul3A_379 = arith.mulf %get3A_377, %gather3A_378 : vector<16xf32>
        %swap3A_380 = arith.constant 96 : index
        %swap3A_381 = tpu.vector_load %arg12[%swap3A_380] {strides = array<i32>} : memref<144xf32, #tpu.memory_space<vmem>>, vector<16xf32>,
        tpu.vector_store %arg12[%swap3A_380], %mul3A_379 {strides = array<i32>} : memref<144xf32, #tpu.memory_space<vmem>>, vector<16xf32>,
        %get3A_382 = arith.index_cast %select_n3A_99 : i32 to index
        %get3A_383 = arith.index_cast %add3A_290 : i32 to index
        %get3A_384 = arith.constant 112 : index
        %get3A_385 = tpu.vector_load %arg9[%get3A_382, %get3A_383, %get3A_384] {strides = array<i32>} : memref<2x32x128xi32, #tpu.memory_space<vmem>>, vector<16xi32>,
        %get3A_386 = arith.index_cast %select_n3A_99 : i32 to index
        %get3A_387 = arith.index_cast %add3A_290 : i32 to index
        %get3A_388 = arith.constant 112 : index
        %get3A_389 = tpu.vector_load %arg11[%get3A_386, %get3A_387, %get3A_388] {strides = array<i32>} : memref<2x32x128xf32, #tpu.memory_space<vmem>>, vector<16xf32>,
        %gather3A_390 = tpu.vector_load_idx %arg8[%get3A_385] : memref<10240xf32, #tpu.memory_space<vmem>>[vector<16xi32>], vector<16xf32>,
        %mul3A_391 = arith.mulf %get3A_389, %gather3A_390 : vector<16xf32>
        %swap3A_392 = arith.constant 112 : index
        %swap3A_393 = tpu.vector_load %arg12[%swap3A_392] {strides = array<i32>} : memref<144xf32, #tpu.memory_space<vmem>>, vector<16xf32>,
        tpu.vector_store %arg12[%swap3A_392], %mul3A_391 {strides = array<i32>} : memref<144xf32, #tpu.memory_space<vmem>>, vector<16xf32>,
        %dma_wait3A_394 = arith.constant 0 : i32
        %dma_wait3A_395 = tpu.memref_slice %arg9[%select_n3A_99, %add3A_290, %dma_wait3A_394] : memref<2x32x128xi32, #tpu.memory_space<vmem>> -> memref<1x1x128xi32, #tpu.memory_space<vmem>>
        %dma_wait3A_396 = tpu.memref_squeeze %dma_wait3A_395 : memref<1x1x128xi32, #tpu.memory_space<vmem>> -> memref<128xi32, #tpu.memory_space<vmem>>
        %dma_wait3A_397 = arith.constant 0 : i32
        %dma_wait3A_398 = arith.constant 0 : i32
        %dma_wait3A_399 = tpu.memref_slice %arg2[%arg0, %dma_wait3A_397, %dma_wait3A_398] : memref<2x10000x64xbf16, #tpu.memory_space<hbm>> -> memref<1x10000x64xbf16, #tpu.memory_space<hbm>>
        %dma_wait3A_400 = tpu.memref_squeeze %dma_wait3A_399 : memref<1x10000x64xbf16, #tpu.memory_space<hbm>> -> memref<10000x64xbf16, #tpu.memory_space<hbm>>
        %dma_wait3A_401 = arith.constant 0 : i32
        %dma_wait3A_402 = arith.constant 0 : i32
        %dma_wait3A_403 = tpu.memref_slice %dma_wait3A_400[%dma_wait3A_401, %dma_wait3A_402] : memref<10000x64xbf16, #tpu.memory_space<hbm>> -> memref<10000x64xbf16, #tpu.memory_space<hbm>>
        tpu.wait_indirect_dma semaphore(%arg20 : memref<!tpu.dma_semaphore, #tpu.memory_space<semaphore_mem>>) src(%dma_wait3A_403 : memref<10000x64xbf16, #tpu.memory_space<hbm>>) dst(%arg14 : memref<128x64xbf16, #tpu.memory_space<vmem>>)
        %ge3A_404 = arith.constant 2 : i32
        %ge3A_405 = arith.cmpi sge, %add3A_290, %ge3A_404 : i32
        %convert_element_type3A_406 = arith.extui %ge3A_405 : i1 to i32
        %cond3A_407 = arith.constant 0 : i32
        %cond3A_408 = arith.cmpi ne, %convert_element_type3A_406, %cond3A_407 : i32
        scf.if %cond3A_408 {
          %sub3A = arith.constant 2 : i32
          %sub3A_680 = arith.subi %add3A_290, %sub3A : i32
          %dma_wait3A_681 = arith.constant 0 : i32
          %dma_wait3A_682 = tpu.memref_slice %arg10[%select_n3A_99, %sub3A_680, %dma_wait3A_681] : memref<2x32x128xi32, #tpu.memory_space<vmem>> -> memref<1x1x128xi32, #tpu.memory_space<vmem>>
          %dma_wait3A_683 = tpu.memref_squeeze %dma_wait3A_682 : memref<1x1x128xi32, #tpu.memory_space<vmem>> -> memref<128xi32, #tpu.memory_space<vmem>>
          %dma_wait3A_684 = arith.constant 0 : i32
          %dma_wait3A_685 = arith.constant 0 : i32
          %dma_wait3A_686 = tpu.memref_slice %arg27[%dma_wait3A_684, %dma_wait3A_685] : memref<10240x64xf32, #tpu.memory_space<vmem_shared>> -> memref<10240x64xf32, #tpu.memory_space<vmem_shared>>
          tpu.wait_indirect_dma semaphore(%arg24 : memref<!tpu.dma_semaphore, #tpu.memory_space<semaphore_mem>>) src(%arg18 : memref<128x64xf32, #tpu.memory_space<vmem>>) dst(%dma_wait3A_686 : memref<10240x64xf32, #tpu.memory_space<vmem_shared>>)
        } else {
        }
        %parallel_loop3A_409 = arith.constant 0 : i32
        %parallel_loop3A_410 = arith.constant 128 : i32
        %parallel_loop3A_411 = arith.constant 1 : i32
        scf.for %parallel_loop3A_680 = %parallel_loop3A_409 to %parallel_loop3A_410 step %parallel_loop3A_411  : i32 {
          %parallel_loop3A_681 = arith.index_cast %parallel_loop3A_680 : i32 to index
          %parallel_loop3A_682 = tpu.vector_load %arg12[%parallel_loop3A_681] {strides = array<i32>} : memref<144xf32, #tpu.memory_space<vmem>>, vector<16xf32>,
          %parallel_loop3A_683 = vector.extract_strided_slice %parallel_loop3A_682 {offsets = [0], sizes = [1], strides = [1]} : vector<16xf32> to vector<1xf32>
          %parallel_loop3A_684 = vector.extract %parallel_loop3A_683[0] : f32 from vector<1xf32>
          %parallel_loop3A_685 = vector.broadcast %parallel_loop3A_684 : f32 to vector<16xf32>
          %parallel_loop3A_686 = arith.index_cast %parallel_loop3A_680 : i32 to index
          %parallel_loop3A_687 = arith.constant 0 : index
          %parallel_loop3A_688 = tpu.vector_load %arg14[%parallel_loop3A_686, %parallel_loop3A_687] {strides = array<i32>} : memref<128x64xbf16, #tpu.memory_space<vmem>>, vector<32xbf16>,
          %parallel_loop3A_689 = tpu.unpack_subelements %parallel_loop3A_688, 0 {pack_format = #tpu.pack_format<interleaved>} : vector<32xbf16> -> vector<16xf32>
          %parallel_loop3A_690 = tpu.unpack_subelements %parallel_loop3A_688, 1 {pack_format = #tpu.pack_format<interleaved>} : vector<32xbf16> -> vector<16xf32>
          %parallel_loop3A_691 = arith.mulf %parallel_loop3A_689, %parallel_loop3A_685 : vector<16xf32>
          %parallel_loop3A_692 = arith.index_cast %parallel_loop3A_680 : i32 to index
          %parallel_loop3A_693 = arith.constant 0 : index
          %parallel_loop3A_694 = tpu.vector_load %arg18[%parallel_loop3A_692, %parallel_loop3A_693] {strides = array<i32>} : memref<128x64xf32, #tpu.memory_space<vmem>>, vector<16xf32>,
          tpu.vector_store %arg18[%parallel_loop3A_692, %parallel_loop3A_693], %parallel_loop3A_691 {strides = array<i32>} : memref<128x64xf32, #tpu.memory_space<vmem>>, vector<16xf32>,
          %parallel_loop3A_695 = arith.mulf %parallel_loop3A_690, %parallel_loop3A_685 : vector<16xf32>
          %parallel_loop3A_696 = arith.index_cast %parallel_loop3A_680 : i32 to index
          %parallel_loop3A_697 = arith.constant 16 : index
          %parallel_loop3A_698 = tpu.vector_load %arg18[%parallel_loop3A_696, %parallel_loop3A_697] {strides = array<i32>} : memref<128x64xf32, #tpu.memory_space<vmem>>, vector<16xf32>,
          tpu.vector_store %arg18[%parallel_loop3A_696, %parallel_loop3A_697], %parallel_loop3A_695 {strides = array<i32>} : memref<128x64xf32, #tpu.memory_space<vmem>>, vector<16xf32>,
          %parallel_loop3A_699 = arith.index_cast %parallel_loop3A_680 : i32 to index
          %parallel_loop3A_700 = arith.constant 32 : index
          %parallel_loop3A_701 = tpu.vector_load %arg14[%parallel_loop3A_699, %parallel_loop3A_700] {strides = array<i32>} : memref<128x64xbf16, #tpu.memory_space<vmem>>, vector<32xbf16>,
          %parallel_loop3A_702 = tpu.unpack_subelements %parallel_loop3A_701, 0 {pack_format = #tpu.pack_format<interleaved>} : vector<32xbf16> -> vector<16xf32>
          %parallel_loop3A_703 = tpu.unpack_subelements %parallel_loop3A_701, 1 {pack_format = #tpu.pack_format<interleaved>} : vector<32xbf16> -> vector<16xf32>
          %parallel_loop3A_704 = arith.mulf %parallel_loop3A_702, %parallel_loop3A_685 : vector<16xf32>
          %parallel_loop3A_705 = arith.index_cast %parallel_loop3A_680 : i32 to index
          %parallel_loop3A_706 = arith.constant 32 : index
          %parallel_loop3A_707 = tpu.vector_load %arg18[%parallel_loop3A_705, %parallel_loop3A_706] {strides = array<i32>} : memref<128x64xf32, #tpu.memory_space<vmem>>, vector<16xf32>,
          tpu.vector_store %arg18[%parallel_loop3A_705, %parallel_loop3A_706], %parallel_loop3A_704 {strides = array<i32>} : memref<128x64xf32, #tpu.memory_space<vmem>>, vector<16xf32>,
          %parallel_loop3A_708 = arith.mulf %parallel_loop3A_703, %parallel_loop3A_685 : vector<16xf32>
          %parallel_loop3A_709 = arith.index_cast %parallel_loop3A_680 : i32 to index
          %parallel_loop3A_710 = arith.constant 48 : index
          %parallel_loop3A_711 = tpu.vector_load %arg18[%parallel_loop3A_709, %parallel_loop3A_710] {strides = array<i32>} : memref<128x64xf32, #tpu.memory_space<vmem>>, vector<16xf32>,
          tpu.vector_store %arg18[%parallel_loop3A_709, %parallel_loop3A_710], %parallel_loop3A_708 {strides = array<i32>} : memref<128x64xf32, #tpu.memory_space<vmem>>, vector<16xf32>,
        } {sc.loop_unroll_factor = 4 : i64, sc.parallel_access}
        %dma_start3A_412 = arith.constant 0 : i32
        %dma_start3A_413 = tpu.memref_slice %arg10[%select_n3A_99, %add3A_290, %dma_start3A_412] : memref<2x32x128xi32, #tpu.memory_space<vmem>> -> memref<1x1x128xi32, #tpu.memory_space<vmem>>
        %dma_start3A_414 = tpu.memref_squeeze %dma_start3A_413 : memref<1x1x128xi32, #tpu.memory_space<vmem>> -> memref<128xi32, #tpu.memory_space<vmem>>
        %dma_start3A_415 = arith.constant 0 : i32
        %dma_start3A_416 = arith.constant 0 : i32
        %dma_start3A_417 = tpu.memref_slice %arg27[%dma_start3A_415, %dma_start3A_416] : memref<10240x64xf32, #tpu.memory_space<vmem_shared>> -> memref<10240x64xf32, #tpu.memory_space<vmem_shared>>
        tpu.enqueue_indirect_dma source(%arg18 : memref<128x64xf32, #tpu.memory_space<vmem>>) target(%dma_start3A_417 : memref<10240x64xf32, #tpu.memory_space<vmem_shared>>) offsets(%dma_start3A_414 : memref<128xi32, #tpu.memory_space<vmem>>) semaphore(%arg24 : memref<!tpu.dma_semaphore, #tpu.memory_space<semaphore_mem>>) {add = true}
        %mul3A_418 = arith.constant 4 : i32
        %mul3A_419 = arith.muli %scan3A_159, %mul3A_418 : i32
        %add3A_420 = arith.constant 2 : i32
        %add3A_421 = arith.addi %mul3A_419, %add3A_420 : i32
        %add3A_422 = arith.constant 3 : i32
        %add3A_423 = arith.addi %add3A_421, %add3A_422 : i32
        %lt3A_424 = arith.constant 32 : i32
        %lt3A_425 = arith.cmpi slt, %add3A_423, %lt3A_424 : i32
        %convert_element_type3A_426 = arith.extui %lt3A_425 : i1 to i32
        %cond3A_427 = arith.constant 0 : i32
        %cond3A_428 = arith.cmpi ne, %convert_element_type3A_426, %cond3A_427 : i32
        scf.if %cond3A_428 {
          %add3A_680 = arith.constant 3 : i32
          %add3A_681 = arith.addi %add3A_421, %add3A_680 : i32
          %dma_start3A_682 = arith.constant 0 : i32
          %dma_start3A_683 = tpu.memref_slice %arg9[%select_n3A_99, %add3A_681, %dma_start3A_682] : memref<2x32x128xi32, #tpu.memory_space<vmem>> -> memref<1x1x128xi32, #tpu.memory_space<vmem>>
          %dma_start3A_684 = tpu.memref_squeeze %dma_start3A_683 : memref<1x1x128xi32, #tpu.memory_space<vmem>> -> memref<128xi32, #tpu.memory_space<vmem>>
          %dma_start3A_685 = arith.constant 0 : i32
          %dma_start3A_686 = arith.constant 0 : i32
          %dma_start3A_687 = tpu.memref_slice %arg2[%arg0, %dma_start3A_685, %dma_start3A_686] : memref<2x10000x64xbf16, #tpu.memory_space<hbm>> -> memref<1x10000x64xbf16, #tpu.memory_space<hbm>>
          %dma_start3A_688 = tpu.memref_squeeze %dma_start3A_687 : memref<1x10000x64xbf16, #tpu.memory_space<hbm>> -> memref<10000x64xbf16, #tpu.memory_space<hbm>>
          %dma_start3A_689 = arith.constant 0 : i32
          %dma_start3A_690 = arith.constant 0 : i32
          %dma_start3A_691 = tpu.memref_slice %dma_start3A_688[%dma_start3A_689, %dma_start3A_690] : memref<10000x64xbf16, #tpu.memory_space<hbm>> -> memref<10000x64xbf16, #tpu.memory_space<hbm>>
          tpu.enqueue_indirect_dma source(%dma_start3A_691 : memref<10000x64xbf16, #tpu.memory_space<hbm>>) target(%arg14 : memref<128x64xbf16, #tpu.memory_space<vmem>>) offsets(%dma_start3A_684 : memref<128xi32, #tpu.memory_space<vmem>>) semaphore(%arg20 : memref<!tpu.dma_semaphore, #tpu.memory_space<semaphore_mem>>)
        } else {
        }
        %get3A_429 = arith.index_cast %select_n3A_99 : i32 to index
        %get3A_430 = arith.index_cast %add3A_421 : i32 to index
        %get3A_431 = arith.constant 0 : index
        %get3A_432 = tpu.vector_load %arg9[%get3A_429, %get3A_430, %get3A_431] {strides = array<i32>} : memref<2x32x128xi32, #tpu.memory_space<vmem>>, vector<16xi32>,
        %get3A_433 = arith.index_cast %select_n3A_99 : i32 to index
        %get3A_434 = arith.index_cast %add3A_421 : i32 to index
        %get3A_435 = arith.constant 0 : index
        %get3A_436 = tpu.vector_load %arg11[%get3A_433, %get3A_434, %get3A_435] {strides = array<i32>} : memref<2x32x128xf32, #tpu.memory_space<vmem>>, vector<16xf32>,
        %gather3A_437 = tpu.vector_load_idx %arg8[%get3A_432] : memref<10240xf32, #tpu.memory_space<vmem>>[vector<16xi32>], vector<16xf32>,
        %mul3A_438 = arith.mulf %get3A_436, %gather3A_437 : vector<16xf32>
        %swap3A_439 = arith.constant 0 : index
        %swap3A_440 = tpu.vector_load %arg12[%swap3A_439] {strides = array<i32>} : memref<144xf32, #tpu.memory_space<vmem>>, vector<16xf32>,
        tpu.vector_store %arg12[%swap3A_439], %mul3A_438 {strides = array<i32>} : memref<144xf32, #tpu.memory_space<vmem>>, vector<16xf32>,
        %get3A_441 = arith.index_cast %select_n3A_99 : i32 to index
        %get3A_442 = arith.index_cast %add3A_421 : i32 to index
        %get3A_443 = arith.constant 16 : index
        %get3A_444 = tpu.vector_load %arg9[%get3A_441, %get3A_442, %get3A_443] {strides = array<i32>} : memref<2x32x128xi32, #tpu.memory_space<vmem>>, vector<16xi32>,
        %get3A_445 = arith.index_cast %select_n3A_99 : i32 to index
        %get3A_446 = arith.index_cast %add3A_421 : i32 to index
        %get3A_447 = arith.constant 16 : index
        %get3A_448 = tpu.vector_load %arg11[%get3A_445, %get3A_446, %get3A_447] {strides = array<i32>} : memref<2x32x128xf32, #tpu.memory_space<vmem>>, vector<16xf32>,
        %gather3A_449 = tpu.vector_load_idx %arg8[%get3A_444] : memref<10240xf32, #tpu.memory_space<vmem>>[vector<16xi32>], vector<16xf32>,
        %mul3A_450 = arith.mulf %get3A_448, %gather3A_449 : vector<16xf32>
        %swap3A_451 = arith.constant 16 : index
        %swap3A_452 = tpu.vector_load %arg12[%swap3A_451] {strides = array<i32>} : memref<144xf32, #tpu.memory_space<vmem>>, vector<16xf32>,
        tpu.vector_store %arg12[%swap3A_451], %mul3A_450 {strides = array<i32>} : memref<144xf32, #tpu.memory_space<vmem>>, vector<16xf32>,
        %get3A_453 = arith.index_cast %select_n3A_99 : i32 to index
        %get3A_454 = arith.index_cast %add3A_421 : i32 to index
        %get3A_455 = arith.constant 32 : index
        %get3A_456 = tpu.vector_load %arg9[%get3A_453, %get3A_454, %get3A_455] {strides = array<i32>} : memref<2x32x128xi32, #tpu.memory_space<vmem>>, vector<16xi32>,
        %get3A_457 = arith.index_cast %select_n3A_99 : i32 to index
        %get3A_458 = arith.index_cast %add3A_421 : i32 to index
        %get3A_459 = arith.constant 32 : index
        %get3A_460 = tpu.vector_load %arg11[%get3A_457, %get3A_458, %get3A_459] {strides = array<i32>} : memref<2x32x128xf32, #tpu.memory_space<vmem>>, vector<16xf32>,
        %gather3A_461 = tpu.vector_load_idx %arg8[%get3A_456] : memref<10240xf32, #tpu.memory_space<vmem>>[vector<16xi32>], vector<16xf32>,
        %mul3A_462 = arith.mulf %get3A_460, %gather3A_461 : vector<16xf32>
        %swap3A_463 = arith.constant 32 : index
        %swap3A_464 = tpu.vector_load %arg12[%swap3A_463] {strides = array<i32>} : memref<144xf32, #tpu.memory_space<vmem>>, vector<16xf32>,
        tpu.vector_store %arg12[%swap3A_463], %mul3A_462 {strides = array<i32>} : memref<144xf32, #tpu.memory_space<vmem>>, vector<16xf32>,
        %get3A_465 = arith.index_cast %select_n3A_99 : i32 to index
        %get3A_466 = arith.index_cast %add3A_421 : i32 to index
        %get3A_467 = arith.constant 48 : index
        %get3A_468 = tpu.vector_load %arg9[%get3A_465, %get3A_466, %get3A_467] {strides = array<i32>} : memref<2x32x128xi32, #tpu.memory_space<vmem>>, vector<16xi32>,
        %get3A_469 = arith.index_cast %select_n3A_99 : i32 to index
        %get3A_470 = arith.index_cast %add3A_421 : i32 to index
        %get3A_471 = arith.constant 48 : index
        %get3A_472 = tpu.vector_load %arg11[%get3A_469, %get3A_470, %get3A_471] {strides = array<i32>} : memref<2x32x128xf32, #tpu.memory_space<vmem>>, vector<16xf32>,
        %gather3A_473 = tpu.vector_load_idx %arg8[%get3A_468] : memref<10240xf32, #tpu.memory_space<vmem>>[vector<16xi32>], vector<16xf32>,
        %mul3A_474 = arith.mulf %get3A_472, %gather3A_473 : vector<16xf32>
        %swap3A_475 = arith.constant 48 : index
        %swap3A_476 = tpu.vector_load %arg12[%swap3A_475] {strides = array<i32>} : memref<144xf32, #tpu.memory_space<vmem>>, vector<16xf32>,
        tpu.vector_store %arg12[%swap3A_475], %mul3A_474 {strides = array<i32>} : memref<144xf32, #tpu.memory_space<vmem>>, vector<16xf32>,
        %get3A_477 = arith.index_cast %select_n3A_99 : i32 to index
        %get3A_478 = arith.index_cast %add3A_421 : i32 to index
        %get3A_479 = arith.constant 64 : index
        %get3A_480 = tpu.vector_load %arg9[%get3A_477, %get3A_478, %get3A_479] {strides = array<i32>} : memref<2x32x128xi32, #tpu.memory_space<vmem>>, vector<16xi32>,
        %get3A_481 = arith.index_cast %select_n3A_99 : i32 to index
        %get3A_482 = arith.index_cast %add3A_421 : i32 to index
        %get3A_483 = arith.constant 64 : index
        %get3A_484 = tpu.vector_load %arg11[%get3A_481, %get3A_482, %get3A_483] {strides = array<i32>} : memref<2x32x128xf32, #tpu.memory_space<vmem>>, vector<16xf32>,
        %gather3A_485 = tpu.vector_load_idx %arg8[%get3A_480] : memref<10240xf32, #tpu.memory_space<vmem>>[vector<16xi32>], vector<16xf32>,
        %mul3A_486 = arith.mulf %get3A_484, %gather3A_485 : vector<16xf32>
        %swap3A_487 = arith.constant 64 : index
        %swap3A_488 = tpu.vector_load %arg12[%swap3A_487] {strides = array<i32>} : memref<144xf32, #tpu.memory_space<vmem>>, vector<16xf32>,
        tpu.vector_store %arg12[%swap3A_487], %mul3A_486 {strides = array<i32>} : memref<144xf32, #tpu.memory_space<vmem>>, vector<16xf32>,
        %get3A_489 = arith.index_cast %select_n3A_99 : i32 to index
        %get3A_490 = arith.index_cast %add3A_421 : i32 to index
        %get3A_491 = arith.constant 80 : index
        %get3A_492 = tpu.vector_load %arg9[%get3A_489, %get3A_490, %get3A_491] {strides = array<i32>} : memref<2x32x128xi32, #tpu.memory_space<vmem>>, vector<16xi32>,
        %get3A_493 = arith.index_cast %select_n3A_99 : i32 to index
        %get3A_494 = arith.index_cast %add3A_421 : i32 to index
        %get3A_495 = arith.constant 80 : index
        %get3A_496 = tpu.vector_load %arg11[%get3A_493, %get3A_494, %get3A_495] {strides = array<i32>} : memref<2x32x128xf32, #tpu.memory_space<vmem>>, vector<16xf32>,
        %gather3A_497 = tpu.vector_load_idx %arg8[%get3A_492] : memref<10240xf32, #tpu.memory_space<vmem>>[vector<16xi32>], vector<16xf32>,
        %mul3A_498 = arith.mulf %get3A_496, %gather3A_497 : vector<16xf32>
        %swap3A_499 = arith.constant 80 : index
        %swap3A_500 = tpu.vector_load %arg12[%swap3A_499] {strides = array<i32>} : memref<144xf32, #tpu.memory_space<vmem>>, vector<16xf32>,
        tpu.vector_store %arg12[%swap3A_499], %mul3A_498 {strides = array<i32>} : memref<144xf32, #tpu.memory_space<vmem>>, vector<16xf32>,
        %get3A_501 = arith.index_cast %select_n3A_99 : i32 to index
        %get3A_502 = arith.index_cast %add3A_421 : i32 to index
        %get3A_503 = arith.constant 96 : index
        %get3A_504 = tpu.vector_load %arg9[%get3A_501, %get3A_502, %get3A_503] {strides = array<i32>} : memref<2x32x128xi32, #tpu.memory_space<vmem>>, vector<16xi32>,
        %get3A_505 = arith.index_cast %select_n3A_99 : i32 to index
        %get3A_506 = arith.index_cast %add3A_421 : i32 to index
        %get3A_507 = arith.constant 96 : index
        %get3A_508 = tpu.vector_load %arg11[%get3A_505, %get3A_506, %get3A_507] {strides = array<i32>} : memref<2x32x128xf32, #tpu.memory_space<vmem>>, vector<16xf32>,
        %gather3A_509 = tpu.vector_load_idx %arg8[%get3A_504] : memref<10240xf32, #tpu.memory_space<vmem>>[vector<16xi32>], vector<16xf32>,
        %mul3A_510 = arith.mulf %get3A_508, %gather3A_509 : vector<16xf32>
        %swap3A_511 = arith.constant 96 : index
        %swap3A_512 = tpu.vector_load %arg12[%swap3A_511] {strides = array<i32>} : memref<144xf32, #tpu.memory_space<vmem>>, vector<16xf32>,
        tpu.vector_store %arg12[%swap3A_511], %mul3A_510 {strides = array<i32>} : memref<144xf32, #tpu.memory_space<vmem>>, vector<16xf32>,
        %get3A_513 = arith.index_cast %select_n3A_99 : i32 to index
        %get3A_514 = arith.index_cast %add3A_421 : i32 to index
        %get3A_515 = arith.constant 112 : index
        %get3A_516 = tpu.vector_load %arg9[%get3A_513, %get3A_514, %get3A_515] {strides = array<i32>} : memref<2x32x128xi32, #tpu.memory_space<vmem>>, vector<16xi32>,
        %get3A_517 = arith.index_cast %select_n3A_99 : i32 to index
        %get3A_518 = arith.index_cast %add3A_421 : i32 to index
        %get3A_519 = arith.constant 112 : index
        %get3A_520 = tpu.vector_load %arg11[%get3A_517, %get3A_518, %get3A_519] {strides = array<i32>} : memref<2x32x128xf32, #tpu.memory_space<vmem>>, vector<16xf32>,
        %gather3A_521 = tpu.vector_load_idx %arg8[%get3A_516] : memref<10240xf32, #tpu.memory_space<vmem>>[vector<16xi32>], vector<16xf32>,
        %mul3A_522 = arith.mulf %get3A_520, %gather3A_521 : vector<16xf32>
        %swap3A_523 = arith.constant 112 : index
        %swap3A_524 = tpu.vector_load %arg12[%swap3A_523] {strides = array<i32>} : memref<144xf32, #tpu.memory_space<vmem>>, vector<16xf32>,
        tpu.vector_store %arg12[%swap3A_523], %mul3A_522 {strides = array<i32>} : memref<144xf32, #tpu.memory_space<vmem>>, vector<16xf32>,
        %dma_wait3A_525 = arith.constant 0 : i32
        %dma_wait3A_526 = tpu.memref_slice %arg9[%select_n3A_99, %add3A_421, %dma_wait3A_525] : memref<2x32x128xi32, #tpu.memory_space<vmem>> -> memref<1x1x128xi32, #tpu.memory_space<vmem>>
        %dma_wait3A_527 = tpu.memref_squeeze %dma_wait3A_526 : memref<1x1x128xi32, #tpu.memory_space<vmem>> -> memref<128xi32, #tpu.memory_space<vmem>>
        %dma_wait3A_528 = arith.constant 0 : i32
        %dma_wait3A_529 = arith.constant 0 : i32
        %dma_wait3A_530 = tpu.memref_slice %arg2[%arg0, %dma_wait3A_528, %dma_wait3A_529] : memref<2x10000x64xbf16, #tpu.memory_space<hbm>> -> memref<1x10000x64xbf16, #tpu.memory_space<hbm>>
        %dma_wait3A_531 = tpu.memref_squeeze %dma_wait3A_530 : memref<1x10000x64xbf16, #tpu.memory_space<hbm>> -> memref<10000x64xbf16, #tpu.memory_space<hbm>>
        %dma_wait3A_532 = arith.constant 0 : i32
        %dma_wait3A_533 = arith.constant 0 : i32
        %dma_wait3A_534 = tpu.memref_slice %dma_wait3A_531[%dma_wait3A_532, %dma_wait3A_533] : memref<10000x64xbf16, #tpu.memory_space<hbm>> -> memref<10000x64xbf16, #tpu.memory_space<hbm>>
        tpu.wait_indirect_dma semaphore(%arg21 : memref<!tpu.dma_semaphore, #tpu.memory_space<semaphore_mem>>) src(%dma_wait3A_534 : memref<10000x64xbf16, #tpu.memory_space<hbm>>) dst(%arg15 : memref<128x64xbf16, #tpu.memory_space<vmem>>)
        %ge3A_535 = arith.constant 2 : i32
        %ge3A_536 = arith.cmpi sge, %add3A_421, %ge3A_535 : i32
        %convert_element_type3A_537 = arith.extui %ge3A_536 : i1 to i32
        %cond3A_538 = arith.constant 0 : i32
        %cond3A_539 = arith.cmpi ne, %convert_element_type3A_537, %cond3A_538 : i32
        scf.if %cond3A_539 {
          %sub3A = arith.constant 2 : i32
          %sub3A_680 = arith.subi %add3A_421, %sub3A : i32
          %dma_wait3A_681 = arith.constant 0 : i32
          %dma_wait3A_682 = tpu.memref_slice %arg10[%select_n3A_99, %sub3A_680, %dma_wait3A_681] : memref<2x32x128xi32, #tpu.memory_space<vmem>> -> memref<1x1x128xi32, #tpu.memory_space<vmem>>
          %dma_wait3A_683 = tpu.memref_squeeze %dma_wait3A_682 : memref<1x1x128xi32, #tpu.memory_space<vmem>> -> memref<128xi32, #tpu.memory_space<vmem>>
          %dma_wait3A_684 = arith.constant 0 : i32
          %dma_wait3A_685 = arith.constant 0 : i32
          %dma_wait3A_686 = tpu.memref_slice %arg27[%dma_wait3A_684, %dma_wait3A_685] : memref<10240x64xf32, #tpu.memory_space<vmem_shared>> -> memref<10240x64xf32, #tpu.memory_space<vmem_shared>>
          tpu.wait_indirect_dma semaphore(%arg23 : memref<!tpu.dma_semaphore, #tpu.memory_space<semaphore_mem>>) src(%arg17 : memref<128x64xf32, #tpu.memory_space<vmem>>) dst(%dma_wait3A_686 : memref<10240x64xf32, #tpu.memory_space<vmem_shared>>)
        } else {
        }
        %parallel_loop3A_540 = arith.constant 0 : i32
        %parallel_loop3A_541 = arith.constant 128 : i32
        %parallel_loop3A_542 = arith.constant 1 : i32
        scf.for %parallel_loop3A_680 = %parallel_loop3A_540 to %parallel_loop3A_541 step %parallel_loop3A_542  : i32 {
          %parallel_loop3A_681 = arith.index_cast %parallel_loop3A_680 : i32 to index
          %parallel_loop3A_682 = tpu.vector_load %arg12[%parallel_loop3A_681] {strides = array<i32>} : memref<144xf32, #tpu.memory_space<vmem>>, vector<16xf32>,
          %parallel_loop3A_683 = vector.extract_strided_slice %parallel_loop3A_682 {offsets = [0], sizes = [1], strides = [1]} : vector<16xf32> to vector<1xf32>
          %parallel_loop3A_684 = vector.extract %parallel_loop3A_683[0] : f32 from vector<1xf32>
          %parallel_loop3A_685 = vector.broadcast %parallel_loop3A_684 : f32 to vector<16xf32>
          %parallel_loop3A_686 = arith.index_cast %parallel_loop3A_680 : i32 to index
          %parallel_loop3A_687 = arith.constant 0 : index
          %parallel_loop3A_688 = tpu.vector_load %arg15[%parallel_loop3A_686, %parallel_loop3A_687] {strides = array<i32>} : memref<128x64xbf16, #tpu.memory_space<vmem>>, vector<32xbf16>,
          %parallel_loop3A_689 = tpu.unpack_subelements %parallel_loop3A_688, 0 {pack_format = #tpu.pack_format<interleaved>} : vector<32xbf16> -> vector<16xf32>
          %parallel_loop3A_690 = tpu.unpack_subelements %parallel_loop3A_688, 1 {pack_format = #tpu.pack_format<interleaved>} : vector<32xbf16> -> vector<16xf32>
          %parallel_loop3A_691 = arith.mulf %parallel_loop3A_689, %parallel_loop3A_685 : vector<16xf32>
          %parallel_loop3A_692 = arith.index_cast %parallel_loop3A_680 : i32 to index
          %parallel_loop3A_693 = arith.constant 0 : index
          %parallel_loop3A_694 = tpu.vector_load %arg17[%parallel_loop3A_692, %parallel_loop3A_693] {strides = array<i32>} : memref<128x64xf32, #tpu.memory_space<vmem>>, vector<16xf32>,
          tpu.vector_store %arg17[%parallel_loop3A_692, %parallel_loop3A_693], %parallel_loop3A_691 {strides = array<i32>} : memref<128x64xf32, #tpu.memory_space<vmem>>, vector<16xf32>,
          %parallel_loop3A_695 = arith.mulf %parallel_loop3A_690, %parallel_loop3A_685 : vector<16xf32>
          %parallel_loop3A_696 = arith.index_cast %parallel_loop3A_680 : i32 to index
          %parallel_loop3A_697 = arith.constant 16 : index
          %parallel_loop3A_698 = tpu.vector_load %arg17[%parallel_loop3A_696, %parallel_loop3A_697] {strides = array<i32>} : memref<128x64xf32, #tpu.memory_space<vmem>>, vector<16xf32>,
          tpu.vector_store %arg17[%parallel_loop3A_696, %parallel_loop3A_697], %parallel_loop3A_695 {strides = array<i32>} : memref<128x64xf32, #tpu.memory_space<vmem>>, vector<16xf32>,
          %parallel_loop3A_699 = arith.index_cast %parallel_loop3A_680 : i32 to index
          %parallel_loop3A_700 = arith.constant 32 : index
          %parallel_loop3A_701 = tpu.vector_load %arg15[%parallel_loop3A_699, %parallel_loop3A_700] {strides = array<i32>} : memref<128x64xbf16, #tpu.memory_space<vmem>>, vector<32xbf16>,
          %parallel_loop3A_702 = tpu.unpack_subelements %parallel_loop3A_701, 0 {pack_format = #tpu.pack_format<interleaved>} : vector<32xbf16> -> vector<16xf32>
          %parallel_loop3A_703 = tpu.unpack_subelements %parallel_loop3A_701, 1 {pack_format = #tpu.pack_format<interleaved>} : vector<32xbf16> -> vector<16xf32>
          %parallel_loop3A_704 = arith.mulf %parallel_loop3A_702, %parallel_loop3A_685 : vector<16xf32>
          %parallel_loop3A_705 = arith.index_cast %parallel_loop3A_680 : i32 to index
          %parallel_loop3A_706 = arith.constant 32 : index
          %parallel_loop3A_707 = tpu.vector_load %arg17[%parallel_loop3A_705, %parallel_loop3A_706] {strides = array<i32>} : memref<128x64xf32, #tpu.memory_space<vmem>>, vector<16xf32>,
          tpu.vector_store %arg17[%parallel_loop3A_705, %parallel_loop3A_706], %parallel_loop3A_704 {strides = array<i32>} : memref<128x64xf32, #tpu.memory_space<vmem>>, vector<16xf32>,
          %parallel_loop3A_708 = arith.mulf %parallel_loop3A_703, %parallel_loop3A_685 : vector<16xf32>
          %parallel_loop3A_709 = arith.index_cast %parallel_loop3A_680 : i32 to index
          %parallel_loop3A_710 = arith.constant 48 : index
          %parallel_loop3A_711 = tpu.vector_load %arg17[%parallel_loop3A_709, %parallel_loop3A_710] {strides = array<i32>} : memref<128x64xf32, #tpu.memory_space<vmem>>, vector<16xf32>,
          tpu.vector_store %arg17[%parallel_loop3A_709, %parallel_loop3A_710], %parallel_loop3A_708 {strides = array<i32>} : memref<128x64xf32, #tpu.memory_space<vmem>>, vector<16xf32>,
        } {sc.loop_unroll_factor = 4 : i64, sc.parallel_access}
        %dma_start3A_543 = arith.constant 0 : i32
        %dma_start3A_544 = tpu.memref_slice %arg10[%select_n3A_99, %add3A_421, %dma_start3A_543] : memref<2x32x128xi32, #tpu.memory_space<vmem>> -> memref<1x1x128xi32, #tpu.memory_space<vmem>>
        %dma_start3A_545 = tpu.memref_squeeze %dma_start3A_544 : memref<1x1x128xi32, #tpu.memory_space<vmem>> -> memref<128xi32, #tpu.memory_space<vmem>>
        %dma_start3A_546 = arith.constant 0 : i32
        %dma_start3A_547 = arith.constant 0 : i32
        %dma_start3A_548 = tpu.memref_slice %arg27[%dma_start3A_546, %dma_start3A_547] : memref<10240x64xf32, #tpu.memory_space<vmem_shared>> -> memref<10240x64xf32, #tpu.memory_space<vmem_shared>>
        tpu.enqueue_indirect_dma source(%arg17 : memref<128x64xf32, #tpu.memory_space<vmem>>) target(%dma_start3A_548 : memref<10240x64xf32, #tpu.memory_space<vmem_shared>>) offsets(%dma_start3A_545 : memref<128xi32, #tpu.memory_space<vmem>>) semaphore(%arg23 : memref<!tpu.dma_semaphore, #tpu.memory_space<semaphore_mem>>) {add = true}
        %mul3A_549 = arith.constant 4 : i32
        %mul3A_550 = arith.muli %scan3A_159, %mul3A_549 : i32
        %add3A_551 = arith.constant 3 : i32
        %add3A_552 = arith.addi %mul3A_550, %add3A_551 : i32
        %add3A_553 = arith.constant 3 : i32
        %add3A_554 = arith.addi %add3A_552, %add3A_553 : i32
        %lt3A_555 = arith.constant 32 : i32
        %lt3A_556 = arith.cmpi slt, %add3A_554, %lt3A_555 : i32
        %convert_element_type3A_557 = arith.extui %lt3A_556 : i1 to i32
        %cond3A_558 = arith.constant 0 : i32
        %cond3A_559 = arith.cmpi ne, %convert_element_type3A_557, %cond3A_558 : i32
        scf.if %cond3A_559 {
          %add3A_680 = arith.constant 3 : i32
          %add3A_681 = arith.addi %add3A_552, %add3A_680 : i32
          %dma_start3A_682 = arith.constant 0 : i32
          %dma_start3A_683 = tpu.memref_slice %arg9[%select_n3A_99, %add3A_681, %dma_start3A_682] : memref<2x32x128xi32, #tpu.memory_space<vmem>> -> memref<1x1x128xi32, #tpu.memory_space<vmem>>
          %dma_start3A_684 = tpu.memref_squeeze %dma_start3A_683 : memref<1x1x128xi32, #tpu.memory_space<vmem>> -> memref<128xi32, #tpu.memory_space<vmem>>
          %dma_start3A_685 = arith.constant 0 : i32
          %dma_start3A_686 = arith.constant 0 : i32
          %dma_start3A_687 = tpu.memref_slice %arg2[%arg0, %dma_start3A_685, %dma_start3A_686] : memref<2x10000x64xbf16, #tpu.memory_space<hbm>> -> memref<1x10000x64xbf16, #tpu.memory_space<hbm>>
          %dma_start3A_688 = tpu.memref_squeeze %dma_start3A_687 : memref<1x10000x64xbf16, #tpu.memory_space<hbm>> -> memref<10000x64xbf16, #tpu.memory_space<hbm>>
          %dma_start3A_689 = arith.constant 0 : i32
          %dma_start3A_690 = arith.constant 0 : i32
          %dma_start3A_691 = tpu.memref_slice %dma_start3A_688[%dma_start3A_689, %dma_start3A_690] : memref<10000x64xbf16, #tpu.memory_space<hbm>> -> memref<10000x64xbf16, #tpu.memory_space<hbm>>
          tpu.enqueue_indirect_dma source(%dma_start3A_691 : memref<10000x64xbf16, #tpu.memory_space<hbm>>) target(%arg15 : memref<128x64xbf16, #tpu.memory_space<vmem>>) offsets(%dma_start3A_684 : memref<128xi32, #tpu.memory_space<vmem>>) semaphore(%arg21 : memref<!tpu.dma_semaphore, #tpu.memory_space<semaphore_mem>>)
        } else {
        }
        %get3A_560 = arith.index_cast %select_n3A_99 : i32 to index
        %get3A_561 = arith.index_cast %add3A_552 : i32 to index
        %get3A_562 = arith.constant 0 : index
        %get3A_563 = tpu.vector_load %arg9[%get3A_560, %get3A_561, %get3A_562] {strides = array<i32>} : memref<2x32x128xi32, #tpu.memory_space<vmem>>, vector<16xi32>,
        %get3A_564 = arith.index_cast %select_n3A_99 : i32 to index
        %get3A_565 = arith.index_cast %add3A_552 : i32 to index
        %get3A_566 = arith.constant 0 : index
        %get3A_567 = tpu.vector_load %arg11[%get3A_564, %get3A_565, %get3A_566] {strides = array<i32>} : memref<2x32x128xf32, #tpu.memory_space<vmem>>, vector<16xf32>,
        %gather3A_568 = tpu.vector_load_idx %arg8[%get3A_563] : memref<10240xf32, #tpu.memory_space<vmem>>[vector<16xi32>], vector<16xf32>,
        %mul3A_569 = arith.mulf %get3A_567, %gather3A_568 : vector<16xf32>
        %swap3A_570 = arith.constant 0 : index
        %swap3A_571 = tpu.vector_load %arg12[%swap3A_570] {strides = array<i32>} : memref<144xf32, #tpu.memory_space<vmem>>, vector<16xf32>,
        tpu.vector_store %arg12[%swap3A_570], %mul3A_569 {strides = array<i32>} : memref<144xf32, #tpu.memory_space<vmem>>, vector<16xf32>,
        %get3A_572 = arith.index_cast %select_n3A_99 : i32 to index
        %get3A_573 = arith.index_cast %add3A_552 : i32 to index
        %get3A_574 = arith.constant 16 : index
        %get3A_575 = tpu.vector_load %arg9[%get3A_572, %get3A_573, %get3A_574] {strides = array<i32>} : memref<2x32x128xi32, #tpu.memory_space<vmem>>, vector<16xi32>,
        %get3A_576 = arith.index_cast %select_n3A_99 : i32 to index
        %get3A_577 = arith.index_cast %add3A_552 : i32 to index
        %get3A_578 = arith.constant 16 : index
        %get3A_579 = tpu.vector_load %arg11[%get3A_576, %get3A_577, %get3A_578] {strides = array<i32>} : memref<2x32x128xf32, #tpu.memory_space<vmem>>, vector<16xf32>,
        %gather3A_580 = tpu.vector_load_idx %arg8[%get3A_575] : memref<10240xf32, #tpu.memory_space<vmem>>[vector<16xi32>], vector<16xf32>,
        %mul3A_581 = arith.mulf %get3A_579, %gather3A_580 : vector<16xf32>
        %swap3A_582 = arith.constant 16 : index
        %swap3A_583 = tpu.vector_load %arg12[%swap3A_582] {strides = array<i32>} : memref<144xf32, #tpu.memory_space<vmem>>, vector<16xf32>,
        tpu.vector_store %arg12[%swap3A_582], %mul3A_581 {strides = array<i32>} : memref<144xf32, #tpu.memory_space<vmem>>, vector<16xf32>,
        %get3A_584 = arith.index_cast %select_n3A_99 : i32 to index
        %get3A_585 = arith.index_cast %add3A_552 : i32 to index
        %get3A_586 = arith.constant 32 : index
        %get3A_587 = tpu.vector_load %arg9[%get3A_584, %get3A_585, %get3A_586] {strides = array<i32>} : memref<2x32x128xi32, #tpu.memory_space<vmem>>, vector<16xi32>,
        %get3A_588 = arith.index_cast %select_n3A_99 : i32 to index
        %get3A_589 = arith.index_cast %add3A_552 : i32 to index
        %get3A_590 = arith.constant 32 : index
        %get3A_591 = tpu.vector_load %arg11[%get3A_588, %get3A_589, %get3A_590] {strides = array<i32>} : memref<2x32x128xf32, #tpu.memory_space<vmem>>, vector<16xf32>,
        %gather3A_592 = tpu.vector_load_idx %arg8[%get3A_587] : memref<10240xf32, #tpu.memory_space<vmem>>[vector<16xi32>], vector<16xf32>,
        %mul3A_593 = arith.mulf %get3A_591, %gather3A_592 : vector<16xf32>
        %swap3A_594 = arith.constant 32 : index
        %swap3A_595 = tpu.vector_load %arg12[%swap3A_594] {strides = array<i32>} : memref<144xf32, #tpu.memory_space<vmem>>, vector<16xf32>,
        tpu.vector_store %arg12[%swap3A_594], %mul3A_593 {strides = array<i32>} : memref<144xf32, #tpu.memory_space<vmem>>, vector<16xf32>,
        %get3A_596 = arith.index_cast %select_n3A_99 : i32 to index
        %get3A_597 = arith.index_cast %add3A_552 : i32 to index
        %get3A_598 = arith.constant 48 : index
        %get3A_599 = tpu.vector_load %arg9[%get3A_596, %get3A_597, %get3A_598] {strides = array<i32>} : memref<2x32x128xi32, #tpu.memory_space<vmem>>, vector<16xi32>,
        %get3A_600 = arith.index_cast %select_n3A_99 : i32 to index
        %get3A_601 = arith.index_cast %add3A_552 : i32 to index
        %get3A_602 = arith.constant 48 : index
        %get3A_603 = tpu.vector_load %arg11[%get3A_600, %get3A_601, %get3A_602] {strides = array<i32>} : memref<2x32x128xf32, #tpu.memory_space<vmem>>, vector<16xf32>,
        %gather3A_604 = tpu.vector_load_idx %arg8[%get3A_599] : memref<10240xf32, #tpu.memory_space<vmem>>[vector<16xi32>], vector<16xf32>,
        %mul3A_605 = arith.mulf %get3A_603, %gather3A_604 : vector<16xf32>
        %swap3A_606 = arith.constant 48 : index
        %swap3A_607 = tpu.vector_load %arg12[%swap3A_606] {strides = array<i32>} : memref<144xf32, #tpu.memory_space<vmem>>, vector<16xf32>,
        tpu.vector_store %arg12[%swap3A_606], %mul3A_605 {strides = array<i32>} : memref<144xf32, #tpu.memory_space<vmem>>, vector<16xf32>,
        %get3A_608 = arith.index_cast %select_n3A_99 : i32 to index
        %get3A_609 = arith.index_cast %add3A_552 : i32 to index
        %get3A_610 = arith.constant 64 : index
        %get3A_611 = tpu.vector_load %arg9[%get3A_608, %get3A_609, %get3A_610] {strides = array<i32>} : memref<2x32x128xi32, #tpu.memory_space<vmem>>, vector<16xi32>,
        %get3A_612 = arith.index_cast %select_n3A_99 : i32 to index
        %get3A_613 = arith.index_cast %add3A_552 : i32 to index
        %get3A_614 = arith.constant 64 : index
        %get3A_615 = tpu.vector_load %arg11[%get3A_612, %get3A_613, %get3A_614] {strides = array<i32>} : memref<2x32x128xf32, #tpu.memory_space<vmem>>, vector<16xf32>,
        %gather3A_616 = tpu.vector_load_idx %arg8[%get3A_611] : memref<10240xf32, #tpu.memory_space<vmem>>[vector<16xi32>], vector<16xf32>,
        %mul3A_617 = arith.mulf %get3A_615, %gather3A_616 : vector<16xf32>
        %swap3A_618 = arith.constant 64 : index
        %swap3A_619 = tpu.vector_load %arg12[%swap3A_618] {strides = array<i32>} : memref<144xf32, #tpu.memory_space<vmem>>, vector<16xf32>,
        tpu.vector_store %arg12[%swap3A_618], %mul3A_617 {strides = array<i32>} : memref<144xf32, #tpu.memory_space<vmem>>, vector<16xf32>,
        %get3A_620 = arith.index_cast %select_n3A_99 : i32 to index
        %get3A_621 = arith.index_cast %add3A_552 : i32 to index
        %get3A_622 = arith.constant 80 : index
        %get3A_623 = tpu.vector_load %arg9[%get3A_620, %get3A_621, %get3A_622] {strides = array<i32>} : memref<2x32x128xi32, #tpu.memory_space<vmem>>, vector<16xi32>,
        %get3A_624 = arith.index_cast %select_n3A_99 : i32 to index
        %get3A_625 = arith.index_cast %add3A_552 : i32 to index
        %get3A_626 = arith.constant 80 : index
        %get3A_627 = tpu.vector_load %arg11[%get3A_624, %get3A_625, %get3A_626] {strides = array<i32>} : memref<2x32x128xf32, #tpu.memory_space<vmem>>, vector<16xf32>,
        %gather3A_628 = tpu.vector_load_idx %arg8[%get3A_623] : memref<10240xf32, #tpu.memory_space<vmem>>[vector<16xi32>], vector<16xf32>,
        %mul3A_629 = arith.mulf %get3A_627, %gather3A_628 : vector<16xf32>
        %swap3A_630 = arith.constant 80 : index
        %swap3A_631 = tpu.vector_load %arg12[%swap3A_630] {strides = array<i32>} : memref<144xf32, #tpu.memory_space<vmem>>, vector<16xf32>,
        tpu.vector_store %arg12[%swap3A_630], %mul3A_629 {strides = array<i32>} : memref<144xf32, #tpu.memory_space<vmem>>, vector<16xf32>,
        %get3A_632 = arith.index_cast %select_n3A_99 : i32 to index
        %get3A_633 = arith.index_cast %add3A_552 : i32 to index
        %get3A_634 = arith.constant 96 : index
        %get3A_635 = tpu.vector_load %arg9[%get3A_632, %get3A_633, %get3A_634] {strides = array<i32>} : memref<2x32x128xi32, #tpu.memory_space<vmem>>, vector<16xi32>,
        %get3A_636 = arith.index_cast %select_n3A_99 : i32 to index
        %get3A_637 = arith.index_cast %add3A_552 : i32 to index
        %get3A_638 = arith.constant 96 : index
        %get3A_639 = tpu.vector_load %arg11[%get3A_636, %get3A_637, %get3A_638] {strides = array<i32>} : memref<2x32x128xf32, #tpu.memory_space<vmem>>, vector<16xf32>,
        %gather3A_640 = tpu.vector_load_idx %arg8[%get3A_635] : memref<10240xf32, #tpu.memory_space<vmem>>[vector<16xi32>], vector<16xf32>,
        %mul3A_641 = arith.mulf %get3A_639, %gather3A_640 : vector<16xf32>
        %swap3A_642 = arith.constant 96 : index
        %swap3A_643 = tpu.vector_load %arg12[%swap3A_642] {strides = array<i32>} : memref<144xf32, #tpu.memory_space<vmem>>, vector<16xf32>,
        tpu.vector_store %arg12[%swap3A_642], %mul3A_641 {strides = array<i32>} : memref<144xf32, #tpu.memory_space<vmem>>, vector<16xf32>,
        %get3A_644 = arith.index_cast %select_n3A_99 : i32 to index
        %get3A_645 = arith.index_cast %add3A_552 : i32 to index
        %get3A_646 = arith.constant 112 : index
        %get3A_647 = tpu.vector_load %arg9[%get3A_644, %get3A_645, %get3A_646] {strides = array<i32>} : memref<2x32x128xi32, #tpu.memory_space<vmem>>, vector<16xi32>,
        %get3A_648 = arith.index_cast %select_n3A_99 : i32 to index
        %get3A_649 = arith.index_cast %add3A_552 : i32 to index
        %get3A_650 = arith.constant 112 : index
        %get3A_651 = tpu.vector_load %arg11[%get3A_648, %get3A_649, %get3A_650] {strides = array<i32>} : memref<2x32x128xf32, #tpu.memory_space<vmem>>, vector<16xf32>,
        %gather3A_652 = tpu.vector_load_idx %arg8[%get3A_647] : memref<10240xf32, #tpu.memory_space<vmem>>[vector<16xi32>], vector<16xf32>,
        %mul3A_653 = arith.mulf %get3A_651, %gather3A_652 : vector<16xf32>
        %swap3A_654 = arith.constant 112 : index
        %swap3A_655 = tpu.vector_load %arg12[%swap3A_654] {strides = array<i32>} : memref<144xf32, #tpu.memory_space<vmem>>, vector<16xf32>,
        tpu.vector_store %arg12[%swap3A_654], %mul3A_653 {strides = array<i32>} : memref<144xf32, #tpu.memory_space<vmem>>, vector<16xf32>,
        %dma_wait3A_656 = arith.constant 0 : i32
        %dma_wait3A_657 = tpu.memref_slice %arg9[%select_n3A_99, %add3A_552, %dma_wait3A_656] : memref<2x32x128xi32, #tpu.memory_space<vmem>> -> memref<1x1x128xi32, #tpu.memory_space<vmem>>
        %dma_wait3A_658 = tpu.memref_squeeze %dma_wait3A_657 : memref<1x1x128xi32, #tpu.memory_space<vmem>> -> memref<128xi32, #tpu.memory_space<vmem>>
        %dma_wait3A_659 = arith.constant 0 : i32
        %dma_wait3A_660 = arith.constant 0 : i32
        %dma_wait3A_661 = tpu.memref_slice %arg2[%arg0, %dma_wait3A_659, %dma_wait3A_660] : memref<2x10000x64xbf16, #tpu.memory_space<hbm>> -> memref<1x10000x64xbf16, #tpu.memory_space<hbm>>
        %dma_wait3A_662 = tpu.memref_squeeze %dma_wait3A_661 : memref<1x10000x64xbf16, #tpu.memory_space<hbm>> -> memref<10000x64xbf16, #tpu.memory_space<hbm>>
        %dma_wait3A_663 = arith.constant 0 : i32
        %dma_wait3A_664 = arith.constant 0 : i32
        %dma_wait3A_665 = tpu.memref_slice %dma_wait3A_662[%dma_wait3A_663, %dma_wait3A_664] : memref<10000x64xbf16, #tpu.memory_space<hbm>> -> memref<10000x64xbf16, #tpu.memory_space<hbm>>
        tpu.wait_indirect_dma semaphore(%arg22 : memref<!tpu.dma_semaphore, #tpu.memory_space<semaphore_mem>>) src(%dma_wait3A_665 : memref<10000x64xbf16, #tpu.memory_space<hbm>>) dst(%arg16 : memref<128x64xbf16, #tpu.memory_space<vmem>>)
        %ge3A_666 = arith.constant 2 : i32
        %ge3A_667 = arith.cmpi sge, %add3A_552, %ge3A_666 : i32
        %convert_element_type3A_668 = arith.extui %ge3A_667 : i1 to i32
        %cond3A_669 = arith.constant 0 : i32
        %cond3A_670 = arith.cmpi ne, %convert_element_type3A_668, %cond3A_669 : i32
        scf.if %cond3A_670 {
          %sub3A = arith.constant 2 : i32
          %sub3A_680 = arith.subi %add3A_552, %sub3A : i32
          %dma_wait3A_681 = arith.constant 0 : i32
          %dma_wait3A_682 = tpu.memref_slice %arg10[%select_n3A_99, %sub3A_680, %dma_wait3A_681] : memref<2x32x128xi32, #tpu.memory_space<vmem>> -> memref<1x1x128xi32, #tpu.memory_space<vmem>>
          %dma_wait3A_683 = tpu.memref_squeeze %dma_wait3A_682 : memref<1x1x128xi32, #tpu.memory_space<vmem>> -> memref<128xi32, #tpu.memory_space<vmem>>
          %dma_wait3A_684 = arith.constant 0 : i32
          %dma_wait3A_685 = arith.constant 0 : i32
          %dma_wait3A_686 = tpu.memref_slice %arg27[%dma_wait3A_684, %dma_wait3A_685] : memref<10240x64xf32, #tpu.memory_space<vmem_shared>> -> memref<10240x64xf32, #tpu.memory_space<vmem_shared>>
          tpu.wait_indirect_dma semaphore(%arg24 : memref<!tpu.dma_semaphore, #tpu.memory_space<semaphore_mem>>) src(%arg18 : memref<128x64xf32, #tpu.memory_space<vmem>>) dst(%dma_wait3A_686 : memref<10240x64xf32, #tpu.memory_space<vmem_shared>>)
        } else {
        }
        %parallel_loop3A_671 = arith.constant 0 : i32
        %parallel_loop3A_672 = arith.constant 128 : i32
        %parallel_loop3A_673 = arith.constant 1 : i32
        scf.for %parallel_loop3A_680 = %parallel_loop3A_671 to %parallel_loop3A_672 step %parallel_loop3A_673  : i32 {
          %parallel_loop3A_681 = arith.index_cast %parallel_loop3A_680 : i32 to index
          %parallel_loop3A_682 = tpu.vector_load %arg12[%parallel_loop3A_681] {strides = array<i32>} : memref<144xf32, #tpu.memory_space<vmem>>, vector<16xf32>,
          %parallel_loop3A_683 = vector.extract_strided_slice %parallel_loop3A_682 {offsets = [0], sizes = [1], strides = [1]} : vector<16xf32> to vector<1xf32>
          %parallel_loop3A_684 = vector.extract %parallel_loop3A_683[0] : f32 from vector<1xf32>
          %parallel_loop3A_685 = vector.broadcast %parallel_loop3A_684 : f32 to vector<16xf32>
          %parallel_loop3A_686 = arith.index_cast %parallel_loop3A_680 : i32 to index
          %parallel_loop3A_687 = arith.constant 0 : index
          %parallel_loop3A_688 = tpu.vector_load %arg16[%parallel_loop3A_686, %parallel_loop3A_687] {strides = array<i32>} : memref<128x64xbf16, #tpu.memory_space<vmem>>, vector<32xbf16>,
          %parallel_loop3A_689 = tpu.unpack_subelements %parallel_loop3A_688, 0 {pack_format = #tpu.pack_format<interleaved>} : vector<32xbf16> -> vector<16xf32>
          %parallel_loop3A_690 = tpu.unpack_subelements %parallel_loop3A_688, 1 {pack_format = #tpu.pack_format<interleaved>} : vector<32xbf16> -> vector<16xf32>
          %parallel_loop3A_691 = arith.mulf %parallel_loop3A_689, %parallel_loop3A_685 : vector<16xf32>
          %parallel_loop3A_692 = arith.index_cast %parallel_loop3A_680 : i32 to index
          %parallel_loop3A_693 = arith.constant 0 : index
          %parallel_loop3A_694 = tpu.vector_load %arg18[%parallel_loop3A_692, %parallel_loop3A_693] {strides = array<i32>} : memref<128x64xf32, #tpu.memory_space<vmem>>, vector<16xf32>,
          tpu.vector_store %arg18[%parallel_loop3A_692, %parallel_loop3A_693], %parallel_loop3A_691 {strides = array<i32>} : memref<128x64xf32, #tpu.memory_space<vmem>>, vector<16xf32>,
          %parallel_loop3A_695 = arith.mulf %parallel_loop3A_690, %parallel_loop3A_685 : vector<16xf32>
          %parallel_loop3A_696 = arith.index_cast %parallel_loop3A_680 : i32 to index
          %parallel_loop3A_697 = arith.constant 16 : index
          %parallel_loop3A_698 = tpu.vector_load %arg18[%parallel_loop3A_696, %parallel_loop3A_697] {strides = array<i32>} : memref<128x64xf32, #tpu.memory_space<vmem>>, vector<16xf32>,
          tpu.vector_store %arg18[%parallel_loop3A_696, %parallel_loop3A_697], %parallel_loop3A_695 {strides = array<i32>} : memref<128x64xf32, #tpu.memory_space<vmem>>, vector<16xf32>,
          %parallel_loop3A_699 = arith.index_cast %parallel_loop3A_680 : i32 to index
          %parallel_loop3A_700 = arith.constant 32 : index
          %parallel_loop3A_701 = tpu.vector_load %arg16[%parallel_loop3A_699, %parallel_loop3A_700] {strides = array<i32>} : memref<128x64xbf16, #tpu.memory_space<vmem>>, vector<32xbf16>,
          %parallel_loop3A_702 = tpu.unpack_subelements %parallel_loop3A_701, 0 {pack_format = #tpu.pack_format<interleaved>} : vector<32xbf16> -> vector<16xf32>
          %parallel_loop3A_703 = tpu.unpack_subelements %parallel_loop3A_701, 1 {pack_format = #tpu.pack_format<interleaved>} : vector<32xbf16> -> vector<16xf32>
          %parallel_loop3A_704 = arith.mulf %parallel_loop3A_702, %parallel_loop3A_685 : vector<16xf32>
          %parallel_loop3A_705 = arith.index_cast %parallel_loop3A_680 : i32 to index
          %parallel_loop3A_706 = arith.constant 32 : index
          %parallel_loop3A_707 = tpu.vector_load %arg18[%parallel_loop3A_705, %parallel_loop3A_706] {strides = array<i32>} : memref<128x64xf32, #tpu.memory_space<vmem>>, vector<16xf32>,
          tpu.vector_store %arg18[%parallel_loop3A_705, %parallel_loop3A_706], %parallel_loop3A_704 {strides = array<i32>} : memref<128x64xf32, #tpu.memory_space<vmem>>, vector<16xf32>,
          %parallel_loop3A_708 = arith.mulf %parallel_loop3A_703, %parallel_loop3A_685 : vector<16xf32>
          %parallel_loop3A_709 = arith.index_cast %parallel_loop3A_680 : i32 to index
          %parallel_loop3A_710 = arith.constant 48 : index
          %parallel_loop3A_711 = tpu.vector_load %arg18[%parallel_loop3A_709, %parallel_loop3A_710] {strides = array<i32>} : memref<128x64xf32, #tpu.memory_space<vmem>>, vector<16xf32>,
          tpu.vector_store %arg18[%parallel_loop3A_709, %parallel_loop3A_710], %parallel_loop3A_708 {strides = array<i32>} : memref<128x64xf32, #tpu.memory_space<vmem>>, vector<16xf32>,
        } {sc.loop_unroll_factor = 4 : i64, sc.parallel_access}
        %dma_start3A_674 = arith.constant 0 : i32
        %dma_start3A_675 = tpu.memref_slice %arg10[%select_n3A_99, %add3A_552, %dma_start3A_674] : memref<2x32x128xi32, #tpu.memory_space<vmem>> -> memref<1x1x128xi32, #tpu.memory_space<vmem>>
        %dma_start3A_676 = tpu.memref_squeeze %dma_start3A_675 : memref<1x1x128xi32, #tpu.memory_space<vmem>> -> memref<128xi32, #tpu.memory_space<vmem>>
        %dma_start3A_677 = arith.constant 0 : i32
        %dma_start3A_678 = arith.constant 0 : i32
        %dma_start3A_679 = tpu.memref_slice %arg27[%dma_start3A_677, %dma_start3A_678] : memref<10240x64xf32, #tpu.memory_space<vmem_shared>> -> memref<10240x64xf32, #tpu.memory_space<vmem_shared>>
        tpu.enqueue_indirect_dma source(%arg18 : memref<128x64xf32, #tpu.memory_space<vmem>>) target(%dma_start3A_679 : memref<10240x64xf32, #tpu.memory_space<vmem_shared>>) offsets(%dma_start3A_676 : memref<128xi32, #tpu.memory_space<vmem>>) semaphore(%arg24 : memref<!tpu.dma_semaphore, #tpu.memory_space<semaphore_mem>>) {add = true}
      }
      %scan3A_145 = arith.constant 8 : i32
      %dma_wait3A = arith.constant 30 : i32
      %dma_wait3A_146 = arith.constant 0 : i32
      %dma_wait3A_147 = tpu.memref_slice %arg10[%select_n3A_99, %dma_wait3A, %dma_wait3A_146] : memref<2x32x128xi32, #tpu.memory_space<vmem>> -> memref<1x1x128xi32, #tpu.memory_space<vmem>>
      %dma_wait3A_148 = tpu.memref_squeeze %dma_wait3A_147 : memref<1x1x128xi32, #tpu.memory_space<vmem>> -> memref<128xi32, #tpu.memory_space<vmem>>
      %dma_wait3A_149 = arith.constant 0 : i32
      %dma_wait3A_150 = arith.constant 0 : i32
      %dma_wait3A_151 = tpu.memref_slice %arg27[%dma_wait3A_149, %dma_wait3A_150] : memref<10240x64xf32, #tpu.memory_space<vmem_shared>> -> memref<10240x64xf32, #tpu.memory_space<vmem_shared>>
      tpu.wait_indirect_dma semaphore(%arg23 : memref<!tpu.dma_semaphore, #tpu.memory_space<semaphore_mem>>) src(%arg17 : memref<128x64xf32, #tpu.memory_space<vmem>>) dst(%dma_wait3A_151 : memref<10240x64xf32, #tpu.memory_space<vmem_shared>>)
      %dma_wait3A_152 = arith.constant 31 : i32
      %dma_wait3A_153 = arith.constant 0 : i32
      %dma_wait3A_154 = tpu.memref_slice %arg10[%select_n3A_99, %dma_wait3A_152, %dma_wait3A_153] : memref<2x32x128xi32, #tpu.memory_space<vmem>> -> memref<1x1x128xi32, #tpu.memory_space<vmem>>
      %dma_wait3A_155 = tpu.memref_squeeze %dma_wait3A_154 : memref<1x1x128xi32, #tpu.memory_space<vmem>> -> memref<128xi32, #tpu.memory_space<vmem>>
      %dma_wait3A_156 = arith.constant 0 : i32
      %dma_wait3A_157 = arith.constant 0 : i32
      %dma_wait3A_158 = tpu.memref_slice %arg27[%dma_wait3A_156, %dma_wait3A_157] : memref<10240x64xf32, #tpu.memory_space<vmem_shared>> -> memref<10240x64xf32, #tpu.memory_space<vmem_shared>>
      tpu.wait_indirect_dma semaphore(%arg24 : memref<!tpu.dma_semaphore, #tpu.memory_space<semaphore_mem>>) src(%arg18 : memref<128x64xf32, #tpu.memory_space<vmem>>) dst(%dma_wait3A_158 : memref<10240x64xf32, #tpu.memory_space<vmem_shared>>)
    }
    %scan3A_68 = arith.constant 5 : i32
    %barrier3A_69 = arith.constant 0 : index
    tpu.barrier barrier_id(%barrier3A_69)
    %add3A_70 = arith.constant 0 : i32
    %add3A_71 = arith.addi %mul3A_2, %add3A_70 : i32
    %add3A_72 = arith.constant 0 : i32
    %add3A_73 = arith.addi %mul3A_2, %add3A_72 : i32
    "tpu.region"() ({
      %run_scoped3A = tpu.sem_alloc : memref<!tpu.dma_semaphore, #tpu.memory_space<semaphore_mem>>
      %dma_start3A_90 = arith.constant 0 : i32
      %dma_start3A_91 = arith.constant 0 : i32
      %dma_start3A_92 = tpu.memref_slice %arg7[%arg0, %dma_start3A_90, %dma_start3A_91] : memref<2x10240x64xf32, #tpu.memory_space<hbm>> -> memref<1x10240x64xf32, #tpu.memory_space<hbm>>
      %dma_start3A_93 = tpu.memref_squeeze %dma_start3A_92 : memref<1x10240x64xf32, #tpu.memory_space<hbm>> -> memref<10240x64xf32, #tpu.memory_space<hbm>>
      %dma_start3A_94 = arith.constant 0 : i32
      %dma_start3A_95 = tpu.memref_slice %dma_start3A_93[%add3A_73, %dma_start3A_94] : memref<10240x64xf32, #tpu.memory_space<hbm>> -> memref<128x64xf32, #tpu.memory_space<hbm>>
      %dma_start3A_96 = arith.constant 0 : i32
      %dma_start3A_97 = tpu.memref_slice %arg27[%add3A_71, %dma_start3A_96] : memref<10240x64xf32, #tpu.memory_space<vmem_shared>> -> memref<128x64xf32, #tpu.memory_space<vmem_shared>>
      tpu.enqueue_dma source(%dma_start3A_97 : memref<128x64xf32, #tpu.memory_space<vmem_shared>>) target(%dma_start3A_95 : memref<128x64xf32, #tpu.memory_space<hbm>>) target_semaphore(%run_scoped3A : memref<!tpu.dma_semaphore, #tpu.memory_space<semaphore_mem>>)
      %dma_wait3A = arith.constant 0 : i32
      %dma_wait3A_98 = arith.constant 0 : i32
      %dma_wait3A_99 = tpu.memref_slice %arg7[%arg0, %dma_wait3A, %dma_wait3A_98] : memref<2x10240x64xf32, #tpu.memory_space<hbm>> -> memref<1x10240x64xf32, #tpu.memory_space<hbm>>
      %dma_wait3A_100 = tpu.memref_squeeze %dma_wait3A_99 : memref<1x10240x64xf32, #tpu.memory_space<hbm>> -> memref<10240x64xf32, #tpu.memory_space<hbm>>
      %dma_wait3A_101 = arith.constant 0 : i32
      %dma_wait3A_102 = tpu.memref_slice %dma_wait3A_100[%add3A_73, %dma_wait3A_101] : memref<10240x64xf32, #tpu.memory_space<hbm>> -> memref<128x64xf32, #tpu.memory_space<hbm>>
      %dma_wait3A_103 = arith.constant 0 : i32
      %dma_wait3A_104 = tpu.memref_slice %arg27[%add3A_71, %dma_wait3A_103] : memref<10240x64xf32, #tpu.memory_space<vmem_shared>> -> memref<128x64xf32, #tpu.memory_space<vmem_shared>>
      tpu.wait_dma2 semaphore(%run_scoped3A : memref<!tpu.dma_semaphore, #tpu.memory_space<semaphore_mem>>) src(%dma_wait3A_104 : memref<128x64xf32, #tpu.memory_space<vmem_shared>>) dst(%dma_wait3A_102 : memref<128x64xf32, #tpu.memory_space<hbm>>)
      tpu.yield
    }) : () -> ()
    %add3A_74 = arith.constant 128 : i32
    %add3A_75 = arith.addi %mul3A_2, %add3A_74 : i32
    %add3A_76 = arith.constant 128 : i32
    %add3A_77 = arith.addi %mul3A_2, %add3A_76 : i32
    "tpu.region"() ({
      %run_scoped3A = tpu.sem_alloc : memref<!tpu.dma_semaphore, #tpu.memory_space<semaphore_mem>>
      %dma_start3A_90 = arith.constant 0 : i32
      %dma_start3A_91 = arith.constant 0 : i32
      %dma_start3A_92 = tpu.memref_slice %arg7[%arg0, %dma_start3A_90, %dma_start3A_91] : memref<2x10240x64xf32, #tpu.memory_space<hbm>> -> memref<1x10240x64xf32, #tpu.memory_space<hbm>>
      %dma_start3A_93 = tpu.memref_squeeze %dma_start3A_92 : memref<1x10240x64xf32, #tpu.memory_space<hbm>> -> memref<10240x64xf32, #tpu.memory_space<hbm>>
      %dma_start3A_94 = arith.constant 0 : i32
      %dma_start3A_95 = tpu.memref_slice %dma_start3A_93[%add3A_77, %dma_start3A_94] : memref<10240x64xf32, #tpu.memory_space<hbm>> -> memref<128x64xf32, #tpu.memory_space<hbm>>
      %dma_start3A_96 = arith.constant 0 : i32
      %dma_start3A_97 = tpu.memref_slice %arg27[%add3A_75, %dma_start3A_96] : memref<10240x64xf32, #tpu.memory_space<vmem_shared>> -> memref<128x64xf32, #tpu.memory_space<vmem_shared>>
      tpu.enqueue_dma source(%dma_start3A_97 : memref<128x64xf32, #tpu.memory_space<vmem_shared>>) target(%dma_start3A_95 : memref<128x64xf32, #tpu.memory_space<hbm>>) target_semaphore(%run_scoped3A : memref<!tpu.dma_semaphore, #tpu.memory_space<semaphore_mem>>)
      %dma_wait3A = arith.constant 0 : i32
      %dma_wait3A_98 = arith.constant 0 : i32
      %dma_wait3A_99 = tpu.memref_slice %arg7[%arg0, %dma_wait3A, %dma_wait3A_98] : memref<2x10240x64xf32, #tpu.memory_space<hbm>> -> memref<1x10240x64xf32, #tpu.memory_space<hbm>>
      %dma_wait3A_100 = tpu.memref_squeeze %dma_wait3A_99 : memref<1x10240x64xf32, #tpu.memory_space<hbm>> -> memref<10240x64xf32, #tpu.memory_space<hbm>>
      %dma_wait3A_101 = arith.constant 0 : i32
      %dma_wait3A_102 = tpu.memref_slice %dma_wait3A_100[%add3A_77, %dma_wait3A_101] : memref<10240x64xf32, #tpu.memory_space<hbm>> -> memref<128x64xf32, #tpu.memory_space<hbm>>
      %dma_wait3A_103 = arith.constant 0 : i32
      %dma_wait3A_104 = tpu.memref_slice %arg27[%add3A_75, %dma_wait3A_103] : memref<10240x64xf32, #tpu.memory_space<vmem_shared>> -> memref<128x64xf32, #tpu.memory_space<vmem_shared>>
      tpu.wait_dma2 semaphore(%run_scoped3A : memref<!tpu.dma_semaphore, #tpu.memory_space<semaphore_mem>>) src(%dma_wait3A_104 : memref<128x64xf32, #tpu.memory_space<vmem_shared>>) dst(%dma_wait3A_102 : memref<128x64xf32, #tpu.memory_space<hbm>>)
      tpu.yield
    }) : () -> ()
    %add3A_78 = arith.constant 256 : i32
    %add3A_79 = arith.addi %mul3A_2, %add3A_78 : i32
    %add3A_80 = arith.constant 256 : i32
    %add3A_81 = arith.addi %mul3A_2, %add3A_80 : i32
    "tpu.region"() ({
      %run_scoped3A = tpu.sem_alloc : memref<!tpu.dma_semaphore, #tpu.memory_space<semaphore_mem>>
      %dma_start3A_90 = arith.constant 0 : i32
      %dma_start3A_91 = arith.constant 0 : i32
      %dma_start3A_92 = tpu.memref_slice %arg7[%arg0, %dma_start3A_90, %dma_start3A_91] : memref<2x10240x64xf32, #tpu.memory_space<hbm>> -> memref<1x10240x64xf32, #tpu.memory_space<hbm>>
      %dma_start3A_93 = tpu.memref_squeeze %dma_start3A_92 : memref<1x10240x64xf32, #tpu.memory_space<hbm>> -> memref<10240x64xf32, #tpu.memory_space<hbm>>
      %dma_start3A_94 = arith.constant 0 : i32
      %dma_start3A_95 = tpu.memref_slice %dma_start3A_93[%add3A_81, %dma_start3A_94] : memref<10240x64xf32, #tpu.memory_space<hbm>> -> memref<128x64xf32, #tpu.memory_space<hbm>>
      %dma_start3A_96 = arith.constant 0 : i32
      %dma_start3A_97 = tpu.memref_slice %arg27[%add3A_79, %dma_start3A_96] : memref<10240x64xf32, #tpu.memory_space<vmem_shared>> -> memref<128x64xf32, #tpu.memory_space<vmem_shared>>
      tpu.enqueue_dma source(%dma_start3A_97 : memref<128x64xf32, #tpu.memory_space<vmem_shared>>) target(%dma_start3A_95 : memref<128x64xf32, #tpu.memory_space<hbm>>) target_semaphore(%run_scoped3A : memref<!tpu.dma_semaphore, #tpu.memory_space<semaphore_mem>>)
      %dma_wait3A = arith.constant 0 : i32
      %dma_wait3A_98 = arith.constant 0 : i32
      %dma_wait3A_99 = tpu.memref_slice %arg7[%arg0, %dma_wait3A, %dma_wait3A_98] : memref<2x10240x64xf32, #tpu.memory_space<hbm>> -> memref<1x10240x64xf32, #tpu.memory_space<hbm>>
      %dma_wait3A_100 = tpu.memref_squeeze %dma_wait3A_99 : memref<1x10240x64xf32, #tpu.memory_space<hbm>> -> memref<10240x64xf32, #tpu.memory_space<hbm>>
      %dma_wait3A_101 = arith.constant 0 : i32
      %dma_wait3A_102 = tpu.memref_slice %dma_wait3A_100[%add3A_81, %dma_wait3A_101] : memref<10240x64xf32, #tpu.memory_space<hbm>> -> memref<128x64xf32, #tpu.memory_space<hbm>>
      %dma_wait3A_103 = arith.constant 0 : i32
      %dma_wait3A_104 = tpu.memref_slice %arg27[%add3A_79, %dma_wait3A_103] : memref<10240x64xf32, #tpu.memory_space<vmem_shared>> -> memref<128x64xf32, #tpu.memory_space<vmem_shared>>
      tpu.wait_dma2 semaphore(%run_scoped3A : memref<!tpu.dma_semaphore, #tpu.memory_space<semaphore_mem>>) src(%dma_wait3A_104 : memref<128x64xf32, #tpu.memory_space<vmem_shared>>) dst(%dma_wait3A_102 : memref<128x64xf32, #tpu.memory_space<hbm>>)
      tpu.yield
    }) : () -> ()
    %add3A_82 = arith.constant 384 : i32
    %add3A_83 = arith.addi %mul3A_2, %add3A_82 : i32
    %add3A_84 = arith.constant 384 : i32
    %add3A_85 = arith.addi %mul3A_2, %add3A_84 : i32
    "tpu.region"() ({
      %run_scoped3A = tpu.sem_alloc : memref<!tpu.dma_semaphore, #tpu.memory_space<semaphore_mem>>
      %dma_start3A_90 = arith.constant 0 : i32
      %dma_start3A_91 = arith.constant 0 : i32
      %dma_start3A_92 = tpu.memref_slice %arg7[%arg0, %dma_start3A_90, %dma_start3A_91] : memref<2x10240x64xf32, #tpu.memory_space<hbm>> -> memref<1x10240x64xf32, #tpu.memory_space<hbm>>
      %dma_start3A_93 = tpu.memref_squeeze %dma_start3A_92 : memref<1x10240x64xf32, #tpu.memory_space<hbm>> -> memref<10240x64xf32, #tpu.memory_space<hbm>>
      %dma_start3A_94 = arith.constant 0 : i32
      %dma_start3A_95 = tpu.memref_slice %dma_start3A_93[%add3A_85, %dma_start3A_94] : memref<10240x64xf32, #tpu.memory_space<hbm>> -> memref<128x64xf32, #tpu.memory_space<hbm>>
      %dma_start3A_96 = arith.constant 0 : i32
      %dma_start3A_97 = tpu.memref_slice %arg27[%add3A_83, %dma_start3A_96] : memref<10240x64xf32, #tpu.memory_space<vmem_shared>> -> memref<128x64xf32, #tpu.memory_space<vmem_shared>>
      tpu.enqueue_dma source(%dma_start3A_97 : memref<128x64xf32, #tpu.memory_space<vmem_shared>>) target(%dma_start3A_95 : memref<128x64xf32, #tpu.memory_space<hbm>>) target_semaphore(%run_scoped3A : memref<!tpu.dma_semaphore, #tpu.memory_space<semaphore_mem>>)
      %dma_wait3A = arith.constant 0 : i32
      %dma_wait3A_98 = arith.constant 0 : i32
      %dma_wait3A_99 = tpu.memref_slice %arg7[%arg0, %dma_wait3A, %dma_wait3A_98] : memref<2x10240x64xf32, #tpu.memory_space<hbm>> -> memref<1x10240x64xf32, #tpu.memory_space<hbm>>
      %dma_wait3A_100 = tpu.memref_squeeze %dma_wait3A_99 : memref<1x10240x64xf32, #tpu.memory_space<hbm>> -> memref<10240x64xf32, #tpu.memory_space<hbm>>
      %dma_wait3A_101 = arith.constant 0 : i32
      %dma_wait3A_102 = tpu.memref_slice %dma_wait3A_100[%add3A_85, %dma_wait3A_101] : memref<10240x64xf32, #tpu.memory_space<hbm>> -> memref<128x64xf32, #tpu.memory_space<hbm>>
      %dma_wait3A_103 = arith.constant 0 : i32
      %dma_wait3A_104 = tpu.memref_slice %arg27[%add3A_83, %dma_wait3A_103] : memref<10240x64xf32, #tpu.memory_space<vmem_shared>> -> memref<128x64xf32, #tpu.memory_space<vmem_shared>>
      tpu.wait_dma2 semaphore(%run_scoped3A : memref<!tpu.dma_semaphore, #tpu.memory_space<semaphore_mem>>) src(%dma_wait3A_104 : memref<128x64xf32, #tpu.memory_space<vmem_shared>>) dst(%dma_wait3A_102 : memref<128x64xf32, #tpu.memory_space<hbm>>)
      tpu.yield
    }) : () -> ()
    %add3A_86 = arith.constant 512 : i32
    %add3A_87 = arith.addi %mul3A_2, %add3A_86 : i32
    %add3A_88 = arith.constant 512 : i32
    %add3A_89 = arith.addi %mul3A_2, %add3A_88 : i32
    "tpu.region"() ({
      %run_scoped3A = tpu.sem_alloc : memref<!tpu.dma_semaphore, #tpu.memory_space<semaphore_mem>>
      %dma_start3A_90 = arith.constant 0 : i32
      %dma_start3A_91 = arith.constant 0 : i32
      %dma_start3A_92 = tpu.memref_slice %arg7[%arg0, %dma_start3A_90, %dma_start3A_91] : memref<2x10240x64xf32, #tpu.memory_space<hbm>> -> memref<1x10240x64xf32, #tpu.memory_space<hbm>>
      %dma_start3A_93 = tpu.memref_squeeze %dma_start3A_92 : memref<1x10240x64xf32, #tpu.memory_space<hbm>> -> memref<10240x64xf32, #tpu.memory_space<hbm>>
      %dma_start3A_94 = arith.constant 0 : i32
      %dma_start3A_95 = tpu.memref_slice %dma_start3A_93[%add3A_89, %dma_start3A_94] : memref<10240x64xf32, #tpu.memory_space<hbm>> -> memref<128x64xf32, #tpu.memory_space<hbm>>
      %dma_start3A_96 = arith.constant 0 : i32
      %dma_start3A_97 = tpu.memref_slice %arg27[%add3A_87, %dma_start3A_96] : memref<10240x64xf32, #tpu.memory_space<vmem_shared>> -> memref<128x64xf32, #tpu.memory_space<vmem_shared>>
      tpu.enqueue_dma source(%dma_start3A_97 : memref<128x64xf32, #tpu.memory_space<vmem_shared>>) target(%dma_start3A_95 : memref<128x64xf32, #tpu.memory_space<hbm>>) target_semaphore(%run_scoped3A : memref<!tpu.dma_semaphore, #tpu.memory_space<semaphore_mem>>)
      %dma_wait3A = arith.constant 0 : i32
      %dma_wait3A_98 = arith.constant 0 : i32
      %dma_wait3A_99 = tpu.memref_slice %arg7[%arg0, %dma_wait3A, %dma_wait3A_98] : memref<2x10240x64xf32, #tpu.memory_space<hbm>> -> memref<1x10240x64xf32, #tpu.memory_space<hbm>>
      %dma_wait3A_100 = tpu.memref_squeeze %dma_wait3A_99 : memref<1x10240x64xf32, #tpu.memory_space<hbm>> -> memref<10240x64xf32, #tpu.memory_space<hbm>>
      %dma_wait3A_101 = arith.constant 0 : i32
      %dma_wait3A_102 = tpu.memref_slice %dma_wait3A_100[%add3A_89, %dma_wait3A_101] : memref<10240x64xf32, #tpu.memory_space<hbm>> -> memref<128x64xf32, #tpu.memory_space<hbm>>
      %dma_wait3A_103 = arith.constant 0 : i32
      %dma_wait3A_104 = tpu.memref_slice %arg27[%add3A_87, %dma_wait3A_103] : memref<10240x64xf32, #tpu.memory_space<vmem_shared>> -> memref<128x64xf32, #tpu.memory_space<vmem_shared>>
      tpu.wait_dma2 semaphore(%run_scoped3A : memref<!tpu.dma_semaphore, #tpu.memory_space<semaphore_mem>>) src(%dma_wait3A_104 : memref<128x64xf32, #tpu.memory_space<vmem_shared>>) dst(%dma_wait3A_102 : memref<128x64xf32, #tpu.memory_space<hbm>>)
      tpu.yield
    }) : () -> ()
    return
  }
}

#map = affine_map<(d0, d1) -> (0, 0, 0)>
#map1 = affine_map<(d0, d1) -> (0)>
module attributes {stable_mosaic.version = 14 : i64} {
  func.func @_k2_body(%arg0: i32, %arg1: i32, %arg2: memref<32x80x128xi32, #tpu.memory_space<hbm>>, %arg3: memref<32x80x128xi32, #tpu.memory_space<hbm>>, %arg4: memref<10240xf32, #tpu.memory_space<hbm>>, %arg5: memref<10240xf32, #tpu.memory_space<hbm>>, %arg6: memref<2x80x128xf32, #tpu.memory_space<hbm>>, %arg7: memref<32x80x128xf32, #tpu.memory_space<hbm>>, %arg8: memref<10240xf32, #tpu.memory_space<vmem>>, %arg9: memref<10240xf32, #tpu.memory_space<vmem>>, %arg10: memref<80x128xi32, #tpu.memory_space<vmem>>, %arg11: memref<80x128xi32, #tpu.memory_space<vmem>>, %arg12: memref<80x128xf32, #tpu.memory_space<vmem>>, %arg13: memref<10240xf32, #tpu.memory_space<vmem>>, %arg14: memref<80x128xf32, #tpu.memory_space<vmem>>, %arg15: memref<8x128xf32, #tpu.memory_space<vmem>>, %arg16: memref<80xi32, #tpu.memory_space<vmem>>, %arg17: memref<80x128xf32, #tpu.memory_space<vmem_shared>>) attributes {dimension_semantics = [#tpu.dimension_semantics<core_parallel>, #tpu.dimension_semantics<subcore_parallel>], iteration_bounds = array<i64: 2, 16>, scalar_prefetch = 0 : i64, scratch_operands = 10 : i64, tpu.core_type = #tpu.core_type<sc_vector_subcore>, window_params = [{transform_indices = #map}, {transform_indices = #map}, {transform_indices = #map1}, {transform_indices = #map1}, {transform_indices = #map}, {transform_indices = #map}]} {
    %mul3A = arith.constant 2 : i32
    %mul3A_0 = arith.muli %arg1, %mul3A : i32
    %add3A = arith.addi %mul3A_0, %arg0 : i32
    "tpu.region"() ({
      %run_scoped3A = tpu.sem_alloc : memref<!tpu.dma_semaphore, #tpu.memory_space<semaphore_mem>>
      tpu.enqueue_dma source(%arg4 : memref<10240xf32, #tpu.memory_space<hbm>>) target(%arg8 : memref<10240xf32, #tpu.memory_space<vmem>>) target_semaphore(%run_scoped3A : memref<!tpu.dma_semaphore, #tpu.memory_space<semaphore_mem>>)
      tpu.wait_dma2 semaphore(%run_scoped3A : memref<!tpu.dma_semaphore, #tpu.memory_space<semaphore_mem>>) src(%arg4 : memref<10240xf32, #tpu.memory_space<hbm>>) dst(%arg8 : memref<10240xf32, #tpu.memory_space<vmem>>)
      tpu.yield
    }) : () -> ()
    "tpu.region"() ({
      %run_scoped3A = tpu.sem_alloc : memref<!tpu.dma_semaphore, #tpu.memory_space<semaphore_mem>>
      tpu.enqueue_dma source(%arg5 : memref<10240xf32, #tpu.memory_space<hbm>>) target(%arg9 : memref<10240xf32, #tpu.memory_space<vmem>>) target_semaphore(%run_scoped3A : memref<!tpu.dma_semaphore, #tpu.memory_space<semaphore_mem>>)
      tpu.wait_dma2 semaphore(%run_scoped3A : memref<!tpu.dma_semaphore, #tpu.memory_space<semaphore_mem>>) src(%arg5 : memref<10240xf32, #tpu.memory_space<hbm>>) dst(%arg9 : memref<10240xf32, #tpu.memory_space<vmem>>)
      tpu.yield
    }) : () -> ()
    "tpu.region"() ({
      %run_scoped3A = tpu.sem_alloc : memref<!tpu.dma_semaphore, #tpu.memory_space<semaphore_mem>>
      %dma_start3A = arith.constant 0 : i32
      %dma_start3A_29 = arith.constant 0 : i32
      %dma_start3A_30 = tpu.memref_slice %arg2[%add3A, %dma_start3A, %dma_start3A_29] : memref<32x80x128xi32, #tpu.memory_space<hbm>> -> memref<1x80x128xi32, #tpu.memory_space<hbm>>
      %dma_start3A_31 = tpu.memref_squeeze %dma_start3A_30 : memref<1x80x128xi32, #tpu.memory_space<hbm>> -> memref<80x128xi32, #tpu.memory_space<hbm>>
      %dma_start3A_32 = arith.constant 0 : i32
      %dma_start3A_33 = arith.constant 0 : i32
      %dma_start3A_34 = tpu.memref_slice %arg2[%add3A, %dma_start3A_32, %dma_start3A_33] : memref<32x80x128xi32, #tpu.memory_space<hbm>> -> memref<1x80x128xi32, #tpu.memory_space<hbm>>
      %dma_start3A_35 = tpu.memref_squeeze %dma_start3A_34 : memref<1x80x128xi32, #tpu.memory_space<hbm>> -> memref<80x128xi32, #tpu.memory_space<hbm>>
      tpu.enqueue_dma source(%dma_start3A_35 : memref<80x128xi32, #tpu.memory_space<hbm>>) target(%arg10 : memref<80x128xi32, #tpu.memory_space<vmem>>) target_semaphore(%run_scoped3A : memref<!tpu.dma_semaphore, #tpu.memory_space<semaphore_mem>>)
      %dma_wait3A = arith.constant 0 : i32
      %dma_wait3A_36 = arith.constant 0 : i32
      %dma_wait3A_37 = tpu.memref_slice %arg2[%add3A, %dma_wait3A, %dma_wait3A_36] : memref<32x80x128xi32, #tpu.memory_space<hbm>> -> memref<1x80x128xi32, #tpu.memory_space<hbm>>
      %dma_wait3A_38 = tpu.memref_squeeze %dma_wait3A_37 : memref<1x80x128xi32, #tpu.memory_space<hbm>> -> memref<80x128xi32, #tpu.memory_space<hbm>>
      %dma_wait3A_39 = arith.constant 0 : i32
      %dma_wait3A_40 = arith.constant 0 : i32
      %dma_wait3A_41 = tpu.memref_slice %arg2[%add3A, %dma_wait3A_39, %dma_wait3A_40] : memref<32x80x128xi32, #tpu.memory_space<hbm>> -> memref<1x80x128xi32, #tpu.memory_space<hbm>>
      %dma_wait3A_42 = tpu.memref_squeeze %dma_wait3A_41 : memref<1x80x128xi32, #tpu.memory_space<hbm>> -> memref<80x128xi32, #tpu.memory_space<hbm>>
      tpu.wait_dma2 semaphore(%run_scoped3A : memref<!tpu.dma_semaphore, #tpu.memory_space<semaphore_mem>>) src(%dma_wait3A_42 : memref<80x128xi32, #tpu.memory_space<hbm>>) dst(%arg10 : memref<80x128xi32, #tpu.memory_space<vmem>>)
      tpu.yield
    }) : () -> ()
    "tpu.region"() ({
      %run_scoped3A = tpu.sem_alloc : memref<!tpu.dma_semaphore, #tpu.memory_space<semaphore_mem>>
      %dma_start3A = arith.constant 0 : i32
      %dma_start3A_29 = arith.constant 0 : i32
      %dma_start3A_30 = tpu.memref_slice %arg3[%add3A, %dma_start3A, %dma_start3A_29] : memref<32x80x128xi32, #tpu.memory_space<hbm>> -> memref<1x80x128xi32, #tpu.memory_space<hbm>>
      %dma_start3A_31 = tpu.memref_squeeze %dma_start3A_30 : memref<1x80x128xi32, #tpu.memory_space<hbm>> -> memref<80x128xi32, #tpu.memory_space<hbm>>
      %dma_start3A_32 = arith.constant 0 : i32
      %dma_start3A_33 = arith.constant 0 : i32
      %dma_start3A_34 = tpu.memref_slice %arg3[%add3A, %dma_start3A_32, %dma_start3A_33] : memref<32x80x128xi32, #tpu.memory_space<hbm>> -> memref<1x80x128xi32, #tpu.memory_space<hbm>>
      %dma_start3A_35 = tpu.memref_squeeze %dma_start3A_34 : memref<1x80x128xi32, #tpu.memory_space<hbm>> -> memref<80x128xi32, #tpu.memory_space<hbm>>
      tpu.enqueue_dma source(%dma_start3A_35 : memref<80x128xi32, #tpu.memory_space<hbm>>) target(%arg11 : memref<80x128xi32, #tpu.memory_space<vmem>>) target_semaphore(%run_scoped3A : memref<!tpu.dma_semaphore, #tpu.memory_space<semaphore_mem>>)
      %dma_wait3A = arith.constant 0 : i32
      %dma_wait3A_36 = arith.constant 0 : i32
      %dma_wait3A_37 = tpu.memref_slice %arg3[%add3A, %dma_wait3A, %dma_wait3A_36] : memref<32x80x128xi32, #tpu.memory_space<hbm>> -> memref<1x80x128xi32, #tpu.memory_space<hbm>>
      %dma_wait3A_38 = tpu.memref_squeeze %dma_wait3A_37 : memref<1x80x128xi32, #tpu.memory_space<hbm>> -> memref<80x128xi32, #tpu.memory_space<hbm>>
      %dma_wait3A_39 = arith.constant 0 : i32
      %dma_wait3A_40 = arith.constant 0 : i32
      %dma_wait3A_41 = tpu.memref_slice %arg3[%add3A, %dma_wait3A_39, %dma_wait3A_40] : memref<32x80x128xi32, #tpu.memory_space<hbm>> -> memref<1x80x128xi32, #tpu.memory_space<hbm>>
      %dma_wait3A_42 = tpu.memref_squeeze %dma_wait3A_41 : memref<1x80x128xi32, #tpu.memory_space<hbm>> -> memref<80x128xi32, #tpu.memory_space<hbm>>
      tpu.wait_dma2 semaphore(%run_scoped3A : memref<!tpu.dma_semaphore, #tpu.memory_space<semaphore_mem>>) src(%dma_wait3A_42 : memref<80x128xi32, #tpu.memory_space<hbm>>) dst(%arg11 : memref<80x128xi32, #tpu.memory_space<vmem>>)
      tpu.yield
    }) : () -> ()
    %scan3A = arith.constant 0 : i32
    %scan3A_1 = arith.constant 640 : i32
    %scan3A_2 = arith.addi %scan3A, %scan3A_1 : i32
    %scan3A_3 = arith.constant 1 : i32
    scf.for %scan3A_29 = %scan3A to %scan3A_2 step %scan3A_3  : i32 {
      %broadcast_in_dim3A = arith.constant 0.000000e+00 : f32
      %broadcast_in_dim3A_30 = vector.broadcast %broadcast_in_dim3A : f32 to vector<16xf32>
      %mul3A_31 = arith.constant 16 : i32
      %mul3A_32 = arith.muli %scan3A_29, %mul3A_31 : i32
      %swap3A = arith.index_cast %mul3A_32 : i32 to index
      %swap3A_33 = tpu.vector_load %arg13[%swap3A] {strides = array<i32>} : memref<10240xf32, #tpu.memory_space<vmem>>, vector<16xf32>,
      tpu.vector_store %arg13[%swap3A], %broadcast_in_dim3A_30 {strides = array<i32>} : memref<10240xf32, #tpu.memory_space<vmem>>, vector<16xf32>,
    }
    %scan3A_4 = arith.constant 640 : i32
    %scan3A_5 = arith.constant 0 : i32
    %scan3A_6 = arith.constant 64 : i32
    %scan3A_7 = arith.addi %scan3A_5, %scan3A_6 : i32
    %scan3A_8 = arith.constant 1 : i32
    scf.for %scan3A_29 = %scan3A_5 to %scan3A_7 step %scan3A_8  : i32 {
      %broadcast_in_dim3A = arith.constant 0.000000e+00 : f32
      %broadcast_in_dim3A_30 = vector.broadcast %broadcast_in_dim3A : f32 to vector<16xf32>
      %jit3A = arith.constant 8 : i32
      %div3A = arith.divsi %scan3A_29, %jit3A : i32
      %sign3A = arith.constant 0 : i32
      %sign3A_31 = arith.cmpi sgt, %scan3A_29, %sign3A : i32
      %sign3A_32 = arith.extui %sign3A_31 : i1 to i32
      %sign3A_33 = arith.constant 0 : i32
      %sign3A_34 = arith.cmpi slt, %scan3A_29, %sign3A_33 : i32
      %sign3A_35 = arith.extui %sign3A_34 : i1 to i32
      %sign3A_36 = arith.subi %sign3A_32, %sign3A_35 : i32
      %sign3A_37 = arith.constant 0 : i32
      %sign3A_38 = arith.cmpi sgt, %jit3A, %sign3A_37 : i32
      %sign3A_39 = arith.extui %sign3A_38 : i1 to i32
      %sign3A_40 = arith.constant 0 : i32
      %sign3A_41 = arith.cmpi slt, %jit3A, %sign3A_40 : i32
      %sign3A_42 = arith.extui %sign3A_41 : i1 to i32
      %sign3A_43 = arith.subi %sign3A_39, %sign3A_42 : i32
      %ne3A = arith.cmpi ne, %sign3A_36, %sign3A_43 : i32
      %rem3A = arith.remsi %scan3A_29, %jit3A : i32
      %ne3A_44 = arith.constant 0 : i32
      %ne3A_45 = arith.cmpi ne, %rem3A, %ne3A_44 : i32
      %and3A = arith.andi %ne3A, %ne3A_45 : i1
      %sub3A = arith.constant 1 : i32
      %sub3A_46 = arith.subi %div3A, %sub3A : i32
      %select_n3A = arith.select %and3A, %sub3A_46, %div3A : i32
      %jit3A_47 = arith.constant 8 : i32
      %eq3A_48 = arith.constant 0 : i32
      %eq3A_49 = arith.cmpi eq, %jit3A_47, %eq3A_48 : i32
      %jit3A_50 = arith.constant 1 : i32
      %select_n3A_51 = arith.select %eq3A_49, %jit3A_50, %jit3A_47 : i32
      %rem3A_52 = arith.remsi %scan3A_29, %select_n3A_51 : i32
      %ne3A_53 = arith.constant 0 : i32
      %ne3A_54 = arith.cmpi ne, %rem3A_52, %ne3A_53 : i32
      %lt3A_55 = arith.constant 0 : i32
      %lt3A_56 = arith.cmpi slt, %rem3A_52, %lt3A_55 : i32
      %lt3A_57 = arith.constant 0 : i32
      %lt3A_58 = arith.cmpi slt, %select_n3A_51, %lt3A_57 : i32
      %ne3A_59 = arith.xori %lt3A_56, %lt3A_58 : i1
      %and3A_60 = arith.andi %ne3A_59, %ne3A_54 : i1
      %add3A_61 = arith.addi %rem3A_52, %select_n3A_51 : i32
      %select_n3A_62 = arith.select %and3A_60, %add3A_61, %rem3A_52 : i32
      %mul3A_63 = arith.constant 16 : i32
      %mul3A_64 = arith.muli %select_n3A_62, %mul3A_63 : i32
      %swap3A = arith.index_cast %select_n3A : i32 to index
      %swap3A_65 = arith.index_cast %mul3A_64 : i32 to index
      %swap3A_66 = tpu.vector_load %arg15[%swap3A, %swap3A_65] {strides = array<i32>} : memref<8x128xf32, #tpu.memory_space<vmem>>, vector<16xf32>,
      tpu.vector_store %arg15[%swap3A, %swap3A_65], %broadcast_in_dim3A_30 {strides = array<i32>} : memref<8x128xf32, #tpu.memory_space<vmem>>, vector<16xf32>,
    }
    %scan3A_9 = arith.constant 64 : i32
    %scan3A_10 = arith.constant 0 : i32
    %scan3A_11 = arith.constant 5 : i32
    %scan3A_12 = arith.addi %scan3A_10, %scan3A_11 : i32
    %scan3A_13 = arith.constant 1 : i32
    scf.for %scan3A_29 = %scan3A_10 to %scan3A_12 step %scan3A_13  : i32 {
      %iota3A = tpu.iota {dimensions = array<i32: 0>} : vector<16xi32>
      %mul3A_30 = arith.constant 16 : i32
      %mul3A_31 = arith.muli %scan3A_29, %mul3A_30 : i32
      %add3A_32 = vector.broadcast %mul3A_31 : i32 to vector<16xi32>
      %add3A_33 = arith.addi %iota3A, %add3A_32 : vector<16xi32>
      %mul3A_34 = arith.constant 16 : i32
      %mul3A_35 = arith.muli %scan3A_29, %mul3A_34 : i32
      %swap3A = arith.index_cast %mul3A_35 : i32 to index
      %swap3A_36 = tpu.vector_load %arg16[%swap3A] {strides = array<i32>} : memref<80xi32, #tpu.memory_space<vmem>>, vector<16xi32>,
      tpu.vector_store %arg16[%swap3A], %add3A_33 {strides = array<i32>} : memref<80xi32, #tpu.memory_space<vmem>>, vector<16xi32>,
    }
    %scan3A_14 = arith.constant 5 : i32
    %parallel_loop3A = arith.constant 0 : i32
    %parallel_loop3A_15 = arith.constant 640 : i32
    %parallel_loop3A_16 = arith.constant 1 : i32
    scf.for %parallel_loop3A_29 = %parallel_loop3A to %parallel_loop3A_15 step %parallel_loop3A_16  : i32 {
      %parallel_loop3A_30 = arith.constant 8 : i32
      %parallel_loop3A_31 = arith.divsi %parallel_loop3A_29, %parallel_loop3A_30 : i32
      %parallel_loop3A_32 = arith.constant 0 : i32
      %parallel_loop3A_33 = arith.cmpi sgt, %parallel_loop3A_29, %parallel_loop3A_32 : i32
      %parallel_loop3A_34 = arith.extui %parallel_loop3A_33 : i1 to i32
      %parallel_loop3A_35 = arith.constant 0 : i32
      %parallel_loop3A_36 = arith.cmpi slt, %parallel_loop3A_29, %parallel_loop3A_35 : i32
      %parallel_loop3A_37 = arith.extui %parallel_loop3A_36 : i1 to i32
      %parallel_loop3A_38 = arith.subi %parallel_loop3A_34, %parallel_loop3A_37 : i32
      %parallel_loop3A_39 = arith.constant 0 : i32
      %parallel_loop3A_40 = arith.cmpi sgt, %parallel_loop3A_30, %parallel_loop3A_39 : i32
      %parallel_loop3A_41 = arith.extui %parallel_loop3A_40 : i1 to i32
      %parallel_loop3A_42 = arith.constant 0 : i32
      %parallel_loop3A_43 = arith.cmpi slt, %parallel_loop3A_30, %parallel_loop3A_42 : i32
      %parallel_loop3A_44 = arith.extui %parallel_loop3A_43 : i1 to i32
      %parallel_loop3A_45 = arith.subi %parallel_loop3A_41, %parallel_loop3A_44 : i32
      %parallel_loop3A_46 = arith.cmpi ne, %parallel_loop3A_38, %parallel_loop3A_45 : i32
      %parallel_loop3A_47 = arith.remsi %parallel_loop3A_29, %parallel_loop3A_30 : i32
      %parallel_loop3A_48 = arith.constant 0 : i32
      %parallel_loop3A_49 = arith.cmpi ne, %parallel_loop3A_47, %parallel_loop3A_48 : i32
      %parallel_loop3A_50 = arith.andi %parallel_loop3A_46, %parallel_loop3A_49 : i1
      %parallel_loop3A_51 = arith.constant 1 : i32
      %parallel_loop3A_52 = arith.subi %parallel_loop3A_31, %parallel_loop3A_51 : i32
      %parallel_loop3A_53 = arith.select %parallel_loop3A_50, %parallel_loop3A_52, %parallel_loop3A_31 : i32
      %parallel_loop3A_54 = arith.constant 8 : i32
      %parallel_loop3A_55 = arith.constant 0 : i32
      %parallel_loop3A_56 = arith.cmpi eq, %parallel_loop3A_54, %parallel_loop3A_55 : i32
      %parallel_loop3A_57 = arith.constant 1 : i32
      %parallel_loop3A_58 = arith.select %parallel_loop3A_56, %parallel_loop3A_57, %parallel_loop3A_54 : i32
      %parallel_loop3A_59 = arith.remsi %parallel_loop3A_29, %parallel_loop3A_58 : i32
      %parallel_loop3A_60 = arith.constant 0 : i32
      %parallel_loop3A_61 = arith.cmpi ne, %parallel_loop3A_59, %parallel_loop3A_60 : i32
      %parallel_loop3A_62 = arith.constant 0 : i32
      %parallel_loop3A_63 = arith.cmpi slt, %parallel_loop3A_59, %parallel_loop3A_62 : i32
      %parallel_loop3A_64 = arith.constant 0 : i32
      %parallel_loop3A_65 = arith.cmpi slt, %parallel_loop3A_58, %parallel_loop3A_64 : i32
      %parallel_loop3A_66 = arith.xori %parallel_loop3A_63, %parallel_loop3A_65 : i1
      %parallel_loop3A_67 = arith.andi %parallel_loop3A_66, %parallel_loop3A_61 : i1
      %parallel_loop3A_68 = arith.addi %parallel_loop3A_59, %parallel_loop3A_58 : i32
      %parallel_loop3A_69 = arith.select %parallel_loop3A_67, %parallel_loop3A_68, %parallel_loop3A_59 : i32
      %parallel_loop3A_70 = arith.constant 16 : i32
      %parallel_loop3A_71 = arith.muli %parallel_loop3A_69, %parallel_loop3A_70 : i32
      %parallel_loop3A_72 = arith.index_cast %parallel_loop3A_53 : i32 to index
      %parallel_loop3A_73 = arith.index_cast %parallel_loop3A_71 : i32 to index
      %parallel_loop3A_74 = tpu.vector_load %arg10[%parallel_loop3A_72, %parallel_loop3A_73] {strides = array<i32>} : memref<80x128xi32, #tpu.memory_space<vmem>>, vector<16xi32>,
      %parallel_loop3A_75 = arith.constant 16 : i32
      %parallel_loop3A_76 = arith.muli %parallel_loop3A_69, %parallel_loop3A_75 : i32
      %parallel_loop3A_77 = arith.index_cast %parallel_loop3A_53 : i32 to index
      %parallel_loop3A_78 = arith.index_cast %parallel_loop3A_76 : i32 to index
      %parallel_loop3A_79 = tpu.vector_load %arg11[%parallel_loop3A_77, %parallel_loop3A_78] {strides = array<i32>} : memref<80x128xi32, #tpu.memory_space<vmem>>, vector<16xi32>,
      %parallel_loop3A_80 = tpu.vector_load_idx %arg8[%parallel_loop3A_79] : memref<10240xf32, #tpu.memory_space<vmem>>[vector<16xi32>], vector<16xf32>,
      %parallel_loop3A_81 = tpu.vector_load_idx %arg9[%parallel_loop3A_74] : memref<10240xf32, #tpu.memory_space<vmem>>[vector<16xi32>], vector<16xf32>,
      %parallel_loop3A_82 = arith.addf %parallel_loop3A_80, %parallel_loop3A_81 : vector<16xf32>
      %parallel_loop3A_83 = arith.constant 0.000000e+00 : f32
      %parallel_loop3A_84 = vector.broadcast %parallel_loop3A_83 : f32 to vector<16xf32>
      %parallel_loop3A_85 = arith.cmpf oge, %parallel_loop3A_82, %parallel_loop3A_84 : vector<16xf32>
      %parallel_loop3A_86 = arith.constant 2.000000e-01 : f32
      %parallel_loop3A_87 = vector.broadcast %parallel_loop3A_86 : f32 to vector<16xf32>
      %parallel_loop3A_88 = arith.mulf %parallel_loop3A_87, %parallel_loop3A_82 : vector<16xf32>
      %parallel_loop3A_89 = arith.select %parallel_loop3A_85, %parallel_loop3A_82, %parallel_loop3A_88 : vector<16xi1>, vector<16xf32>
      %parallel_loop3A_90 = math.exp %parallel_loop3A_89 : vector<16xf32>
      %parallel_loop3A_91 = arith.cmpi ne, %parallel_loop3A_74, %parallel_loop3A_79 : vector<16xi32>
      %parallel_loop3A_92 = arith.constant 0.000000e+00 : f32
      %parallel_loop3A_93 = vector.broadcast %parallel_loop3A_92 : f32 to vector<16xf32>
      %parallel_loop3A_94 = arith.select %parallel_loop3A_91, %parallel_loop3A_90, %parallel_loop3A_93 : vector<16xi1>, vector<16xf32>
      %parallel_loop3A_95 = arith.constant 16 : i32
      %parallel_loop3A_96 = arith.muli %parallel_loop3A_69, %parallel_loop3A_95 : i32
      %parallel_loop3A_97 = arith.index_cast %parallel_loop3A_53 : i32 to index
      %parallel_loop3A_98 = arith.index_cast %parallel_loop3A_96 : i32 to index
      %parallel_loop3A_99 = tpu.vector_load %arg12[%parallel_loop3A_97, %parallel_loop3A_98] {strides = array<i32>} : memref<80x128xf32, #tpu.memory_space<vmem>>, vector<16xf32>,
      tpu.vector_store %arg12[%parallel_loop3A_97, %parallel_loop3A_98], %parallel_loop3A_94 {strides = array<i32>} : memref<80x128xf32, #tpu.memory_space<vmem>>, vector<16xf32>,
      tpu.vector_store_idx %arg13[%parallel_loop3A_74], %parallel_loop3A_94 {add = true} : memref<10240xf32, #tpu.memory_space<vmem>>[vector<16xi32>], vector<16xf32>,
    } {sc.loop_unroll_factor = 4 : i64, sc.parallel_access}
    "tpu.region"() ({
      %run_scoped3A = tpu.sem_alloc : memref<!tpu.dma_semaphore, #tpu.memory_space<semaphore_mem>>
      %dma_start3A = arith.constant 0 : i32
      %dma_start3A_29 = arith.constant 0 : i32
      %dma_start3A_30 = tpu.memref_slice %arg7[%add3A, %dma_start3A, %dma_start3A_29] : memref<32x80x128xf32, #tpu.memory_space<hbm>> -> memref<1x80x128xf32, #tpu.memory_space<hbm>>
      %dma_start3A_31 = tpu.memref_squeeze %dma_start3A_30 : memref<1x80x128xf32, #tpu.memory_space<hbm>> -> memref<80x128xf32, #tpu.memory_space<hbm>>
      %dma_start3A_32 = arith.constant 0 : i32
      %dma_start3A_33 = arith.constant 0 : i32
      %dma_start3A_34 = tpu.memref_slice %arg7[%add3A, %dma_start3A_32, %dma_start3A_33] : memref<32x80x128xf32, #tpu.memory_space<hbm>> -> memref<1x80x128xf32, #tpu.memory_space<hbm>>
      %dma_start3A_35 = tpu.memref_squeeze %dma_start3A_34 : memref<1x80x128xf32, #tpu.memory_space<hbm>> -> memref<80x128xf32, #tpu.memory_space<hbm>>
      tpu.enqueue_dma source(%arg12 : memref<80x128xf32, #tpu.memory_space<vmem>>) target(%dma_start3A_35 : memref<80x128xf32, #tpu.memory_space<hbm>>) target_semaphore(%run_scoped3A : memref<!tpu.dma_semaphore, #tpu.memory_space<semaphore_mem>>)
      %dma_wait3A = arith.constant 0 : i32
      %dma_wait3A_36 = arith.constant 0 : i32
      %dma_wait3A_37 = tpu.memref_slice %arg7[%add3A, %dma_wait3A, %dma_wait3A_36] : memref<32x80x128xf32, #tpu.memory_space<hbm>> -> memref<1x80x128xf32, #tpu.memory_space<hbm>>
      %dma_wait3A_38 = tpu.memref_squeeze %dma_wait3A_37 : memref<1x80x128xf32, #tpu.memory_space<hbm>> -> memref<80x128xf32, #tpu.memory_space<hbm>>
      %dma_wait3A_39 = arith.constant 0 : i32
      %dma_wait3A_40 = arith.constant 0 : i32
      %dma_wait3A_41 = tpu.memref_slice %arg7[%add3A, %dma_wait3A_39, %dma_wait3A_40] : memref<32x80x128xf32, #tpu.memory_space<hbm>> -> memref<1x80x128xf32, #tpu.memory_space<hbm>>
      %dma_wait3A_42 = tpu.memref_squeeze %dma_wait3A_41 : memref<1x80x128xf32, #tpu.memory_space<hbm>> -> memref<80x128xf32, #tpu.memory_space<hbm>>
      tpu.wait_dma2 semaphore(%run_scoped3A : memref<!tpu.dma_semaphore, #tpu.memory_space<semaphore_mem>>) src(%arg12 : memref<80x128xf32, #tpu.memory_space<vmem>>) dst(%dma_wait3A_42 : memref<80x128xf32, #tpu.memory_space<hbm>>)
      tpu.yield
    }) : () -> ()
    %scan3A_17 = arith.constant 0 : i32
    %scan3A_18 = arith.constant 640 : i32
    %scan3A_19 = arith.addi %scan3A_17, %scan3A_18 : i32
    %scan3A_20 = arith.constant 1 : i32
    scf.for %scan3A_29 = %scan3A_17 to %scan3A_19 step %scan3A_20  : i32 {
      %mul3A_30 = arith.constant 16 : i32
      %mul3A_31 = arith.muli %scan3A_29, %mul3A_30 : i32
      %get3A = arith.index_cast %mul3A_31 : i32 to index
      %get3A_32 = tpu.vector_load %arg13[%get3A] {strides = array<i32>} : memref<10240xf32, #tpu.memory_space<vmem>>, vector<16xf32>,
      %jit3A = arith.constant 8 : i32
      %div3A = arith.divsi %scan3A_29, %jit3A : i32
      %sign3A = arith.constant 0 : i32
      %sign3A_33 = arith.cmpi sgt, %scan3A_29, %sign3A : i32
      %sign3A_34 = arith.extui %sign3A_33 : i1 to i32
      %sign3A_35 = arith.constant 0 : i32
      %sign3A_36 = arith.cmpi slt, %scan3A_29, %sign3A_35 : i32
      %sign3A_37 = arith.extui %sign3A_36 : i1 to i32
      %sign3A_38 = arith.subi %sign3A_34, %sign3A_37 : i32
      %sign3A_39 = arith.constant 0 : i32
      %sign3A_40 = arith.cmpi sgt, %jit3A, %sign3A_39 : i32
      %sign3A_41 = arith.extui %sign3A_40 : i1 to i32
      %sign3A_42 = arith.constant 0 : i32
      %sign3A_43 = arith.cmpi slt, %jit3A, %sign3A_42 : i32
      %sign3A_44 = arith.extui %sign3A_43 : i1 to i32
      %sign3A_45 = arith.subi %sign3A_41, %sign3A_44 : i32
      %ne3A = arith.cmpi ne, %sign3A_38, %sign3A_45 : i32
      %rem3A = arith.remsi %scan3A_29, %jit3A : i32
      %ne3A_46 = arith.constant 0 : i32
      %ne3A_47 = arith.cmpi ne, %rem3A, %ne3A_46 : i32
      %and3A = arith.andi %ne3A, %ne3A_47 : i1
      %sub3A = arith.constant 1 : i32
      %sub3A_48 = arith.subi %div3A, %sub3A : i32
      %select_n3A = arith.select %and3A, %sub3A_48, %div3A : i32
      %jit3A_49 = arith.constant 8 : i32
      %eq3A_50 = arith.constant 0 : i32
      %eq3A_51 = arith.cmpi eq, %jit3A_49, %eq3A_50 : i32
      %jit3A_52 = arith.constant 1 : i32
      %select_n3A_53 = arith.select %eq3A_51, %jit3A_52, %jit3A_49 : i32
      %rem3A_54 = arith.remsi %scan3A_29, %select_n3A_53 : i32
      %ne3A_55 = arith.constant 0 : i32
      %ne3A_56 = arith.cmpi ne, %rem3A_54, %ne3A_55 : i32
      %lt3A_57 = arith.constant 0 : i32
      %lt3A_58 = arith.cmpi slt, %rem3A_54, %lt3A_57 : i32
      %lt3A_59 = arith.constant 0 : i32
      %lt3A_60 = arith.cmpi slt, %select_n3A_53, %lt3A_59 : i32
      %ne3A_61 = arith.xori %lt3A_58, %lt3A_60 : i1
      %and3A_62 = arith.andi %ne3A_61, %ne3A_56 : i1
      %add3A_63 = arith.addi %rem3A_54, %select_n3A_53 : i32
      %select_n3A_64 = arith.select %and3A_62, %add3A_63, %rem3A_54 : i32
      %mul3A_65 = arith.constant 16 : i32
      %mul3A_66 = arith.muli %select_n3A_64, %mul3A_65 : i32
      %swap3A = arith.index_cast %select_n3A : i32 to index
      %swap3A_67 = arith.index_cast %mul3A_66 : i32 to index
      %swap3A_68 = tpu.vector_load %arg14[%swap3A, %swap3A_67] {strides = array<i32>} : memref<80x128xf32, #tpu.memory_space<vmem>>, vector<16xf32>,
      tpu.vector_store %arg14[%swap3A, %swap3A_67], %get3A_32 {strides = array<i32>} : memref<80x128xf32, #tpu.memory_space<vmem>>, vector<16xf32>,
    }
    %scan3A_21 = arith.constant 640 : i32
    %lt3A = arith.constant 10 : i32
    %lt3A_22 = arith.cmpi slt, %arg1, %lt3A : i32
    %convert_element_type3A = arith.extui %lt3A_22 : i1 to i32
    %cond3A = arith.constant 0 : i32
    %cond3A_23 = arith.cmpi ne, %convert_element_type3A, %cond3A : i32
    scf.if %cond3A_23 {
      %mul3A_29 = arith.constant 8 : i32
      %mul3A_30 = arith.muli %arg1, %mul3A_29 : i32
      "tpu.region"() ({
        %run_scoped3A = tpu.sem_alloc : memref<!tpu.dma_semaphore, #tpu.memory_space<semaphore_mem>>
        %dma_start3A = arith.constant 0 : i32
        %dma_start3A_31 = tpu.memref_slice %arg17[%mul3A_30, %dma_start3A] : memref<80x128xf32, #tpu.memory_space<vmem_shared>> -> memref<8x128xf32, #tpu.memory_space<vmem_shared>>
        %dma_start3A_32 = arith.constant 0 : i32
        %dma_start3A_33 = tpu.memref_slice %arg17[%mul3A_30, %dma_start3A_32] : memref<80x128xf32, #tpu.memory_space<vmem_shared>> -> memref<8x128xf32, #tpu.memory_space<vmem_shared>>
        tpu.enqueue_dma source(%arg15 : memref<8x128xf32, #tpu.memory_space<vmem>>) target(%dma_start3A_33 : memref<8x128xf32, #tpu.memory_space<vmem_shared>>) target_semaphore(%run_scoped3A : memref<!tpu.dma_semaphore, #tpu.memory_space<semaphore_mem>>)
        %dma_wait3A = arith.constant 0 : i32
        %dma_wait3A_34 = tpu.memref_slice %arg17[%mul3A_30, %dma_wait3A] : memref<80x128xf32, #tpu.memory_space<vmem_shared>> -> memref<8x128xf32, #tpu.memory_space<vmem_shared>>
        %dma_wait3A_35 = arith.constant 0 : i32
        %dma_wait3A_36 = tpu.memref_slice %arg17[%mul3A_30, %dma_wait3A_35] : memref<80x128xf32, #tpu.memory_space<vmem_shared>> -> memref<8x128xf32, #tpu.memory_space<vmem_shared>>
        tpu.wait_dma2 semaphore(%run_scoped3A : memref<!tpu.dma_semaphore, #tpu.memory_space<semaphore_mem>>) src(%arg15 : memref<8x128xf32, #tpu.memory_space<vmem>>) dst(%dma_wait3A_36 : memref<8x128xf32, #tpu.memory_space<vmem_shared>>)
        tpu.yield
      }) : () -> ()
    } else {
    }
    %barrier3A = arith.constant 0 : index
    tpu.barrier barrier_id(%barrier3A)
    "tpu.region"() ({
      %run_scoped3A = tpu.sem_alloc : memref<!tpu.dma_semaphore, #tpu.memory_space<semaphore_mem>>
      %dma_start3A = arith.constant 0 : i32
      %dma_start3A_29 = arith.constant 0 : i32
      %dma_start3A_30 = tpu.memref_slice %arg17[%dma_start3A, %dma_start3A_29] : memref<80x128xf32, #tpu.memory_space<vmem_shared>> -> memref<80x128xf32, #tpu.memory_space<vmem_shared>>
      tpu.enqueue_indirect_dma source(%arg14 : memref<80x128xf32, #tpu.memory_space<vmem>>) target(%dma_start3A_30 : memref<80x128xf32, #tpu.memory_space<vmem_shared>>) offsets(%arg16 : memref<80xi32, #tpu.memory_space<vmem>>) semaphore(%run_scoped3A : memref<!tpu.dma_semaphore, #tpu.memory_space<semaphore_mem>>) {add = true}
      %dma_wait3A = arith.constant 0 : i32
      %dma_wait3A_31 = arith.constant 0 : i32
      %dma_wait3A_32 = tpu.memref_slice %arg17[%dma_wait3A, %dma_wait3A_31] : memref<80x128xf32, #tpu.memory_space<vmem_shared>> -> memref<80x128xf32, #tpu.memory_space<vmem_shared>>
      tpu.wait_indirect_dma semaphore(%run_scoped3A : memref<!tpu.dma_semaphore, #tpu.memory_space<semaphore_mem>>) src(%arg14 : memref<80x128xf32, #tpu.memory_space<vmem>>) dst(%dma_wait3A_32 : memref<80x128xf32, #tpu.memory_space<vmem_shared>>)
      tpu.yield
    }) : () -> ()
    %barrier3A_24 = arith.constant 0 : index
    tpu.barrier barrier_id(%barrier3A_24)
    %eq3A = arith.constant 0 : i32
    %eq3A_25 = arith.cmpi eq, %arg1, %eq3A : i32
    %convert_element_type3A_26 = arith.extui %eq3A_25 : i1 to i32
    %cond3A_27 = arith.constant 0 : i32
    %cond3A_28 = arith.cmpi ne, %convert_element_type3A_26, %cond3A_27 : i32
    scf.if %cond3A_28 {
      "tpu.region"() ({
        %run_scoped3A = tpu.sem_alloc : memref<!tpu.dma_semaphore, #tpu.memory_space<semaphore_mem>>
        %dma_start3A = arith.constant 0 : i32
        %dma_start3A_29 = arith.constant 0 : i32
        %dma_start3A_30 = tpu.memref_slice %arg6[%arg0, %dma_start3A, %dma_start3A_29] : memref<2x80x128xf32, #tpu.memory_space<hbm>> -> memref<1x80x128xf32, #tpu.memory_space<hbm>>
        %dma_start3A_31 = tpu.memref_squeeze %dma_start3A_30 : memref<1x80x128xf32, #tpu.memory_space<hbm>> -> memref<80x128xf32, #tpu.memory_space<hbm>>
        tpu.enqueue_dma source(%arg17 : memref<80x128xf32, #tpu.memory_space<vmem_shared>>) target(%dma_start3A_31 : memref<80x128xf32, #tpu.memory_space<hbm>>) target_semaphore(%run_scoped3A : memref<!tpu.dma_semaphore, #tpu.memory_space<semaphore_mem>>)
        %dma_wait3A = arith.constant 0 : i32
        %dma_wait3A_32 = arith.constant 0 : i32
        %dma_wait3A_33 = tpu.memref_slice %arg6[%arg0, %dma_wait3A, %dma_wait3A_32] : memref<2x80x128xf32, #tpu.memory_space<hbm>> -> memref<1x80x128xf32, #tpu.memory_space<hbm>>
        %dma_wait3A_34 = tpu.memref_squeeze %dma_wait3A_33 : memref<1x80x128xf32, #tpu.memory_space<hbm>> -> memref<80x128xf32, #tpu.memory_space<hbm>>
        tpu.wait_dma2 semaphore(%run_scoped3A : memref<!tpu.dma_semaphore, #tpu.memory_space<semaphore_mem>>) src(%arg17 : memref<80x128xf32, #tpu.memory_space<vmem_shared>>) dst(%dma_wait3A_34 : memref<80x128xf32, #tpu.memory_space<hbm>>)
        tpu.yield
      }) : () -> ()
    } else {
    }
    return
  }
}

module attributes {stable_mosaic.version = 14 : i64} {
  func.func @_k1_body(%arg0: i32, %arg1: memref<2000x128xf32, #tpu.memory_space<vmem>>, %arg2: memref<128x128xf32, #tpu.memory_space<vmem>>, %arg3: memref<128x128xf32, #tpu.memory_space<vmem>>, %arg4: memref<1x128xf32, #tpu.memory_space<vmem>>, %arg5: memref<1x128xf32, #tpu.memory_space<vmem>>, %arg6: memref<2000x64xf32, #tpu.memory_space<vmem>>, %arg7: memref<2000x64xf32, #tpu.memory_space<vmem>>, %arg8: memref<2000x64xbf16, #tpu.memory_space<vmem>>, %arg9: memref<2000x64xbf16, #tpu.memory_space<vmem>>, %arg10: memref<2000x8xf32, #tpu.memory_space<vmem>>) attributes {dimension_semantics = [#tpu.dimension_semantics<arbitrary>], iteration_bounds = array<i64: 5>, scalar_prefetch = 0 : i64, scratch_operands = 0 : i64, tpu.core_type = #tpu.core_type<tc>, window_params = [{transform_indices = @transform_0, window_bounds = array<i64: 2000, 128>}, {pipeline_mode = #tpu.pipeline_mode<synchronous>, transform_indices = @transform_1, window_bounds = array<i64: 128, 128>}, {pipeline_mode = #tpu.pipeline_mode<synchronous>, transform_indices = @transform_2, window_bounds = array<i64: 128, 128>}, {pipeline_mode = #tpu.pipeline_mode<synchronous>, transform_indices = @transform_3, window_bounds = array<i64: 1, 128>}, {pipeline_mode = #tpu.pipeline_mode<synchronous>, transform_indices = @transform_4, window_bounds = array<i64: 1, 128>}, {transform_indices = @transform_5, window_bounds = array<i64: 2000, 64>}, {transform_indices = @transform_6, window_bounds = array<i64: 2000, 64>}, {transform_indices = @transform_7, window_bounds = array<i64: 2000, 64>}, {transform_indices = @transform_8, window_bounds = array<i64: 2000, 64>}, {transform_indices = @transform_9, window_bounds = array<i64: 2000, 8>}]} {
    %get3A = arith.constant 0 : index
    %get3A_0 = arith.constant 0 : index
    %get3A_1 = vector.load %arg1[%get3A, %get3A_0] : memref<2000x128xf32, #tpu.memory_space<vmem>>, vector<2000x128xf32>
    %get3A_2 = arith.constant 0 : index
    %get3A_3 = arith.constant 0 : index
    %get3A_4 = vector.load %arg2[%get3A_2, %get3A_3] : memref<128x128xf32, #tpu.memory_space<vmem>>, vector<128x128xf32>
    %dot_general3A = arith.constant dense<0.000000e+00> : vector<2000x128xf32>
    %dot_general3A_5 = tpu.matmul %get3A_1, %get3A_4, %dot_general3A {dimension_numbers = #tpu.dot_dimension_numbers<[1], [0], [0], [1], [0, 0, 1, 1], [], []>, transpose_lhs_hint = false} : vector<2000x128xf32>, vector<128x128xf32>, vector<2000x128xf32> -> vector<2000x128xf32>
    %slice3A = vector.extract_strided_slice %dot_general3A_5 {offsets = [0, 0], sizes = [2000, 64], strides = [1, 1]} : vector<2000x128xf32> to vector<2000x64xf32>
    %swap3A = arith.constant 0 : index
    %swap3A_6 = arith.constant 0 : index
    %swap3A_7 = vector.load %arg6[%swap3A, %swap3A_6] : memref<2000x64xf32, #tpu.memory_space<vmem>>, vector<2000x64xf32>
    tpu.vector_store %arg6[%swap3A, %swap3A_6], %slice3A {strides = array<i32>} : memref<2000x64xf32, #tpu.memory_space<vmem>>, vector<2000x64xf32>,
    %slice3A_8 = vector.extract_strided_slice %dot_general3A_5 {offsets = [0, 64], sizes = [2000, 64], strides = [1, 1]} : vector<2000x128xf32> to vector<2000x64xf32>
    %swap3A_9 = arith.constant 0 : index
    %swap3A_10 = arith.constant 0 : index
    %swap3A_11 = vector.load %arg7[%swap3A_9, %swap3A_10] : memref<2000x64xf32, #tpu.memory_space<vmem>>, vector<2000x64xf32>
    tpu.vector_store %arg7[%swap3A_9, %swap3A_10], %slice3A_8 {strides = array<i32>} : memref<2000x64xf32, #tpu.memory_space<vmem>>, vector<2000x64xf32>,
    %get3A_12 = arith.constant 0 : index
    %get3A_13 = arith.constant 0 : index
    %get3A_14 = vector.load %arg3[%get3A_12, %get3A_13] : memref<128x128xf32, #tpu.memory_space<vmem>>, vector<128x128xf32>
    %dot_general3A_15 = arith.constant dense<0.000000e+00> : vector<2000x128xf32>
    %dot_general3A_16 = tpu.matmul %get3A_1, %get3A_14, %dot_general3A_15 {dimension_numbers = #tpu.dot_dimension_numbers<[1], [0], [0], [1], [0, 0, 1, 1], [], []>, transpose_lhs_hint = false} : vector<2000x128xf32>, vector<128x128xf32>, vector<2000x128xf32> -> vector<2000x128xf32>
    %slice3A_17 = vector.extract_strided_slice %dot_general3A_16 {offsets = [0, 0], sizes = [2000, 64], strides = [1, 1]} : vector<2000x128xf32> to vector<2000x64xf32>
    %convert_element_type3A = arith.truncf %slice3A_17 : vector<2000x64xf32> to vector<2000x64xbf16>
    %swap3A_18 = arith.constant 0 : index
    %swap3A_19 = arith.constant 0 : index
    %swap3A_20 = vector.load %arg8[%swap3A_18, %swap3A_19] : memref<2000x64xbf16, #tpu.memory_space<vmem>>, vector<2000x64xbf16>
    tpu.vector_store %arg8[%swap3A_18, %swap3A_19], %convert_element_type3A {strides = array<i32>} : memref<2000x64xbf16, #tpu.memory_space<vmem>>, vector<2000x64xbf16>,
    %slice3A_21 = vector.extract_strided_slice %dot_general3A_16 {offsets = [0, 64], sizes = [2000, 64], strides = [1, 1]} : vector<2000x128xf32> to vector<2000x64xf32>
    %convert_element_type3A_22 = arith.truncf %slice3A_21 : vector<2000x64xf32> to vector<2000x64xbf16>
    %swap3A_23 = arith.constant 0 : index
    %swap3A_24 = arith.constant 0 : index
    %swap3A_25 = vector.load %arg9[%swap3A_23, %swap3A_24] : memref<2000x64xbf16, #tpu.memory_space<vmem>>, vector<2000x64xbf16>
    tpu.vector_store %arg9[%swap3A_23, %swap3A_24], %convert_element_type3A_22 {strides = array<i32>} : memref<2000x64xbf16, #tpu.memory_space<vmem>>, vector<2000x64xbf16>,
    %get3A_26 = arith.constant 0 : index
    %get3A_27 = arith.constant 0 : index
    %get3A_28 = vector.load %arg4[%get3A_26, %get3A_27] : memref<1x128xf32, #tpu.memory_space<vmem>>, vector<1x128xf32>
    %mul3A = vector.broadcast %get3A_28 : vector<1x128xf32> to vector<2000x128xf32>
    %mul3A_29 = arith.mulf %dot_general3A_5, %mul3A : vector<2000x128xf32>
    %reduce_sum3A = arith.constant dense<0.000000e+00> : vector<2000xf32>
    %reduce_sum3A_30 = vector.multi_reduction <add>, %mul3A_29, %reduce_sum3A [1] : vector<2000x128xf32> to vector<2000xf32>
    %get3A_31 = arith.constant 0 : index
    %get3A_32 = arith.constant 0 : index
    %get3A_33 = vector.load %arg5[%get3A_31, %get3A_32] : memref<1x128xf32, #tpu.memory_space<vmem>>, vector<1x128xf32>
    %mul3A_34 = vector.broadcast %get3A_33 : vector<1x128xf32> to vector<2000x128xf32>
    %mul3A_35 = arith.mulf %dot_general3A_5, %mul3A_34 : vector<2000x128xf32>
    %reduce_sum3A_36 = arith.constant dense<0.000000e+00> : vector<2000xf32>
    %reduce_sum3A_37 = vector.multi_reduction <add>, %mul3A_35, %reduce_sum3A_36 [1] : vector<2000x128xf32> to vector<2000xf32>
    %add3A = arith.addf %reduce_sum3A_30, %reduce_sum3A_37 : vector<2000xf32>
    %ge3A = arith.constant 0.000000e+00 : f32
    %ge3A_38 = vector.broadcast %ge3A : f32 to vector<2000xf32>
    %ge3A_39 = arith.cmpf oge, %add3A, %ge3A_38 : vector<2000xf32>
    %mul3A_40 = arith.constant 2.000000e-01 : f32
    %mul3A_41 = vector.broadcast %mul3A_40 : f32 to vector<2000xf32>
    %mul3A_42 = arith.mulf %mul3A_41, %add3A : vector<2000xf32>
    %select_n3A = arith.select %ge3A_39, %add3A, %mul3A_42 : vector<2000xi1>, vector<2000xf32>
    %exp3A = math.exp %select_n3A : vector<2000xf32>
    %broadcast_in_dim3A = arith.constant 0.000000e+00 : f32
    %broadcast_in_dim3A_43 = vector.broadcast %broadcast_in_dim3A : f32 to vector<2000xf32>
    %stack3A = vector.shape_cast %reduce_sum3A_30 : vector<2000xf32> to vector<2000x1xf32>
    %stack3A_44 = vector.shape_cast %reduce_sum3A_37 : vector<2000xf32> to vector<2000x1xf32>
    %stack3A_45 = vector.shape_cast %exp3A : vector<2000xf32> to vector<2000x1xf32>
    %stack3A_46 = vector.shape_cast %broadcast_in_dim3A_43 : vector<2000xf32> to vector<2000x1xf32>
    %stack3A_47 = vector.shape_cast %broadcast_in_dim3A_43 : vector<2000xf32> to vector<2000x1xf32>
    %stack3A_48 = vector.shape_cast %broadcast_in_dim3A_43 : vector<2000xf32> to vector<2000x1xf32>
    %stack3A_49 = vector.shape_cast %broadcast_in_dim3A_43 : vector<2000xf32> to vector<2000x1xf32>
    %stack3A_50 = vector.shape_cast %broadcast_in_dim3A_43 : vector<2000xf32> to vector<2000x1xf32>
    %stack3A_51 = tpu.concatenate %stack3A, %stack3A_44, %stack3A_45, %stack3A_46, %stack3A_47, %stack3A_48, %stack3A_49, %stack3A_50 in 1 : vector<2000x1xf32>, vector<2000x1xf32>, vector<2000x1xf32>, vector<2000x1xf32>, vector<2000x1xf32>, vector<2000x1xf32>, vector<2000x1xf32>, vector<2000x1xf32> -> vector<2000x8xf32>
    %swap3A_52 = arith.constant 0 : index
    %swap3A_53 = arith.constant 0 : index
    %swap3A_54 = vector.load %arg10[%swap3A_52, %swap3A_53] : memref<2000x8xf32, #tpu.memory_space<vmem>>, vector<2000x8xf32>
    tpu.vector_store %arg10[%swap3A_52, %swap3A_53], %stack3A_51 {strides = array<i32>} : memref<2000x8xf32, #tpu.memory_space<vmem>>, vector<2000x8xf32>,
    return
  }
  func.func @transform_0(%arg0: i32) -> (i32, i32) {
    %c0_i32 = arith.constant 0 : i32
    %c0_i32_0 = arith.constant 0 : i32
    return %arg0, %c0_i32 : i32, i32
  }
  func.func @transform_1(%arg0: i32) -> (i32, i32) {
    %c0_i32 = arith.constant 0 : i32
    %c0_i32_0 = arith.constant 0 : i32
    %c0_i32_1 = arith.constant 0 : i32
    return %c0_i32, %c0_i32_0 : i32, i32
  }
  func.func @transform_2(%arg0: i32) -> (i32, i32) {
    %c0_i32 = arith.constant 0 : i32
    %c0_i32_0 = arith.constant 0 : i32
    %c0_i32_1 = arith.constant 0 : i32
    return %c0_i32, %c0_i32_0 : i32, i32
  }
  func.func @transform_3(%arg0: i32) -> (i32, i32) {
    %c0_i32 = arith.constant 0 : i32
    %c0_i32_0 = arith.constant 0 : i32
    %c0_i32_1 = arith.constant 0 : i32
    return %c0_i32, %c0_i32_0 : i32, i32
  }
  func.func @transform_4(%arg0: i32) -> (i32, i32) {
    %c0_i32 = arith.constant 0 : i32
    %c0_i32_0 = arith.constant 0 : i32
    %c0_i32_1 = arith.constant 0 : i32
    return %c0_i32, %c0_i32_0 : i32, i32
  }
  func.func @transform_5(%arg0: i32) -> (i32, i32) {
    %c0_i32 = arith.constant 0 : i32
    %c0_i32_0 = arith.constant 0 : i32
    return %arg0, %c0_i32 : i32, i32
  }
  func.func @transform_6(%arg0: i32) -> (i32, i32) {
    %c0_i32 = arith.constant 0 : i32
    %c0_i32_0 = arith.constant 0 : i32
    return %arg0, %c0_i32 : i32, i32
  }
  func.func @transform_7(%arg0: i32) -> (i32, i32) {
    %c0_i32 = arith.constant 0 : i32
    %c0_i32_0 = arith.constant 0 : i32
    return %arg0, %c0_i32 : i32, i32
  }
  func.func @transform_8(%arg0: i32) -> (i32, i32) {
    %c0_i32 = arith.constant 0 : i32
    %c0_i32_0 = arith.constant 0 : i32
    return %arg0, %c0_i32 : i32, i32
  }
  func.func @transform_9(%arg0: i32) -> (i32, i32) {
    %c0_i32 = arith.constant 0 : i32
    %c0_i32_0 = arith.constant 0 : i32
    return %arg0, %c0_i32 : i32, i32
  }
}

module attributes {stable_mosaic.version = 14 : i64} {
  func.func @_k2b_body(%arg0: memref<2x80x128xf32, #tpu.memory_space<vmem>>, %arg1: memref<80x128xf32, #tpu.memory_space<vmem>>, %arg2: memref<80x128xf32, #tpu.memory_space<vmem>>, %arg3: memref<80x128xf32, #tpu.memory_space<vmem>>) attributes {dimension_semantics = [], scalar_prefetch = 0 : i64, scratch_operands = 0 : i64, tpu.core_type = #tpu.core_type<tc>} {
    %get3A = arith.constant 0 : index
    %get3A_0 = arith.constant 0 : index
    %get3A_1 = arith.constant 0 : index
    %get3A_2 = vector.load %arg0[%get3A, %get3A_0, %get3A_1] : memref<2x80x128xf32, #tpu.memory_space<vmem>>, vector<1x80x128xf32>
    %get3A_3 = vector.shape_cast %get3A_2 : vector<1x80x128xf32> to vector<80x128xf32>
    %get3A_4 = arith.constant 1 : index
    %get3A_5 = arith.constant 0 : index
    %get3A_6 = arith.constant 0 : index
    %get3A_7 = vector.load %arg0[%get3A_4, %get3A_5, %get3A_6] : memref<2x80x128xf32, #tpu.memory_space<vmem>>, vector<1x80x128xf32>
    %get3A_8 = vector.shape_cast %get3A_7 : vector<1x80x128xf32> to vector<80x128xf32>
    %add3A = arith.addf %get3A_3, %get3A_8 : vector<80x128xf32>
    %get3A_9 = arith.constant 0 : index
    %get3A_10 = arith.constant 0 : index
    %get3A_11 = vector.load %arg1[%get3A_9, %get3A_10] : memref<80x128xf32, #tpu.memory_space<vmem>>, vector<80x128xf32>
    %add3A_12 = arith.addf %add3A, %get3A_11 : vector<80x128xf32>
    %div3A = arith.constant 1.000000e+00 : f32
    %div3A_13 = vector.broadcast %div3A : f32 to vector<80x128xf32>
    %div3A_14 = arith.divf %div3A_13, %add3A_12 : vector<80x128xf32>
    %swap3A = arith.constant 0 : index
    %swap3A_15 = arith.constant 0 : index
    %swap3A_16 = vector.load %arg2[%swap3A, %swap3A_15] : memref<80x128xf32, #tpu.memory_space<vmem>>, vector<80x128xf32>
    tpu.vector_store %arg2[%swap3A, %swap3A_15], %div3A_14 {strides = array<i32>} : memref<80x128xf32, #tpu.memory_space<vmem>>, vector<80x128xf32>,
    %get3A_17 = arith.constant 0 : index
    %get3A_18 = arith.constant 0 : index
    %get3A_19 = vector.load %arg1[%get3A_17, %get3A_18] : memref<80x128xf32, #tpu.memory_space<vmem>>, vector<80x128xf32>
    %mul3A = arith.mulf %get3A_19, %div3A_14 : vector<80x128xf32>
    %swap3A_20 = arith.constant 0 : index
    %swap3A_21 = arith.constant 0 : index
    %swap3A_22 = vector.load %arg3[%swap3A_20, %swap3A_21] : memref<80x128xf32, #tpu.memory_space<vmem>>, vector<80x128xf32>
    tpu.vector_store %arg3[%swap3A_20, %swap3A_21], %mul3A {strides = array<i32>} : memref<80x128xf32, #tpu.memory_space<vmem>>, vector<80x128xf32>,
    return
  }
}

module attributes {stable_mosaic.version = 14 : i64} {
  func.func @_k4_body(%arg0: i32, %arg1: memref<2x2000x64xf32, #tpu.memory_space<vmem>>, %arg2: memref<2000x64xf32, #tpu.memory_space<vmem>>, %arg3: memref<2000x64xf32, #tpu.memory_space<vmem>>, %arg4: memref<2000x1xf32, #tpu.memory_space<vmem>>, %arg5: memref<1x128xf32, #tpu.memory_space<vmem>>, %arg6: memref<2000x128xf32, #tpu.memory_space<vmem>>) attributes {dimension_semantics = [#tpu.dimension_semantics<arbitrary>], iteration_bounds = array<i64: 5>, scalar_prefetch = 0 : i64, scratch_operands = 0 : i64, tpu.core_type = #tpu.core_type<tc>, window_params = [{transform_indices = @transform_0, window_bounds = array<i64: 2, 2000, 64>}, {transform_indices = @transform_1, window_bounds = array<i64: 2000, 64>}, {transform_indices = @transform_2, window_bounds = array<i64: 2000, 64>}, {transform_indices = @transform_3, window_bounds = array<i64: 2000, 1>}, {pipeline_mode = #tpu.pipeline_mode<synchronous>, transform_indices = @transform_4, window_bounds = array<i64: 1, 128>}, {transform_indices = @transform_5, window_bounds = array<i64: 2000, 128>}]} {
    %get3A = arith.constant 0 : index
    %get3A_0 = arith.constant 0 : index
    %get3A_1 = vector.load %arg4[%get3A, %get3A_0] : memref<2000x1xf32, #tpu.memory_space<vmem>>, vector<2000x1xf32>
    %get3A_2 = arith.constant 0 : index
    %get3A_3 = arith.constant 0 : index
    %get3A_4 = arith.constant 0 : index
    %get3A_5 = vector.load %arg1[%get3A_2, %get3A_3, %get3A_4] : memref<2x2000x64xf32, #tpu.memory_space<vmem>>, vector<1x2000x64xf32>
    %get3A_6 = vector.shape_cast %get3A_5 : vector<1x2000x64xf32> to vector<2000x64xf32>
    %get3A_7 = arith.constant 0 : index
    %get3A_8 = arith.constant 0 : index
    %get3A_9 = vector.load %arg2[%get3A_7, %get3A_8] : memref<2000x64xf32, #tpu.memory_space<vmem>>, vector<2000x64xf32>
    %mul3A = vector.broadcast %get3A_1 : vector<2000x1xf32> to vector<2000x64xf32>
    %mul3A_10 = arith.mulf %mul3A, %get3A_9 : vector<2000x64xf32>
    %add3A = arith.addf %get3A_6, %mul3A_10 : vector<2000x64xf32>
    %get3A_11 = arith.constant 1 : index
    %get3A_12 = arith.constant 0 : index
    %get3A_13 = arith.constant 0 : index
    %get3A_14 = vector.load %arg1[%get3A_11, %get3A_12, %get3A_13] : memref<2x2000x64xf32, #tpu.memory_space<vmem>>, vector<1x2000x64xf32>
    %get3A_15 = vector.shape_cast %get3A_14 : vector<1x2000x64xf32> to vector<2000x64xf32>
    %get3A_16 = arith.constant 0 : index
    %get3A_17 = arith.constant 0 : index
    %get3A_18 = vector.load %arg3[%get3A_16, %get3A_17] : memref<2000x64xf32, #tpu.memory_space<vmem>>, vector<2000x64xf32>
    %mul3A_19 = vector.broadcast %get3A_1 : vector<2000x1xf32> to vector<2000x64xf32>
    %mul3A_20 = arith.mulf %mul3A_19, %get3A_18 : vector<2000x64xf32>
    %add3A_21 = arith.addf %get3A_15, %mul3A_20 : vector<2000x64xf32>
    %concatenate3A = tpu.concatenate %add3A, %add3A_21 in 1 : vector<2000x64xf32>, vector<2000x64xf32> -> vector<2000x128xf32>
    %get3A_22 = arith.constant 0 : index
    %get3A_23 = arith.constant 0 : index
    %get3A_24 = vector.load %arg5[%get3A_22, %get3A_23] : memref<1x128xf32, #tpu.memory_space<vmem>>, vector<1x128xf32>
    %add3A_25 = vector.broadcast %get3A_24 : vector<1x128xf32> to vector<2000x128xf32>
    %add3A_26 = arith.addf %concatenate3A, %add3A_25 : vector<2000x128xf32>
    %swap3A = arith.constant 0 : index
    %swap3A_27 = arith.constant 0 : index
    %swap3A_28 = vector.load %arg6[%swap3A, %swap3A_27] : memref<2000x128xf32, #tpu.memory_space<vmem>>, vector<2000x128xf32>
    tpu.vector_store %arg6[%swap3A, %swap3A_27], %add3A_26 {strides = array<i32>} : memref<2000x128xf32, #tpu.memory_space<vmem>>, vector<2000x128xf32>,
    return
  }
  func.func @transform_0(%arg0: i32) -> (i32, i32, i32) {
    %c0_i32 = arith.constant 0 : i32
    %c0_i32_0 = arith.constant 0 : i32
    %c0_i32_1 = arith.constant 0 : i32
    return %c0_i32, %arg0, %c0_i32_0 : i32, i32, i32
  }
  func.func @transform_1(%arg0: i32) -> (i32, i32) {
    %c0_i32 = arith.constant 0 : i32
    %c0_i32_0 = arith.constant 0 : i32
    return %arg0, %c0_i32 : i32, i32
  }
  func.func @transform_2(%arg0: i32) -> (i32, i32) {
    %c0_i32 = arith.constant 0 : i32
    %c0_i32_0 = arith.constant 0 : i32
    return %arg0, %c0_i32 : i32, i32
  }
  func.func @transform_3(%arg0: i32) -> (i32, i32) {
    %c0_i32 = arith.constant 0 : i32
    %c0_i32_0 = arith.constant 0 : i32
    return %arg0, %c0_i32 : i32, i32
  }
  func.func @transform_4(%arg0: i32) -> (i32, i32) {
    %c0_i32 = arith.constant 0 : i32
    %c0_i32_0 = arith.constant 0 : i32
    %c0_i32_1 = arith.constant 0 : i32
    return %c0_i32, %c0_i32_0 : i32, i32
  }
  func.func @transform_5(%arg0: i32) -> (i32, i32) {
    %c0_i32 = arith.constant 0 : i32
    %c0_i32_0 = arith.constant 0 : i32
    return %arg0, %c0_i32 : i32, i32
  }
}

</mosaic_0001>

<sc_bundles>
// kernel: kernel.10.cloned.1.call-start
scs
__scs_entry_jumppad:
0x0: {  	(pc) =	sbr.rel $0x88, $3  }
0x1: {  	(tag) =	ssettag $0x0;
	lr =	simm.s32 $0x1  }
0x2: {  	[smem:$0x3F9C] =	sst lr;
	_ =	strace $0xD0000000  }
0x3: {  	_ = 	snop  }
0x4: {  	_ = 	snop  }
0x5: {  	_ = 	snop  }
0x6: {  	_ = 	snop  }
0x7: {  	_ = 	snop  }
__scs_overlays_trampoline_lowered:
0x8: {  	[smem:$0x3FAB] =	sst s0  }
0x9: {  	[smem:$0x3FAC] =	sst s1  }
0xa: {  	[smem:$0x3FAD] =	sst s2  }
0xb: {  	[smem:$0x3FAE] =	sst s3  }
0xc: {  	[smem:$0x3FAF] =	sst s4  }
0xd: {  	[smem:$0x3FB0] =	sst s5  }
0xe: {  	[smem:$0x3FB1] =	sst s6  }
0xf: {  	[smem:$0x3FB2] =	sst s7  }
0x10: {  	[smem:$0x3FB3] =	sst s8  }
0x11: {  	[smem:$0x3FB4] =	sst s9;
	s0 =	simm.s32 @!p0 $0x0  }
0x12: {  	s1 =	sld [smem:$0x3F9A];
	s0 =	simm.s32 @p0 $0x1  }
0x13: {  	[smem:$0x3FB5] =	sst s0;
	s0 =	simm.s32 @!p1 $0x0  }
0x14: {  	s2 =	sld [smem:$0x3F99];
	s0 =	simm.s32 @p1 $0x1  }
0x15: {  	[smem:$0x3FB6] =	sst s0;
	s0 =	simm.s32 @!p2 $0x0  }
0x16: {  	s3 =	sld [smem:$0x3FDB];
	s0 =	simm.s32 @p2 $0x1  }
0x17: {  	s4 =	simm.s32 $0x1BF5;
	[smem:$0x3FB8] =	sst s0  }
0x18: {  	s0 =	sld [smem:$0x3F9B];
	_ =	swait.ge [sflag:s4], $0x0  }
0x19: {  	s7 =	sld [smem:$0x3F9C]  }
0x1a: {  	s8 =	sadd.s32 $0xFFFFE003, lr  }
0x1b: {  	s9 =	sadd.s32 $0xFFFFFEF7, lr;
	s5 =	simm.s32 $0xFFFFFFFF;
	p2 =	slt.u32 s8, $0xFFFFF086  }
0x1c: {  	p1 =	slt.u32 s9, $0xF7A;
	s5 =	simm.s32 @!p2 $0x0  }
0x1d: {  	s5 =	simm.s32 @p1 $0x1;
	p0 =	seq.s32 s7, s2  }
0x1e: {  	s7 =	smul.u32 @!p0 $0xF7A, s2;
	p2 =	seq.s32 @!p0 s5, $0x0  }
0x1f: {  	s9 =	smul.u32 $0xF7A, s1;
	s8 =	simm.s32 @!p0 $0x1BF5;
	p2 =	por !p2, p0  }
0x20: {  	[sflag:s8] =	ssyncset.s32 @!p0 $0xFFFFF086;
	s6 =	sadd.s32 @!p0 s3, s7;
	s7 =	simm.s32 @!p0 $0x108  }
0x21: {  	s3 =	sadd.s32 s3, s9;
	s6 =	sadd.s32 @!p0 $0x88, s6;
	s7 =	simm.s32 @p2 $0x1082  }
0x22: {  	[simem:s7], [sflag:s8] =	dma.local @!p0 [hbm:s6], $0xF7A  }
0x23: {  	s9 =	sor.u32 $0xD0000000, s2;
	s6 =	simm.s32 $0x108;
	_ =	swait.ge @!p0 [sflag:s8], $0x0  }
0x24: {  	s3 =	sadd.s32 $0x88, s3;
	s6 =	simm.s32 @!p1 $0x1082;
	[sflag:s4] =	ssyncset.s32 $0xFFFFF086  }
0x25: {  	[simem:s6], [sflag:s4] =	dma.local [hbm:s3], $0xF7A  }
0x26: {  	[smem:$0x3F9C] =	sst s1;
	(tag) =	ssettag s2;
	_ =	strace s9  }
0x27: {  	s1 =	sld [smem:$0x3FAC]  }
0x28: {  	s2 =	sld [smem:$0x3FAD]  }
0x29: {  	s4 =	sld [smem:$0x3FAF]  }
0x2a: {  	p0 =	seq.s32 s5, $0x0;
	s5 =	sld [smem:$0x3FB0]  }
0x2b: {  	s6 =	sld [smem:$0x3FB1]  }
0x2c: {  	s7 =	sld [smem:$0x3FB2]  }
0x2d: {  	s3 =	simm.s32 $0x108;
	s8 =	sld [smem:$0x3FB3]  }
0x2e: {  	s3 =	simm.s32 @!p0 $0x1082;
	s9 =	sld [smem:$0x3FB4]  }
0x2f: {  	lr =	sadd.s32 s0, s3;
	s0 =	sld [smem:$0x3FAB]  }
0x30: {  	s3 =	sld [smem:$0x3FAE]  }
0x31: {  	[smem:$0x3FB7] =	sst s10  }
0x32: {  	s10 =	sld [smem:$0x3FB5];
	_ =	sdelay $0x3  }
0x33: {  	p0 =	seq.s32 s10, $0x1;
	s10 =	sld [smem:$0x3FB7];
	_ =	sdelay $0x3  }
0x34: {  	[smem:$0x3FB7] =	sst s10  }
0x35: {  	s10 =	sld [smem:$0x3FB6];
	_ =	sdelay $0x3  }
0x36: {  	p1 =	seq.s32 s10, $0x1;
	s10 =	sld [smem:$0x3FB7];
	_ =	sdelay $0x3  }
0x37: {  	[smem:$0x3FB7] =	sst s10  }
0x38: {  	s10 =	sld [smem:$0x3FB8]  }
0x39: {  	_ = 	snop;
	(pc) =	sbr.ind lr, $3  }
0x3a: {  	_ = 	snop  }
0x3b: {  	_ = 	snop  }
0x3c: {  	p2 =	seq.s32 s10, $0x1;
	s10 =	sld [smem:$0x3FB7]  }
0x3d: {  	_ =	shalt  }
0x3e: {  	_ =	shalt  }
0x3f: {  	_ =	shalt  }
0x40: {  	_ =	shalt  }
0x41: {  	_ =	shalt  }
0x42: {  	_ =	shalt  }
0x43: {  	_ =	shalt  }
0x44: {  	_ =	shalt  }
0x45: {  	_ =	shalt  }
0x46: {  	_ =	shalt  }
0x47: {  	_ =	shalt  }
0x48: {  	_ =	shalt  }
0x49: {  	_ =	shalt  }
0x4a: {  	_ =	shalt  }
0x4b: {  	_ =	shalt  }
0x4c: {  	_ =	shalt  }
0x4d: {  	_ =	shalt  }
0x4e: {  	_ =	shalt  }
0x4f: {  	_ =	shalt  }
0x50: {  	_ =	shalt  }
0x51: {  	_ =	shalt  }
0x52: {  	_ =	shalt  }
0x53: {  	_ =	shalt  }
0x54: {  	_ =	shalt  }
0x55: {  	_ =	shalt  }
0x56: {  	_ =	shalt  }
0x57: {  	_ =	shalt  }
0x58: {  	_ =	shalt  }
0x59: {  	_ =	shalt  }
0x5a: {  	_ =	shalt  }
0x5b: {  	_ =	shalt  }
0x5c: {  	_ =	shalt  }
0x5d: {  	_ =	shalt  }
0x5e: {  	_ =	shalt  }
0x5f: {  	_ =	shalt  }
0x60: {  	_ =	shalt  }
0x61: {  	_ =	shalt  }
0x62: {  	_ =	shalt  }
0x63: {  	_ =	shalt  }
0x64: {  	_ =	shalt  }
0x65: {  	_ =	shalt  }
0x66: {  	_ =	shalt  }
0x67: {  	_ =	shalt  }
0x68: {  	_ =	shalt  }
0x69: {  	_ =	shalt  }
0x6a: {  	_ =	shalt  }
0x6b: {  	_ =	shalt  }
0x6c: {  	_ =	shalt  }
0x6d: {  	_ =	shalt  }
0x6e: {  	_ =	shalt  }
0x6f: {  	_ =	shalt  }
0x70: {  	_ =	shalt  }
0x71: {  	_ =	shalt  }
0x72: {  	_ =	shalt  }
0x73: {  	_ =	shalt  }
0x74: {  	_ =	shalt  }
0x75: {  	_ =	shalt  }
0x76: {  	_ =	shalt  }
0x77: {  	_ =	shalt  }
0x78: {  	_ =	shalt  }
0x79: {  	_ =	shalt  }
0x7a: {  	_ =	shalt  }
0x7b: {  	_ =	shalt  }
0x7c: {  	_ =	shalt  }
0x7d: {  	_ =	shalt  }
0x7e: {  	_ =	shalt  }
0x7f: {  	_ =	shalt  }
0x80: {  	_ =	shalt  }
0x81: {  	_ =	shalt  }
0x82: {  	_ =	shalt  }
0x83: {  	_ =	shalt  }
0x84: {  	_ =	shalt  }
0x85: {  	_ =	shalt  }
0x86: {  	_ =	shalt  }
0x87: {  	_ =	shalt  }
.Lfunc_end0:
.L_simem_size_0:
called_computation.1_lowered:
.L_overlay_start_0:
0x88: {  	s2 =	sld [smem:$0x3FD9]  }
0x89: {  	s3 =	sld [smem:$0x3FFE];
	_ =	sdelay $0x1  }
0x8a: {  	s1 =	srdreg.scid  }
0x8b: {  	s0 =	sand.u32 $0x1, s1  }
0x8c: {  	s17 =	sshll.u32 s0, $0xA;
	s2 =	sadd.s32 s3, s2  }
0x8d: {  	s2 =	sadd.s32 s2, s17  }
0x8e: {  	[smem:$0x3FC3] =	sst s2  }
0x8f: {  	_ = 	snop  }
0x90: {  	s2 =	sld [smem:$0x3FD0];
	(tm) =	ssettm $0x1  }
0x91: {  	s18 =	sld [smem:$0x3FFB];
	_ =	sdelay $0x3  }
0x92: {  	_ =	strace s18  }
0x93: {  	s3 =	sld [smem:$0x3FFC];
	_ =	sdelay $0x3  }
0x94: {  	_ =	strace s3  }
0x95: {  	s3 =	sld [smem:$0x3FFD];
	_ =	sdelay $0x3  }
0x96: {  	_ =	strace s3  }
0x97: {  	_ =	strace $0x8FFFFFFF  }
0x98: {  	s19 =	sld [smem:$0x3FDB];
	_ =	sdelay $0x1  }
0x99: {  	s4 =	simm.s32 $_scs_section_size  }
0x9a: {  	s5 =	simm.s32 $_size__tile_overlayer_lowered;
	s6 =	simm.s32 $_tile_overlayer_lowered  }
0x9b: {  	s22 =	simm.s32 $0x1BFF;
	s21 =	sshll.u32 s6, $0x1;
	s3 =	sadd.s32 s4, s19  }
0x9c: {  	s7 =	simm.s32 $0x0;
	s20 =	sshll.u32 s5, $0x1;
	s5 =	sadd.s32 s21, s3  }
0x9d: {  	[timem:s7], [sflag:s22] =	dma.local [hbm:s5], s20  }
0x9e: {  	_ =	swait.ge [sflag:s22], s20  }
0x9f: {  	s4 =	ssub.s32 $0x0, s20;
	[sflag:s22] =	ssyncset.done $0x0  }
0xa0: {  	[sflag:s22] =	ssyncadd.s32 s4;
	_ =	sdelay $0x1  }
0xa1: {  	s23 =	simm.s32 $0x1B8B  }
0xa2: {  	_ =	swait.ge [sflag:s23], $0x1  }
0xa3: {  	[sflag:s23] =	ssyncset.done $0x0  }
0xa4: {  	s25 =	simm.s32 $0x1B8E;
	s24 =	sld [smem:$0x3FFE];
	[sflag:s23] =	ssyncadd.s32 $0xFFFFFFFF  }
0xa5: {  	s26 =	simm.s32 $execute0_lowered;
	[smem:$0x3FD2] =	sst s25  }
0xa6: {  	s5 =	sshll.u32 s26, $0x1;
	_ =	strace $0x80000049;
	[dreg:$0x1] =	wrdreg $0xFFFFFFFF  }
0xa7: {  	s28 =	simm.s32 $_size_execute0_lowered;
	s3 =	sadd.s32 s3, s5;
	[dreg:$0x0] =	wrdreg $0x0  }
0xa8: {  	s5 =	sshll.u32 s28, $0x1;
	[dreg:$0x2] =	wrdreg s3  }
0xa9: {  	[dreg:$0x3] =	wrdreg s5  }
0xaa: {  	[dreg:$0x4] =	wrdreg $0xC0  }
0xab: {  	_ =	task [dreg:s7], $0x5FFFF  }
0xac: {  	[dreg:$0x1] =	wrdreg $0xFFFFFFFF  }
0xad: {  	[dreg:$0x0] =	wrdreg $0x60  }
0xae: {  	[dreg:$0x2] =	wrdreg s2  }
0xaf: {  	[dreg:$0x3] =	wrdreg s24  }
0xb0: {  	[dreg:$0x4] =	wrdreg $0x108900  }
0xb1: {  	[dreg:$0x5] =	wrdreg $0x9  }
0xb2: {  	_ =	task.clear_ibuf [dreg:s7], $0x6FFFF;
	_ =	strace $0x90000049  }
0xb3: {  	s29 =	simm.s32 $0x9;
	_ =	strace $0x8000004B  }
0xb4: {  	_ =	swait.ge [sflag:s29], $0x1  }
0xb5: {  	[sflag:s29] =	ssyncadd.s32 $0xFFFFFFFF  }
0xb6: {  	_ =	strace $0x9000004B  }
0xb7: {  	_ =	sfence  }
0xb8: {  	s30 =	sld [smem:$0x0];
	_ =	sdelay $0x2  }
0xb9: {  	s31 =	sshll.u32 s1, $0xD;
	s1 =	sshrl.u32 s1, $0x2  }
0xba: {  	s3 =	sand.u32 $0x4000, s31;
	s1 =	sadd.s32 s1, s30  }
0xbb: {  	s0 =	sor.u32 s3, s0;
	s1 =	sshll.u32 s1, $0x11  }
0xbc: {  	s0 =	sor.u32 s1, s0  }
0xbd: {  	s0 =	sadd.s32 $0x8F2B, s0  }
0xbe: {  	[sflag:s0] =	ssyncadd.remote.s32 $0x1  }
0xbf: {  	_ =	sfence.sel $0xFFFF  }
0xc0: {  	[dreg:$0x0] =	wrdreg $0xFFFFFFFF;
	(pc) =	sbr.abs _section_cstart, $3  }
0xc1: {  	[dreg:$0x1] =	wrdreg $0xFFFFFFFF  }
0xc2: {  	_ =	task.clear_ibuf [dreg:s7], $0x2FFFF;
	_ =	strace $0x9FFFFFFF  }
0xc3: {  	(tm) =	ssettm $0x7FFFFFFF  }
tec
execute0_lowered:
.L_overlay_start_1:
0x0: {  	(tag) =	ssettag $0x1  }
0x1: {  	s0 =	rddreg [dreg:$0x0]  }
0x2: {  	s3 =	rddreg [dreg:$0x1]  }
0x3: {  	s1 =	rddreg [dreg:$0x2];
	s2 =	simm.s32 $0x0;
	s4 =	srdreg.scid  }
0x4: {  	s11 =	stileid.u32;
	s30 =	simm.s32 $0x80;
	s28 =	simm.s32 $0xB890  }
0x5: {  	s29 =	simm.s32 $0x1;
	[smem:$0x7FF] =	sst s2;
	s4 =	sand.u32 $0x1, s4  }
0x6: {  	s14 =	sadd.s32 $0x1000, s3;
	s15 =	sadd.s32 $0xB000, s3;
	s7 =	smul.u32 $0xA000, s11  }
0x7: {  	s17 =	sadd.s32 $0x15A00, s3;
	s6 =	sadd.s32 $0x15000, s3;
	s11 =	smul.u32 $0x5000, s11  }
0x8: {  	_ =	strace $0x8000004A;
	s5 =	smul.u32 $0x14000, s4;
	[dreg:$0x5] =	wrdreg s6  }
0x9: {  	s8 =	ssub.s32 $0x2, s4;
	s4 =	smul.u32 $0x9C40, s4;
	[dreg:$0x4] =	wrdreg s14  }
0xa: {  	s16 =	smov.u32 s15;
	s6 =	smov.u32 s17;
	s24 =	sshrl.u32 s8, $0x1  }
0xb: {  	s9 =	sadd.s32 $0x2000, s7;
	s19 =	sadd.s32 s7, s1;
	s25 =	sadd.s32 $0x4000, s7  }
0xc: {  	s10 =	sadd.s32 $0x6000, s7;
	s13 =	sshrl.u32 s11, $0x3;
	s11 =	sadd.s32 $0x1000, s11  }
0xd: {  	s12 =	sadd.s32 $0x8000, s7;
	s3 =	sadd.s32 s5, s3;
	[dreg:$0xe] =	wrdreg s11  }
0xe: {  	s5 =	ssub.s32 s8, s24;
	s26 =	sadd.s32 s14, s13;
	[dreg:$0x6] =	wrdreg s19  }
0xf: {  	s21 =	sadd.s32 s9, s1;
	s31 =	sadd.s32 s15, s13;
	[dreg:$0xb] =	wrdreg s26  }
0x10: {  	s22 =	sadd.s32 s25, s1;
	s13 =	sadd.s32 s17, s13;
	[dreg:$0xc] =	wrdreg s31  }
0x11: {  	s23 =	sadd.s32 s10, s1;
	s24 =	sadd.s32 s12, s1;
	[dreg:$0xd] =	wrdreg s13  }
0x12: {  	s17 =	sadd.s32 s0, s4;
	s14 =	sshrl.u32 s9, $0x3;
	[dreg:$0x7] =	wrdreg s21  }
0x13: {  	s15 =	sshrl.u32 s25, $0x3;
	s18 =	sshrl.u32 s10, $0x3;
	[dreg:$0x8] =	wrdreg s22  }
0x14: {  	s20 =	sshrl.u32 s12, $0x3;
	s4 =	simm.s32 $0x0;
	[dreg:$0x9] =	wrdreg s23  }
0x15: {  	s11 =	sadd.s32 $0x1FA00, s3;
	s5 =	smax.u32 s5, $0x1;
	[dreg:$0xa] =	wrdreg s24  }
0x16: {  	s13 =	sshrl.u32 s7, $0x3;
	s7 =	simm.s32 $0xE890;
	[dreg:$0xf] =	wrdreg s5  }
0x17: {  	s5 =	simm.s32 $0x9;
	s3 =	sadd.s32 s13, s11;
	s25 =	sadd.s32 s14, s11  }
0x18: {  	s26 =	sadd.s32 s15, s11;
	s31 =	sadd.s32 s18, s11;
	[dreg:$0x10] =	wrdreg s3  }
0x19: {  	s0 =	sadd.s32 s20, s11;
	s13 =	simm.s32 $0x3;
	[dreg:$0x11] =	wrdreg s25  }
0x1a: {  	s14 =	simm.s32 $0x5;
	s15 =	simm.s32 $0x4;
	[dreg:$0x12] =	wrdreg s26  }
0x1b: {  	s18 =	simm.s32 $0x6;
	s20 =	simm.s32 $0x8;
	[dreg:$0x13] =	wrdreg s31  }
0x1c: {  	v0 =	vimm.f32 $0.0e+00;
	[dreg:$0x14] =	wrdreg s0;
	s25 =	simm.s32 $0xC890;
	s3 =	simm.s32 $0x2  }
.LBB2_1:
0x1d: {  	[dreg:$0x15] =	wrdreg s4  }
0x1e: {  	s0 =	rddreg [dreg:$0x5]  }
0x1f: {  	[tilespmem:s2], [sflag:$0x9] =	stream.linear.gather [hbm4b:s0+s2], $0x2800, $0x38;
	[tilespmem:$0x1A890] =	vst v63  }
0x20: {  	_ =	swait.ge [sflag:s5], $0x2800  }
0x21: {  	[sflag:s5] =	ssyncset.done $0x0  }
0x22: {  	s0 =	simm.s32 $0xC8B0;
	[sflag:s5] =	ssyncadd.s32 $0xFFFFD800  }
0x23: {  	[tilespmem:s0+$0xFFFFFFE0] =	vst v0  }
0x24: {  	[tilespmem:s0+$0x10] =	vst v0  }
0x25: {  	s4 =	simm.s32 $0x0;
	[tilespmem:s0+$0x0] =	vst v0  }
.LBB2_2:
0x26: {  	s4 =	sadd.s32 $0x4, s4  }
0x27: {  	[tilespmem:s0+$0xFFFFFFF0] =	vst v0;
	s0 =	sadd.s32 $0x40, s0;
	p0 =	slt.u32 s4, $0x1FC  }
.Ltmp0:
0x28: {  	[tilespmem:s0+$0xFFFFFFE0] =	vst v0;
	(pc) =	sbr.rel @p0 .LBB2_2-.Ltmp0, $3  }
0x29: {  	_ =	sdelay $0x1  }
0x2a: {  	[tilespmem:s0+$0x10] =	vst v0  }
0x2b: {  	[tilespmem:s0+$0x0] =	vst v0  }
0x2c: {  	[tilespmem:s0+$0xFFFFFFF0] =	vst v0  }
0x2d: {  	[spmem:s19] =	stream.linear.scatter [tilespmem:s25], [sflag:$0x9], $0x2000, $0x38;
	[tilespmem:$0x1A890] =	vst v63  }
0x2e: {  	_ =	swait.ge [sflag:s5], $0x2000  }
0x2f: {  	[sflag:s5] =	ssyncset.done $0x0  }
0x30: {  	[sflag:s5] =	ssyncadd.s32 $0xFFFFE000  }
0x31: {  	[spmem:s21] =	stream.linear.scatter [tilespmem:s25], [sflag:$0x9], $0x2000, $0x38;
	[tilespmem:$0x1A890] =	vst v63  }
0x32: {  	_ =	swait.ge [sflag:s5], $0x2000  }
0x33: {  	[sflag:s5] =	ssyncset.done $0x0  }
0x34: {  	[sflag:s5] =	ssyncadd.s32 $0xFFFFE000  }
0x35: {  	[spmem:s22] =	stream.linear.scatter [tilespmem:s25], [sflag:$0x9], $0x2000, $0x38;
	[tilespmem:$0x1A890] =	vst v63  }
0x36: {  	_ =	swait.ge [sflag:s5], $0x2000  }
0x37: {  	[sflag:s5] =	ssyncset.done $0x0  }
0x38: {  	[sflag:s5] =	ssyncadd.s32 $0xFFFFE000  }
0x39: {  	[spmem:s23] =	stream.linear.scatter [tilespmem:s25], [sflag:$0x9], $0x2000, $0x38;
	[tilespmem:$0x1A890] =	vst v63  }
0x3a: {  	_ =	swait.ge [sflag:s5], $0x2000  }
0x3b: {  	[sflag:s5] =	ssyncset.done $0x0  }
0x3c: {  	[sflag:s5] =	ssyncadd.s32 $0xFFFFE000  }
0x3d: {  	[spmem:s24] =	stream.linear.scatter [tilespmem:s25], [sflag:$0x9], $0x2000, $0x38;
	[tilespmem:$0x1A890] =	vst v63  }
0x3e: {  	_ =	swait.ge [sflag:s5], $0x2000  }
0x3f: {  	[sflag:s5] =	ssyncset.done $0x0  }
0x40: {  	[sflag:s5] =	ssyncadd.s32 $0xFFFFE000  }
0x41: {  	[bflag:$0x0] =	sbarrier.arrive $0xFFFF  }
0x42: {  	s4 =	simm.s32 $0x2800;
	s22 =	simm.s32 $0x0;
	s21 =	rddreg [dreg:$0xb]  }
0x43: {  	[tilespmem:s4], [sflag:$0x7] =	stream.linear.gather [hbm4b:s21+s22], $0x1000, $0x38;
	[tilespmem:$0x1A890] =	vst v63  }
0x44: {  	s24 =	simm.s32 $0x4800;
	s23 =	rddreg [dreg:$0xc]  }
0x45: {  	[tilespmem:s24], [sflag:$0x7] =	stream.linear.gather [hbm4b:s23+s22], $0x1000, $0x38;
	[tilespmem:$0x1A890] =	vst v63  }
0x46: {  	s31 =	simm.s32 $0x6800;
	s26 =	rddreg [dreg:$0xd]  }
0x47: {  	[tilespmem:s31], [sflag:$0x7] =	stream.linear.gather [hbm4b:s26+s22], $0x1000, $0x38;
	[tilespmem:$0x1A890] =	vst v63  }
.LBB2_4:
0x48: {  	s0 =	sand.u32 $0x1, s22  }
0x49: {  	p0 =	seq.s32 s0, $0x1  }
0x4a: {  	s4 =	simm.s32 @!p0 $0x7  }
0x4b: {  	_ =	swait.ge @!p0 [sflag:s4], $0x1000  }
0x4c: {  	[sflag:s4] =	ssyncset.done @!p0 $0x0  }
0x4d: {  	[sflag:s4] =	ssyncadd.s32 @!p0 $0xFFFFF000  }
0x4e: {  	_ =	swait.ge @!p0 [sflag:s4], $0x1000  }
0x4f: {  	[sflag:s4] =	ssyncset.done @!p0 $0x0  }
0x50: {  	p1 =	seq.s32 @!p0 s22, $0x4;
	[sflag:s4] =	ssyncadd.s32 @!p0 $0xFFFFF000  }
0x51: {  	p2 =	por p1, p0;
	_ =	swait.ge @!p0 [sflag:s4], $0x1000  }
0x52: {  	s5 =	sshll.u32 @!p2 s22, $0xC;
	s8 =	rddreg [dreg:$0xe]  }
0x53: {  	[sflag:s4] =	ssyncset.done @!p0 $0x0;
	s5 =	sadd.s32 @!p2 s5, s8  }
0x54: {  	[sflag:s4] =	ssyncadd.s32 @!p0 $0xFFFFF000;
	s4 =	sshrl.u32 @!p2 s5, $0x3;
	s5 =	rddreg [dreg:$0x4]  }
0x55: {  	s9 =	simm.s32 @!p2 $0x3800;
	s8 =	simm.s32 @!p2 $0x0;
	s5 =	sadd.s32 @!p2 s5, s4  }
0x56: {  	[tilespmem:s9], [sflag:$0x8] =	stream.linear.gather @!p2 [hbm4b:s5+s8], $0x1000, $0x38;
	[tilespmem:$0x1A890] =	vst v63  }
0x57: {  	s5 =	sadd.s32 @!p2 s16, s4;
	s9 =	simm.s32 @!p2 $0x5800  }
0x58: {  	[tilespmem:s9], [sflag:$0x8] =	stream.linear.gather @!p2 [hbm4b:s5+s8], $0x1000, $0x38;
	[tilespmem:$0x1A890] =	vst v63  }
0x59: {  	s4 =	sadd.s32 @!p2 s6, s4;
	s5 =	simm.s32 @!p2 $0x7800  }
0x5a: {  	[tilespmem:s5], [sflag:$0x8] =	stream.linear.gather @!p2 [hbm4b:s4+s8], $0x1000, $0x38;
	[tilespmem:$0x1A890] =	vst v63  }
0x5b: {  	p2 =	seq.s32 @!p2 s0, $0x0  }
0x5c: {  	p1 =	por @!p0 p1, p2  }
0x5d: {  	p0 =	por p0, !p1  }
.Ltmp1:
0x5e: {  	_ = 	snop;
	(pc) =	sbr.rel @!p0 .LBB2_6-.Ltmp1, $1  }
0x5f: {  	_ =	sdelay $0x3  }
0x60: {  	_ =	swait.ge [sflag:s20], $0x1000  }
0x61: {  	[sflag:s20] =	ssyncset.done $0x0  }
0x62: {  	[sflag:s20] =	ssyncadd.s32 $0xFFFFF000  }
0x63: {  	_ =	swait.ge [sflag:s20], $0x1000  }
0x64: {  	[sflag:s20] =	ssyncset.done $0x0  }
0x65: {  	[sflag:s20] =	ssyncadd.s32 $0xFFFFF000  }
0x66: {  	p0 =	seq.s32 s22, $0x4;
	_ =	swait.ge [sflag:s20], $0x1000  }
0x67: {  	s4 =	sshll.u32 @!p0 s22, $0xC;
	s5 =	rddreg [dreg:$0xe]  }
0x68: {  	s8 =	simm.s32 @!p0 $0x0;
	s4 =	sadd.s32 @!p0 s4, s5  }
0x69: {  	[sflag:s20] =	ssyncset.done $0x0;
	s5 =	rddreg [dreg:$0x4];
	s4 =	sshrl.u32 @!p0 s4, $0x3  }
0x6a: {  	s9 =	simm.s32 @!p0 $0x2800;
	[sflag:s20] =	ssyncadd.s32 $0xFFFFF000;
	s5 =	sadd.s32 @!p0 s5, s4  }
0x6b: {  	[tilespmem:s9], [sflag:$0x7] =	stream.linear.gather @!p0 [hbm4b:s5+s8], $0x1000, $0x38;
	[tilespmem:$0x1A890] =	vst v63  }
0x6c: {  	s5 =	sadd.s32 @!p0 s16, s4;
	s9 =	simm.s32 @!p0 $0x4800  }
0x6d: {  	[tilespmem:s9], [sflag:$0x7] =	stream.linear.gather @!p0 [hbm4b:s5+s8], $0x1000, $0x38;
	[tilespmem:$0x1A890] =	vst v63  }
0x6e: {  	s4 =	sadd.s32 @!p0 s6, s4;
	s5 =	simm.s32 @!p0 $0x6800  }
0x6f: {  	[tilespmem:s5], [sflag:$0x7] =	stream.linear.gather @!p0 [hbm4b:s4+s8], $0x1000, $0x38;
	[tilespmem:$0x1A890] =	vst v63  }
.LBB2_6:
0x70: {  	s23 =	sshll.u32 s0, $0xC  }
0x71: {  	s19 =	simm.s32 $0x8890;
	s24 =	sor.u32 $0x2800, s23  }
0x72: {  	[tilespmem:s19], [sflag:$0x1] =	stream.indirect.gather [hbm4b:s17+s30], $0x20, s24, s30, $0xb8;
	[tilespmem:$0x1A890] =	vst v63  }
0x73: {  	s4 =	simm.s32 $0x9890;
	s21 =	sor.u32 $0x2880, s23  }
0x74: {  	[tilespmem:s4], [sflag:$0x2] =	stream.indirect.gather [hbm4b:s17+s30], $0x20, s21, s30, $0xb8;
	[tilespmem:$0x1A890] =	vst v63  }
0x75: {  	s31 =	simm.s32 $0xA890;
	s8 =	simm.s32 $0x0;
	s26 =	sor.u32 $0x2900, s23  }
0x76: {  	v1 =	vmov s23;
	[tilespmem:s31], [sflag:$0x3] =	stream.indirect.gather [hbm4b:s17+s30], $0x20, s26, s30, $0xb8;
	[tilespmem:$0x1A890] =	vst v63  }
.LBB2_7:
0x77: {  	s0 =	sshllo.u32 s8, $0x2  }
0x78: {  	s9 =	sshll.u32 s0, $0x7  }
0x79: {  	s21 =	sshll.u32 s8, $0x9;
	s0 =	sand.u32 $0x3FFFFF80, s9  }
0x7a: {  	s10 =	sor.u32 s23, s21;
	s0 =	sadd.s32 s0, s24  }
0x7b: {  	[tilespmem:s28], [sflag:$0x4] =	stream.indirect.gather [hbm4b:s17+s30], $0x20, s0, s30, $0xb8;
	[tilespmem:$0x1A890] =	vst v63  }
0x7c: {  	v2 =	vld [tilespmem:s10+$0x2800];
	_ =	sdelay $0x6  }
0x7d: {  	v3 =	vld [tilespmem:s10+$0x6800]  }
0x7e: {  	v2 =	vld.idx.msk [tilespmem:v2+s2+$0x0], $0xffff;
	_ =	sdelay $0x4  }
0x7f: {  	v2 =	vmul.f32 v2, v3;
	_ =	sdelay $0x1  }
0x80: {  	[tilespmem:$0x8800] =	vst v2  }
0x81: {  	v2 =	vld [tilespmem:s10+$0x2810];
	_ =	sdelay $0x6  }
0x82: {  	v3 =	vld [tilespmem:s10+$0x6810]  }
0x83: {  	v2 =	vld.idx.msk [tilespmem:v2+s2+$0x0], $0xffff;
	_ =	sdelay $0x4  }
0x84: {  	v2 =	vmul.f32 v2, v3;
	_ =	sdelay $0x1  }
0x85: {  	[tilespmem:$0x8810] =	vst v2  }
0x86: {  	v2 =	vld [tilespmem:s10+$0x2820];
	_ =	sdelay $0x6  }
0x87: {  	v3 =	vld [tilespmem:s10+$0x6820]  }
0x88: {  	v2 =	vld.idx.msk [tilespmem:v2+s2+$0x0], $0xffff;
	_ =	sdelay $0x4  }
0x89: {  	v2 =	vmul.f32 v2, v3;
	_ =	sdelay $0x1  }
0x8a: {  	[tilespmem:$0x8820] =	vst v2  }
0x8b: {  	v2 =	vld [tilespmem:s10+$0x2830];
	_ =	sdelay $0x6  }
0x8c: {  	v3 =	vld [tilespmem:s10+$0x6830]  }
0x8d: {  	v2 =	vld.idx.msk [tilespmem:v2+s2+$0x0], $0xffff;
	_ =	sdelay $0x4  }
0x8e: {  	v2 =	vmul.f32 v2, v3;
	_ =	sdelay $0x1  }
0x8f: {  	[tilespmem:$0x8830] =	vst v2  }
0x90: {  	v2 =	vld [tilespmem:s10+$0x2840];
	_ =	sdelay $0x6  }
0x91: {  	v3 =	vld [tilespmem:s10+$0x6840]  }
0x92: {  	v2 =	vld.idx.msk [tilespmem:v2+s2+$0x0], $0xffff;
	_ =	sdelay $0x4  }
0x93: {  	v2 =	vmul.f32 v2, v3;
	_ =	sdelay $0x1  }
0x94: {  	[tilespmem:$0x8840] =	vst v2  }
0x95: {  	v2 =	vld [tilespmem:s10+$0x2850];
	_ =	sdelay $0x6  }
0x96: {  	v3 =	vld [tilespmem:s10+$0x6850]  }
0x97: {  	v2 =	vld.idx.msk [tilespmem:v2+s2+$0x0], $0xffff;
	_ =	sdelay $0x4  }
0x98: {  	v2 =	vmul.f32 v2, v3;
	_ =	sdelay $0x1  }
0x99: {  	[tilespmem:$0x8850] =	vst v2  }
0x9a: {  	v2 =	vld [tilespmem:s10+$0x2860];
	_ =	sdelay $0x6  }
0x9b: {  	v3 =	vld [tilespmem:s10+$0x6860]  }
0x9c: {  	v2 =	vld.idx.msk [tilespmem:v2+s2+$0x0], $0xffff;
	_ =	sdelay $0x4  }
0x9d: {  	v2 =	vmul.f32 v2, v3;
	_ =	sdelay $0x1  }
0x9e: {  	[tilespmem:$0x8860] =	vst v2  }
0x9f: {  	v2 =	vld [tilespmem:s10+$0x2870];
	_ =	sdelay $0x6  }
0xa0: {  	v3 =	vld [tilespmem:s10+$0x6870]  }
0xa1: {  	v2 =	vld.idx.msk [tilespmem:v2+s2+$0x0], $0xffff;
	_ =	sdelay $0x4  }
0xa2: {  	v2 =	vmul.f32 v2, v3;
	_ =	sdelay $0x1  }
0xa3: {  	[tilespmem:$0x8870] =	vst v2  }
0xa4: {  	_ =	swait.ge [sflag:s29], $0x1000  }
0xa5: {  	p1 =	seq.s32 s8, $0x0;
	[sflag:s29] =	ssyncset.done $0x0  }
0xa6: {  	s0 =	simm.s32 @!p1 $0x5;
	[sflag:s29] =	ssyncadd.s32 $0xFFFFF000  }
0xa7: {  	_ =	swait.ge @!p1 [sflag:s0], $0x2000  }
0xa8: {  	[sflag:s0] =	ssyncset.done @!p1 $0x0  }
0xa9: {  	s4 =	simm.s32 $0x88D0;
	[sflag:s0] =	ssyncadd.s32 @!p1 $0xFFFFE000  }
0xaa: {  	s26 =	simm.s32 $0x8802;
	v2 =	vld [tilespmem:s4+$0x20]  }
0xab: {  	v7 =	vld.msk [tilespmem:s26+$0x1 ss:$0x0], $0xffff  }
0xac: {  	v3 =	vld [tilespmem:s4+$0xFFFFFFE0]  }
0xad: {  	v4 =	vld.msk [tilespmem:s26+$0xFFFFFFFF ss:$0x0], $0xffff;
	_ =	sdelay $0x1  }
0xae: {  	v5 =	vunpack.i.l.bf16.f32 v2  }
0xaf: {  	v2 =	vunpack.i.u.bf16.f32 v2;
	v5 =	vmul.f32 v5, v7  }
0xb0: {  	s11 =	simm.s32 $0xC910;
	v6 =	vld [tilespmem:s4+$0xFFFFFFC0];
	v8 =	vunpack.i.l.bf16.f32 v3;
	v3 =	vunpack.i.u.bf16.f32 v3;
	v2 =	vmul.f32 v2, v7  }
0xb1: {  	v10 =	vld.msk [tilespmem:s26+$0xFFFFFFFE ss:$0x0], $0xffff;
	v3 =	vmul.f32 v3, v4;
	[tilespmem:s11+$0x40] =	vst v5  }
0xb2: {  	v9 =	vld [tilespmem:s4+$0x0];
	v5 =	vmul.f32 v8, v4;
	[tilespmem:s11+$0x50] =	vst v2  }
0xb3: {  	v2 =	vld.msk [tilespmem:s26+$0x0 ss:$0x0], $0xffff;
	[tilespmem:s11+$0xFFFFFFD0] =	vst v3  }
0xb4: {  	v8 =	vld [tilespmem:s4+$0x30];
	[tilespmem:s11+$0xFFFFFFC0] =	vst v5  }
0xb5: {  	s12 =	simm.s32 $0x8950;
	v5 =	vunpack.i.l.bf16.f32 v6;
	v11 =	vld [tilespmem:s4+$0xFFFFFFF0]  }
0xb6: {  	v12 =	vld [tilespmem:s12+$0x20];
	v6 =	vunpack.i.u.bf16.f32 v6;
	v5 =	vmul.f32 v5, v10  }
0xb7: {  	s31 =	simm.s32 $0x8806;
	v14 =	vld [tilespmem:s12+$0xFFFFFFC0];
	v13 =	vunpack.i.l.bf16.f32 v9;
	v6 =	vmul.f32 v6, v10  }
0xb8: {  	v9 =	vunpack.i.u.bf16.f32 v9;
	v3 =	vld.msk [tilespmem:s31+$0x1 ss:$0x0], $0xffff;
	v13 =	vmul.f32 v13, v2;
	[tilespmem:s11+$0xFFFFFF80] =	vst v5  }
0xb9: {  	v15 =	vld [tilespmem:s12+$0xFFFFFFE0];
	v9 =	vmul.f32 v9, v2;
	[tilespmem:s11+$0xFFFFFF90] =	vst v6;
	v5 =	vunpack.i.u.bf16.f32 v8  }
0xba: {  	v16 =	vld [tilespmem:s12+$0x0];
	[tilespmem:s11+$0x0] =	vst v13;
	v13 =	vmul.f32 v5, v7;
	v6 =	vunpack.i.l.bf16.f32 v11  }
0xbb: {  	v5 =	vld.msk [tilespmem:s31+$0xFFFFFFFF ss:$0x0], $0xffff;
	[tilespmem:s11+$0x10] =	vst v9;
	v9 =	vunpack.i.u.bf16.f32 v11;
	v11 =	vmul.f32 v6, v4  }
0xbc: {  	v6 =	vld.msk [tilespmem:s31+$0x0 ss:$0x0], $0xffff;
	[tilespmem:s11+$0x70] =	vst v13;
	v9 =	vmul.f32 v9, v4;
	v13 =	vunpack.i.l.bf16.f32 v12  }
0xbd: {  	v8 =	vunpack.i.l.bf16.f32 v8;
	v4 =	vld.msk [tilespmem:s31+$0xFFFFFFFE ss:$0x0], $0xffff;
	v12 =	vunpack.i.u.bf16.f32 v12;
	v13 =	vmul.f32 v13, v3;
	[tilespmem:s11+$0xFFFFFFE0] =	vst v11  }
0xbe: {  	s0 =	simm.s32 $0xCA10;
	v7 =	vmul.f32 v8, v7;
	v8 =	vmul.f32 v12, v3;
	v12 =	vld [tilespmem:s4+$0x10];
	[tilespmem:s11+$0xFFFFFFF0] =	vst v9  }
0xbf: {  	v17 =	vunpack.i.u.bf16.f32 v14;
	v11 =	vld [tilespmem:s4+$0xFFFFFFD0];
	[tilespmem:s0+$0x40] =	vst v13  }
0xc0: {  	v9 =	vunpack.i.u.bf16.f32 v15;
	v15 =	vunpack.i.l.bf16.f32 v15;
	v13 =	vunpack.i.u.bf16.f32 v16;
	[tilespmem:s0+$0x50] =	vst v8  }
0xc1: {  	[tilespmem:s11+$0x60] =	vst v7;
	v16 =	vunpack.i.l.bf16.f32 v16;
	v15 =	vmul.f32 v15, v5;
	v18 =	vmul.f32 v9, v5;
	v7 =	vld [tilespmem:s12+$0x30]  }
0xc2: {  	v14 =	vunpack.i.l.bf16.f32 v14;
	v9 =	vmul.f32 v16, v6;
	v8 =	vmul.f32 v13, v6  }
0xc3: {  	v13 =	vmul.f32 v14, v4;
	v14 =	vmul.f32 v17, v4;
	[tilespmem:s0+$0xFFFFFFC0] =	vst v15  }
0xc4: {  	s19 =	simm.s32 $0x4;
	[tilespmem:s0+$0xFFFFFFD0] =	vst v18;
	v15 =	vunpack.i.l.bf16.f32 v12;
	v16 =	vunpack.i.u.bf16.f32 v11;
	v17 =	vunpack.i.l.bf16.f32 v11  }
0xc5: {  	s21 =	simm.s32 $0xCA10;
	s26 =	simm.s32 $0x8950;
	s4 =	simm.s32 $0x880A;
	v11 =	vunpack.i.u.bf16.f32 v12;
	[tilespmem:s0+$0xFFFFFF80] =	vst v13;
	v12 =	vld [tilespmem:s12+$0xFFFFFFF0];
	v13 =	vmul.f32 v17, v10;
	v10 =	vmul.f32 v16, v10  }
.LBB2_8:
0xc6: {  	v16 =	vld.msk [tilespmem:s4+$0x1 ss:$0x0], $0xffff;
	[tilespmem:s0+$0xFFFFFF90] =	vst v14;
	v14 =	vunpack.i.u.bf16.f32 v7;
	v7 =	vunpack.i.l.bf16.f32 v7;
	s12 =	sadd.s32 $0x80, s12;
	v15 =	vmul.f32 v15, v2  }
0xc7: {  	v11 =	vmul.f32 v11, v2;
	v2 =	vmov v6;
	v17 =	vld [tilespmem:s12+$0x20];
	[tilespmem:s0+$0x0] =	vst v9;
	v9 =	vmul.f32 v14, v3  }
0xc8: {  	s19 =	sadd.s32 $0x4, s19;
	v18 =	vmul.f32 v7, v3;
	v14 =	vld [tilespmem:s12+$0xFFFFFFC0];
	[tilespmem:s0+$0x10] =	vst v8  }
0xc9: {  	p0 =	slt.u32 s19, $0x7C;
	v7 =	vld [tilespmem:s12+$0xFFFFFFE0];
	[tilespmem:s0+$0x70] =	vst v9  }
0xca: {  	v8 =	vld [tilespmem:s12+$0x0];
	v19 =	vunpack.i.u.bf16.f32 v12;
	v6 =	vunpack.i.l.bf16.f32 v12;
	[tilespmem:s11+$0xFFFFFFA0] =	vst v13  }
0xcb: {  	v9 =	vmul.f32 v6, v5;
	v12 =	vmul.f32 v19, v5;
	v5 =	vld.msk [tilespmem:s4+$0xFFFFFFFF ss:$0x0], $0xffff;
	[tilespmem:s11+$0xFFFFFFB0] =	vst v10  }
0xcc: {  	v3 =	vmov v16;
	v6 =	vld.msk [tilespmem:s4+$0x0 ss:$0x0], $0xffff;
	v10 =	vunpack.i.l.bf16.f32 v17;
	[tilespmem:s11+$0x20] =	vst v15  }
0xcd: {  	v15 =	vunpack.i.u.bf16.f32 v17;
	v16 =	vld.msk [tilespmem:s4+$0xFFFFFFFE ss:$0x0], $0xffff;
	v13 =	vunpack.i.u.bf16.f32 v14;
	v10 =	vmul.f32 v10, v3;
	[tilespmem:s0+$0xFFFFFFE0] =	vst v9  }
0xce: {  	v14 =	vunpack.i.l.bf16.f32 v14;
	v15 =	vmul.f32 v15, v3;
	s0 =	sadd.s32 $0x100, s0;
	v9 =	vunpack.i.u.bf16.f32 v7;
	v17 =	vld [tilespmem:s26+$0xFFFFFFD0];
	[tilespmem:s21+$0xFFFFFFF0] =	vst v12  }
0xcf: {  	v7 =	vunpack.i.l.bf16.f32 v7;
	v12 =	vunpack.i.u.bf16.f32 v8;
	v8 =	vunpack.i.l.bf16.f32 v8;
	[tilespmem:s0+$0x40] =	vst v10;
	v10 =	vld [tilespmem:s26+$0x10];
	s26 =	smov.u32 s12  }
0xd0: {  	[tilespmem:s0+$0x50] =	vst v15  }
.Ltmp2:
0xd1: {  	v15 =	vmul.f32 v7, v5;
	v19 =	vmul.f32 v9, v5;
	v7 =	vld [tilespmem:s12+$0x30];
	[tilespmem:s11+$0x30] =	vst v11;
	s11 =	smov.u32 s21;
	s21 =	smov.u32 s0;
	(pc) =	sbr.rel @p0 .LBB2_8-.Ltmp2, $4  }
0xd2: {  	v9 =	vmul.f32 v8, v6;
	v8 =	vmul.f32 v12, v6;
	[tilespmem:s11+$0x60] =	vst v18  }
0xd3: {  	v12 =	vmul.f32 v14, v16;
	v14 =	vmul.f32 v13, v16;
	[tilespmem:s0+$0xFFFFFFC0] =	vst v15;
	v18 =	vunpack.i.u.bf16.f32 v17  }
0xd4: {  	v13 =	vunpack.i.l.bf16.f32 v17;
	[tilespmem:s0+$0xFFFFFFD0] =	vst v19;
	v11 =	vunpack.i.u.bf16.f32 v10;
	v15 =	vunpack.i.l.bf16.f32 v10  }
0xd5: {  	s4 =	sadd.s32 $0x4, s4;
	v13 =	vmul.f32 v13, v4;
	v10 =	vmul.f32 v18, v4;
	v4 =	vmov v16;
	[tilespmem:s0+$0xFFFFFF80] =	vst v12;
	v12 =	vld [tilespmem:s12+$0xFFFFFFF0]  }
0xd6: {  	[tilespmem:s0+$0xFFFFFF90] =	vst v14  }
0xd7: {  	[tilespmem:s0+$0x0] =	vst v9  }
0xd8: {  	v14 =	vunpack.i.u.bf16.f32 v7;
	[tilespmem:s0+$0x10] =	vst v8  }
0xd9: {  	v7 =	vunpack.i.l.bf16.f32 v7;
	v9 =	vmul.f32 v14, v3;
	v8 =	vld [tilespmem:s26+$0xFFFFFFD0];
	[tilespmem:s11+$0xFFFFFFA0] =	vst v13  }
0xda: {  	[tilespmem:s11+$0xFFFFFFB0] =	vst v10;
	v10 =	vld [tilespmem:s26+$0x10];
	v3 =	vmul.f32 v7, v3  }
0xdb: {  	[tilespmem:s0+$0x70] =	vst v9;
	v9 =	vmul.f32 v15, v2  }
0xdc: {  	v2 =	vmul.f32 v11, v2;
	v14 =	vunpack.i.l.bf16.f32 v12;
	[tilespmem:s21+$0x60] =	vst v3  }
0xdd: {  	v12 =	vunpack.i.u.bf16.f32 v12;
	v13 =	vmul.f32 v14, v5;
	[tilespmem:s11+$0x20] =	vst v9  }
0xde: {  	v5 =	vmul.f32 v12, v5;
	[tilespmem:s11+$0x30] =	vst v2;
	v2 =	vunpack.i.u.bf16.f32 v8  }
0xdf: {  	v3 =	vunpack.i.l.bf16.f32 v10;
	[tilespmem:s0+$0xFFFFFFE0] =	vst v13;
	v2 =	vmul.f32 v2, v4  }
0xe0: {  	v3 =	vmul.f32 v3, v6;
	[tilespmem:s21+$0xFFFFFFF0] =	vst v5;
	v5 =	vunpack.i.l.bf16.f32 v8  }
0xe1: {  	p0 =	seq.s32 s8, $0x7;
	v5 =	vmul.f32 v5, v4;
	v4 =	vunpack.i.u.bf16.f32 v10;
	[tilespmem:s21+$0xFFFFFFB0] =	vst v2  }
0xe2: {  	s0 =	sshll.u32 @!p0 s8, $0x9;
	[tilespmem:s21+$0x20] =	vst v3;
	v4 =	vmul.f32 v4, v6  }
0xe3: {  	s0 =	sand.u32 @!p0 $0x3FFFFE00, s0;
	[tilespmem:s21+$0xFFFFFFA0] =	vst v5  }
0xe4: {  	s12 =	sadd.s32 $0x4800, s10;
	s11 =	sadd.s32 @!p0 s0, s24;
	[tilespmem:s21+$0x30] =	vst v4  }
0xe5: {  	[spmem:s1] =	stream.indirect.scatter.add.f32 [tilespmem:s25], [sflag:$0x5], $0x40, s12, s30, $0xb8;
	[tilespmem:$0x1A890] =	vst v63  }
0xe6: {  	s4 =	simm.s32 @!p0 $0x80;
	s5 =	simm.s32 @!p0 $0x8890;
	s0 =	sadd.s32 @!p0 $0x200, s11  }
0xe7: {  	[tilespmem:s5], [sflag:$0x1] =	stream.indirect.gather @!p0 [hbm4b:s17+s4], $0x20, s0, s4, $0xb8;
	[tilespmem:$0x1A890] =	vst v63  }
0xe8: {  	v2 =	vld [tilespmem:s10+$0x2880];
	_ =	sdelay $0x6  }
0xe9: {  	v3 =	vld [tilespmem:s10+$0x6880]  }
0xea: {  	v2 =	vld.idx.msk [tilespmem:v2+s2+$0x0], $0xffff;
	_ =	sdelay $0x4  }
0xeb: {  	v2 =	vmul.f32 v2, v3;
	_ =	sdelay $0x1  }
0xec: {  	[tilespmem:$0x8800] =	vst v2  }
0xed: {  	v2 =	vld [tilespmem:s10+$0x2890];
	_ =	sdelay $0x6  }
0xee: {  	v3 =	vld [tilespmem:s10+$0x6890]  }
0xef: {  	v2 =	vld.idx.msk [tilespmem:v2+s2+$0x0], $0xffff;
	_ =	sdelay $0x4  }
0xf0: {  	v2 =	vmul.f32 v2, v3;
	_ =	sdelay $0x1  }
0xf1: {  	[tilespmem:$0x8810] =	vst v2  }
0xf2: {  	v2 =	vld [tilespmem:s10+$0x28A0];
	_ =	sdelay $0x6  }
0xf3: {  	v3 =	vld [tilespmem:s10+$0x68A0]  }
0xf4: {  	v2 =	vld.idx.msk [tilespmem:v2+s2+$0x0], $0xffff;
	_ =	sdelay $0x4  }
0xf5: {  	v2 =	vmul.f32 v2, v3;
	_ =	sdelay $0x1  }
0xf6: {  	[tilespmem:$0x8820] =	vst v2  }
0xf7: {  	v2 =	vld [tilespmem:s10+$0x28B0];
	_ =	sdelay $0x6  }
0xf8: {  	v3 =	vld [tilespmem:s10+$0x68B0]  }
0xf9: {  	v2 =	vld.idx.msk [tilespmem:v2+s2+$0x0], $0xffff;
	_ =	sdelay $0x4  }
0xfa: {  	v2 =	vmul.f32 v2, v3;
	_ =	sdelay $0x1  }
0xfb: {  	[tilespmem:$0x8830] =	vst v2  }
0xfc: {  	v2 =	vld [tilespmem:s10+$0x28C0];
	_ =	sdelay $0x6  }
0xfd: {  	v3 =	vld [tilespmem:s10+$0x68C0]  }
0xfe: {  	v2 =	vld.idx.msk [tilespmem:v2+s2+$0x0], $0xffff;
	_ =	sdelay $0x4  }
0xff: {  	v2 =	vmul.f32 v2, v3;
	_ =	sdelay $0x1  }
0x100: {  	[tilespmem:$0x8840] =	vst v2  }
0x101: {  	v2 =	vld [tilespmem:s10+$0x28D0];
	_ =	sdelay $0x6  }
0x102: {  	v3 =	vld [tilespmem:s10+$0x68D0]  }
0x103: {  	v2 =	vld.idx.msk [tilespmem:v2+s2+$0x0], $0xffff;
	_ =	sdelay $0x4  }
0x104: {  	v2 =	vmul.f32 v2, v3;
	_ =	sdelay $0x1  }
0x105: {  	[tilespmem:$0x8850] =	vst v2  }
0x106: {  	v2 =	vld [tilespmem:s10+$0x28E0];
	_ =	sdelay $0x6  }
0x107: {  	v3 =	vld [tilespmem:s10+$0x68E0]  }
0x108: {  	v2 =	vld.idx.msk [tilespmem:v2+s2+$0x0], $0xffff;
	_ =	sdelay $0x4  }
0x109: {  	v2 =	vmul.f32 v2, v3;
	_ =	sdelay $0x1  }
0x10a: {  	[tilespmem:$0x8860] =	vst v2  }
0x10b: {  	v2 =	vld [tilespmem:s10+$0x28F0];
	_ =	sdelay $0x6  }
0x10c: {  	v3 =	vld [tilespmem:s10+$0x68F0]  }
0x10d: {  	v2 =	vld.idx.msk [tilespmem:v2+s2+$0x0], $0xffff;
	_ =	sdelay $0x4  }
0x10e: {  	v2 =	vmul.f32 v2, v3;
	_ =	sdelay $0x1  }
0x10f: {  	[tilespmem:$0x8870] =	vst v2  }
0x110: {  	_ =	swait.ge [sflag:s3], $0x1000  }
0x111: {  	[sflag:s3] =	ssyncset.done $0x0  }
0x112: {  	s0 =	simm.s32 @!p1 $0x6;
	[sflag:s3] =	ssyncadd.s32 $0xFFFFF000  }
0x113: {  	_ =	swait.ge @!p1 [sflag:s0], $0x2000  }
0x114: {  	[sflag:s0] =	ssyncset.done @!p1 $0x0  }
0x115: {  	s19 =	simm.s32 $0x98D0;
	[sflag:s0] =	ssyncadd.s32 @!p1 $0xFFFFE000  }
0x116: {  	s21 =	simm.s32 $0x8802;
	v2 =	vld [tilespmem:s19+$0x20]  }
0x117: {  	v7 =	vld.msk [tilespmem:s21+$0x1 ss:$0x0], $0xffff  }
0x118: {  	v3 =	vld [tilespmem:s19+$0xFFFFFFE0]  }
0x119: {  	v4 =	vld.msk [tilespmem:s21+$0xFFFFFFFF ss:$0x0], $0xffff;
	_ =	sdelay $0x1  }
0x11a: {  	v5 =	vunpack.i.l.bf16.f32 v2  }
0x11b: {  	v2 =	vunpack.i.u.bf16.f32 v2;
	v5 =	vmul.f32 v5, v7  }
0x11c: {  	s12 =	simm.s32 $0xE910;
	v6 =	vld [tilespmem:s19+$0xFFFFFFC0];
	v8 =	vunpack.i.l.bf16.f32 v3;
	v3 =	vunpack.i.u.bf16.f32 v3;
	v2 =	vmul.f32 v2, v7  }
0x11d: {  	v10 =	vld.msk [tilespmem:s21+$0xFFFFFFFE ss:$0x0], $0xffff;
	v3 =	vmul.f32 v3, v4;
	[tilespmem:s12+$0x40] =	vst v5  }
0x11e: {  	v9 =	vld [tilespmem:s19+$0x0];
	v5 =	vmul.f32 v8, v4;
	[tilespmem:s12+$0x50] =	vst v2  }
0x11f: {  	v2 =	vld.msk [tilespmem:s21+$0x0 ss:$0x0], $0xffff;
	[tilespmem:s12+$0xFFFFFFD0] =	vst v3  }
0x120: {  	v8 =	vld [tilespmem:s19+$0x30];
	[tilespmem:s12+$0xFFFFFFC0] =	vst v5  }
0x121: {  	s26 =	simm.s32 $0x8806;
	v5 =	vunpack.i.l.bf16.f32 v6;
	v11 =	vld [tilespmem:s19+$0xFFFFFFF0]  }
0x122: {  	v3 =	vld.msk [tilespmem:s26+$0x1 ss:$0x0], $0xffff;
	s21 =	simm.s32 $0x9950;
	v6 =	vunpack.i.u.bf16.f32 v6;
	v5 =	vmul.f32 v5, v10  }
0x123: {  	v13 =	vunpack.i.l.bf16.f32 v9;
	v12 =	vld [tilespmem:s21+$0x20];
	v6 =	vmul.f32 v6, v10  }
0x124: {  	v9 =	vunpack.i.u.bf16.f32 v9;
	v14 =	vld [tilespmem:s21+$0xFFFFFFC0];
	v13 =	vmul.f32 v13, v2;
	[tilespmem:s12+$0xFFFFFF80] =	vst v5  }
0x125: {  	v15 =	vld [tilespmem:s21+$0xFFFFFFE0];
	v9 =	vmul.f32 v9, v2;
	[tilespmem:s12+$0xFFFFFF90] =	vst v6;
	v5 =	vunpack.i.u.bf16.f32 v8  }
0x126: {  	v16 =	vld [tilespmem:s21+$0x0];
	[tilespmem:s12+$0x0] =	vst v13;
	v13 =	vmul.f32 v5, v7;
	v6 =	vunpack.i.l.bf16.f32 v11  }
0x127: {  	v5 =	vld.msk [tilespmem:s26+$0xFFFFFFFF ss:$0x0], $0xffff;
	[tilespmem:s12+$0x10] =	vst v9;
	v9 =	vunpack.i.u.bf16.f32 v11;
	v11 =	vmul.f32 v6, v4  }
0x128: {  	v6 =	vld.msk [tilespmem:s26+$0x0 ss:$0x0], $0xffff;
	[tilespmem:s12+$0x70] =	vst v13;
	v9 =	vmul.f32 v9, v4;
	v13 =	vunpack.i.l.bf16.f32 v12  }
0x129: {  	v8 =	vunpack.i.l.bf16.f32 v8;
	v4 =	vld.msk [tilespmem:s26+$0xFFFFFFFE ss:$0x0], $0xffff;
	v12 =	vunpack.i.u.bf16.f32 v12;
	v13 =	vmul.f32 v13, v3;
	[tilespmem:s12+$0xFFFFFFE0] =	vst v11  }
0x12a: {  	s0 =	simm.s32 $0xEA10;
	v8 =	vmul.f32 v8, v7;
	v7 =	vmul.f32 v12, v3;
	v12 =	vld [tilespmem:s19+$0x10];
	[tilespmem:s12+$0xFFFFFFF0] =	vst v9  }
0x12b: {  	v17 =	vunpack.i.u.bf16.f32 v14;
	v11 =	vld [tilespmem:s19+$0xFFFFFFD0];
	[tilespmem:s0+$0x40] =	vst v13  }
0x12c: {  	v9 =	vunpack.i.u.bf16.f32 v15;
	v15 =	vunpack.i.l.bf16.f32 v15;
	v13 =	vunpack.i.u.bf16.f32 v16;
	[tilespmem:s0+$0x50] =	vst v7  }
0x12d: {  	[tilespmem:s12+$0x60] =	vst v8;
	v16 =	vunpack.i.l.bf16.f32 v16;
	v15 =	vmul.f32 v15, v5;
	v18 =	vmul.f32 v9, v5;
	v8 =	vld [tilespmem:s21+$0x30]  }
0x12e: {  	v14 =	vunpack.i.l.bf16.f32 v14;
	v9 =	vmul.f32 v16, v6;
	v7 =	vmul.f32 v13, v6  }
0x12f: {  	v13 =	vmul.f32 v14, v4;
	v14 =	vmul.f32 v17, v4;
	[tilespmem:s0+$0xFFFFFFC0] =	vst v15  }
0x130: {  	s31 =	sor.u32 $0x80, s10;
	s4 =	simm.s32 $0x4;
	[tilespmem:s0+$0xFFFFFFD0] =	vst v18;
	v15 =	vunpack.i.l.bf16.f32 v12;
	v16 =	vunpack.i.u.bf16.f32 v11;
	v17 =	vunpack.i.l.bf16.f32 v11  }
0x131: {  	s5 =	simm.s32 $0x880A;
	s26 =	simm.s32 $0xEA10;
	s19 =	simm.s32 $0x9950;
	v11 =	vunpack.i.u.bf16.f32 v12;
	[tilespmem:s0+$0xFFFFFF80] =	vst v13;
	v12 =	vld [tilespmem:s21+$0xFFFFFFF0];
	v13 =	vmul.f32 v17, v10;
	v10 =	vmul.f32 v16, v10  }
.LBB2_10:
0x132: {  	v16 =	vld.msk [tilespmem:s5+$0x1 ss:$0x0], $0xffff;
	[tilespmem:s0+$0xFFFFFF90] =	vst v14;
	v14 =	vunpack.i.u.bf16.f32 v8;
	v8 =	vunpack.i.l.bf16.f32 v8;
	s21 =	sadd.s32 $0x80, s21;
	v15 =	vmul.f32 v15, v2  }
0x133: {  	v11 =	vmul.f32 v11, v2;
	v2 =	vmov v6;
	v17 =	vld [tilespmem:s21+$0x20];
	[tilespmem:s0+$0x0] =	vst v9;
	v9 =	vmul.f32 v14, v3  }
0x134: {  	s4 =	sadd.s32 $0x4, s4;
	v18 =	vmul.f32 v8, v3;
	v14 =	vld [tilespmem:s21+$0xFFFFFFC0];
	[tilespmem:s0+$0x10] =	vst v7  }
0x135: {  	p1 =	slt.u32 s4, $0x7C;
	v7 =	vld [tilespmem:s21+$0xFFFFFFE0];
	[tilespmem:s0+$0x70] =	vst v9  }
0x136: {  	v8 =	vld [tilespmem:s21+$0x0];
	v19 =	vunpack.i.u.bf16.f32 v12;
	v6 =	vunpack.i.l.bf16.f32 v12;
	[tilespmem:s12+$0xFFFFFFA0] =	vst v13  }
0x137: {  	v9 =	vmul.f32 v6, v5;
	v12 =	vmul.f32 v19, v5;
	v5 =	vld.msk [tilespmem:s5+$0xFFFFFFFF ss:$0x0], $0xffff;
	[tilespmem:s12+$0xFFFFFFB0] =	vst v10  }
0x138: {  	v3 =	vmov v16;
	v6 =	vld.msk [tilespmem:s5+$0x0 ss:$0x0], $0xffff;
	v10 =	vunpack.i.l.bf16.f32 v17;
	[tilespmem:s12+$0x20] =	vst v15  }
0x139: {  	v15 =	vunpack.i.u.bf16.f32 v17;
	v16 =	vld.msk [tilespmem:s5+$0xFFFFFFFE ss:$0x0], $0xffff;
	v13 =	vunpack.i.u.bf16.f32 v14;
	v10 =	vmul.f32 v10, v3;
	[tilespmem:s0+$0xFFFFFFE0] =	vst v9  }
0x13a: {  	v14 =	vunpack.i.l.bf16.f32 v14;
	v15 =	vmul.f32 v15, v3;
	s0 =	sadd.s32 $0x100, s0;
	v9 =	vunpack.i.u.bf16.f32 v7;
	v17 =	vld [tilespmem:s19+$0xFFFFFFD0];
	[tilespmem:s26+$0xFFFFFFF0] =	vst v12  }
0x13b: {  	v7 =	vunpack.i.l.bf16.f32 v7;
	v12 =	vunpack.i.u.bf16.f32 v8;
	v19 =	vunpack.i.l.bf16.f32 v8;
	[tilespmem:s0+$0x40] =	vst v10;
	v10 =	vld [tilespmem:s19+$0x10];
	s19 =	smov.u32 s21  }
0x13c: {  	[tilespmem:s0+$0x50] =	vst v15  }
.Ltmp3:
0x13d: {  	v15 =	vmul.f32 v7, v5;
	v20 =	vmul.f32 v9, v5;
	v8 =	vld [tilespmem:s21+$0x30];
	[tilespmem:s12+$0x30] =	vst v11;
	s12 =	smov.u32 s26;
	s26 =	smov.u32 s0;
	(pc) =	sbr.rel @p1 .LBB2_10-.Ltmp3, $4  }
0x13e: {  	v9 =	vmul.f32 v19, v6;
	v7 =	vmul.f32 v12, v6;
	[tilespmem:s12+$0x60] =	vst v18  }
0x13f: {  	v12 =	vmul.f32 v14, v16;
	v14 =	vmul.f32 v13, v16;
	[tilespmem:s0+$0xFFFFFFC0] =	vst v15;
	v18 =	vunpack.i.u.bf16.f32 v17  }
0x140: {  	v13 =	vunpack.i.l.bf16.f32 v17;
	[tilespmem:s0+$0xFFFFFFD0] =	vst v20;
	v11 =	vunpack.i.u.bf16.f32 v10;
	v15 =	vunpack.i.l.bf16.f32 v10  }
0x141: {  	s5 =	sadd.s32 $0x4, s5;
	v13 =	vmul.f32 v13, v4;
	v10 =	vmul.f32 v18, v4;
	v4 =	vmov v16;
	[tilespmem:s0+$0xFFFFFF80] =	vst v12;
	v12 =	vld [tilespmem:s21+$0xFFFFFFF0]  }
0x142: {  	[tilespmem:s0+$0xFFFFFF90] =	vst v14  }
0x143: {  	[tilespmem:s0+$0x0] =	vst v9  }
0x144: {  	v14 =	vunpack.i.u.bf16.f32 v8;
	[tilespmem:s0+$0x10] =	vst v7  }
0x145: {  	v8 =	vunpack.i.l.bf16.f32 v8;
	v9 =	vmul.f32 v14, v3;
	v7 =	vld [tilespmem:s19+$0xFFFFFFD0];
	[tilespmem:s12+$0xFFFFFFA0] =	vst v13  }
0x146: {  	[tilespmem:s12+$0xFFFFFFB0] =	vst v10;
	v10 =	vld [tilespmem:s19+$0x10];
	v3 =	vmul.f32 v8, v3  }
0x147: {  	[tilespmem:s0+$0x70] =	vst v9;
	v9 =	vmul.f32 v15, v2  }
0x148: {  	v2 =	vmul.f32 v11, v2;
	v14 =	vunpack.i.l.bf16.f32 v12;
	[tilespmem:s26+$0x60] =	vst v3  }
0x149: {  	v12 =	vunpack.i.u.bf16.f32 v12;
	v13 =	vmul.f32 v14, v5;
	[tilespmem:s12+$0x20] =	vst v9  }
0x14a: {  	v5 =	vmul.f32 v12, v5;
	[tilespmem:s12+$0x30] =	vst v2;
	v2 =	vunpack.i.u.bf16.f32 v7  }
0x14b: {  	v3 =	vunpack.i.l.bf16.f32 v10;
	[tilespmem:s0+$0xFFFFFFE0] =	vst v13;
	v2 =	vmul.f32 v2, v4  }
0x14c: {  	v3 =	vmul.f32 v3, v6;
	[tilespmem:s26+$0xFFFFFFF0] =	vst v5;
	v5 =	vunpack.i.l.bf16.f32 v7  }
0x14d: {  	v5 =	vmul.f32 v5, v4;
	v4 =	vunpack.i.u.bf16.f32 v10;
	[tilespmem:s26+$0xFFFFFFB0] =	vst v2  }
0x14e: {  	[tilespmem:s26+$0x20] =	vst v3;
	v4 =	vmul.f32 v4, v6  }
0x14f: {  	[tilespmem:s26+$0xFFFFFFA0] =	vst v5  }
0x150: {  	s12 =	sadd.s32 $0x4800, s31;
	[tilespmem:s26+$0x30] =	vst v4  }
0x151: {  	[spmem:s1] =	stream.indirect.scatter.add.f32 [tilespmem:s7], [sflag:$0x6], $0x40, s12, s30, $0xb8;
	[tilespmem:$0x1A890] =	vst v63  }
0x152: {  	s4 =	simm.s32 @!p0 $0x80;
	s5 =	simm.s32 @!p0 $0x9890;
	s0 =	sadd.s32 @!p0 $0x280, s11  }
0x153: {  	[tilespmem:s5], [sflag:$0x2] =	stream.indirect.gather @!p0 [hbm4b:s17+s4], $0x20, s0, s4, $0xb8;
	[tilespmem:$0x1A890] =	vst v63  }
0x154: {  	v2 =	vld [tilespmem:s10+$0x2900];
	_ =	sdelay $0x6  }
0x155: {  	v3 =	vld [tilespmem:s10+$0x6900]  }
0x156: {  	v2 =	vld.idx.msk [tilespmem:v2+s2+$0x0], $0xffff;
	_ =	sdelay $0x4  }
0x157: {  	v2 =	vmul.f32 v2, v3;
	_ =	sdelay $0x1  }
0x158: {  	[tilespmem:$0x8800] =	vst v2  }
0x159: {  	v2 =	vld [tilespmem:s10+$0x2910];
	_ =	sdelay $0x6  }
0x15a: {  	v3 =	vld [tilespmem:s10+$0x6910]  }
0x15b: {  	v2 =	vld.idx.msk [tilespmem:v2+s2+$0x0], $0xffff;
	_ =	sdelay $0x4  }
0x15c: {  	v2 =	vmul.f32 v2, v3;
	_ =	sdelay $0x1  }
0x15d: {  	[tilespmem:$0x8810] =	vst v2  }
0x15e: {  	v2 =	vld [tilespmem:s10+$0x2920];
	_ =	sdelay $0x6  }
0x15f: {  	v3 =	vld [tilespmem:s10+$0x6920]  }
0x160: {  	v2 =	vld.idx.msk [tilespmem:v2+s2+$0x0], $0xffff;
	_ =	sdelay $0x4  }
0x161: {  	v2 =	vmul.f32 v2, v3;
	_ =	sdelay $0x1  }
0x162: {  	[tilespmem:$0x8820] =	vst v2  }
0x163: {  	v2 =	vld [tilespmem:s10+$0x2930];
	_ =	sdelay $0x6  }
0x164: {  	v3 =	vld [tilespmem:s10+$0x6930]  }
0x165: {  	v2 =	vld.idx.msk [tilespmem:v2+s2+$0x0], $0xffff;
	_ =	sdelay $0x4  }
0x166: {  	v2 =	vmul.f32 v2, v3;
	_ =	sdelay $0x1  }
0x167: {  	[tilespmem:$0x8830] =	vst v2  }
0x168: {  	v2 =	vld [tilespmem:s10+$0x2940];
	_ =	sdelay $0x6  }
0x169: {  	v3 =	vld [tilespmem:s10+$0x6940]  }
0x16a: {  	v2 =	vld.idx.msk [tilespmem:v2+s2+$0x0], $0xffff;
	_ =	sdelay $0x4  }
0x16b: {  	v2 =	vmul.f32 v2, v3;
	_ =	sdelay $0x1  }
0x16c: {  	[tilespmem:$0x8840] =	vst v2  }
0x16d: {  	v2 =	vld [tilespmem:s10+$0x2950];
	_ =	sdelay $0x6  }
0x16e: {  	v3 =	vld [tilespmem:s10+$0x6950]  }
0x16f: {  	v2 =	vld.idx.msk [tilespmem:v2+s2+$0x0], $0xffff;
	_ =	sdelay $0x4  }
0x170: {  	v2 =	vmul.f32 v2, v3;
	_ =	sdelay $0x1  }
0x171: {  	[tilespmem:$0x8850] =	vst v2  }
0x172: {  	v2 =	vld [tilespmem:s10+$0x2960];
	_ =	sdelay $0x6  }
0x173: {  	v3 =	vld [tilespmem:s10+$0x6960]  }
0x174: {  	v2 =	vld.idx.msk [tilespmem:v2+s2+$0x0], $0xffff;
	_ =	sdelay $0x4  }
0x175: {  	v2 =	vmul.f32 v2, v3;
	_ =	sdelay $0x1  }
0x176: {  	[tilespmem:$0x8860] =	vst v2  }
0x177: {  	v2 =	vld [tilespmem:s10+$0x2970];
	_ =	sdelay $0x6  }
0x178: {  	v3 =	vld [tilespmem:s10+$0x6970]  }
0x179: {  	v2 =	vld.idx.msk [tilespmem:v2+s2+$0x0], $0xffff;
	_ =	sdelay $0x4  }
0x17a: {  	v2 =	vmul.f32 v2, v3;
	_ =	sdelay $0x1  }
0x17b: {  	[tilespmem:$0x8870] =	vst v2  }
0x17c: {  	_ =	swait.ge [sflag:s13], $0x1000  }
0x17d: {  	[sflag:s13] =	ssyncset.done $0x0  }
0x17e: {  	[sflag:s13] =	ssyncadd.s32 $0xFFFFF000  }
0x17f: {  	_ =	swait.ge [sflag:s14], $0x2000  }
0x180: {  	[sflag:s14] =	ssyncset.done $0x0  }
0x181: {  	s19 =	simm.s32 $0xA8D0;
	[sflag:s14] =	ssyncadd.s32 $0xFFFFE000  }
0x182: {  	s26 =	simm.s32 $0x8802;
	v2 =	vld [tilespmem:s19+$0x20]  }
0x183: {  	v7 =	vld.msk [tilespmem:s26+$0x1 ss:$0x0], $0xffff  }
0x184: {  	v3 =	vld [tilespmem:s19+$0xFFFFFFE0]  }
0x185: {  	v4 =	vld.msk [tilespmem:s26+$0xFFFFFFFF ss:$0x0], $0xffff;
	_ =	sdelay $0x1  }
0x186: {  	v5 =	vunpack.i.l.bf16.f32 v2  }
0x187: {  	v2 =	vunpack.i.u.bf16.f32 v2;
	v5 =	vmul.f32 v5, v7  }
0x188: {  	s12 =	simm.s32 $0xC910;
	v6 =	vld [tilespmem:s19+$0xFFFFFFC0];
	v8 =	vunpack.i.l.bf16.f32 v3;
	v3 =	vunpack.i.u.bf16.f32 v3;
	v2 =	vmul.f32 v2, v7  }
0x189: {  	v10 =	vld.msk [tilespmem:s26+$0xFFFFFFFE ss:$0x0], $0xffff;
	v3 =	vmul.f32 v3, v4;
	[tilespmem:s12+$0x40] =	vst v5  }
0x18a: {  	v9 =	vld [tilespmem:s19+$0x0];
	v5 =	vmul.f32 v8, v4;
	[tilespmem:s12+$0x50] =	vst v2  }
0x18b: {  	v2 =	vld.msk [tilespmem:s26+$0x0 ss:$0x0], $0xffff;
	[tilespmem:s12+$0xFFFFFFD0] =	vst v3  }
0x18c: {  	v8 =	vld [tilespmem:s19+$0x30];
	[tilespmem:s12+$0xFFFFFFC0] =	vst v5  }
0x18d: {  	s21 =	simm.s32 $0xA950;
	v5 =	vunpack.i.l.bf16.f32 v6;
	v11 =	vld [tilespmem:s19+$0xFFFFFFF0]  }
0x18e: {  	v12 =	vld [tilespmem:s21+$0x20];
	v6 =	vunpack.i.u.bf16.f32 v6;
	v5 =	vmul.f32 v5, v10  }
0x18f: {  	s31 =	simm.s32 $0x8806;
	v14 =	vld [tilespmem:s21+$0xFFFFFFC0];
	v13 =	vunpack.i.l.bf16.f32 v9;
	v6 =	vmul.f32 v6, v10  }
0x190: {  	v9 =	vunpack.i.u.bf16.f32 v9;
	v3 =	vld.msk [tilespmem:s31+$0x1 ss:$0x0], $0xffff;
	v13 =	vmul.f32 v13, v2;
	[tilespmem:s12+$0xFFFFFF80] =	vst v5  }
0x191: {  	v15 =	vld [tilespmem:s21+$0xFFFFFFE0];
	v9 =	vmul.f32 v9, v2;
	[tilespmem:s12+$0xFFFFFF90] =	vst v6;
	v5 =	vunpack.i.u.bf16.f32 v8  }
0x192: {  	v16 =	vld [tilespmem:s21+$0x0];
	[tilespmem:s12+$0x0] =	vst v13;
	v13 =	vmul.f32 v5, v7;
	v6 =	vunpack.i.l.bf16.f32 v11  }
0x193: {  	v5 =	vld.msk [tilespmem:s31+$0xFFFFFFFF ss:$0x0], $0xffff;
	[tilespmem:s12+$0x10] =	vst v9;
	v9 =	vunpack.i.u.bf16.f32 v11;
	v11 =	vmul.f32 v6, v4  }
0x194: {  	v6 =	vld.msk [tilespmem:s31+$0x0 ss:$0x0], $0xffff;
	[tilespmem:s12+$0x70] =	vst v13;
	v9 =	vmul.f32 v9, v4;
	v13 =	vunpack.i.l.bf16.f32 v12  }
0x195: {  	v8 =	vunpack.i.l.bf16.f32 v8;
	v4 =	vld.msk [tilespmem:s31+$0xFFFFFFFE ss:$0x0], $0xffff;
	v12 =	vunpack.i.u.bf16.f32 v12;
	v13 =	vmul.f32 v13, v3;
	[tilespmem:s12+$0xFFFFFFE0] =	vst v11  }
0x196: {  	s0 =	simm.s32 $0xCA10;
	v8 =	vmul.f32 v8, v7;
	v7 =	vmul.f32 v12, v3;
	v12 =	vld [tilespmem:s19+$0x10];
	[tilespmem:s12+$0xFFFFFFF0] =	vst v9  }
0x197: {  	v17 =	vunpack.i.u.bf16.f32 v14;
	v11 =	vld [tilespmem:s19+$0xFFFFFFD0];
	[tilespmem:s0+$0x40] =	vst v13  }
0x198: {  	v9 =	vunpack.i.u.bf16.f32 v15;
	v15 =	vunpack.i.l.bf16.f32 v15;
	v13 =	vunpack.i.u.bf16.f32 v16;
	[tilespmem:s0+$0x50] =	vst v7  }
0x199: {  	[tilespmem:s12+$0x60] =	vst v8;
	v16 =	vunpack.i.l.bf16.f32 v16;
	v15 =	vmul.f32 v15, v5;
	v18 =	vmul.f32 v9, v5;
	v8 =	vld [tilespmem:s21+$0x30]  }
0x19a: {  	v14 =	vunpack.i.l.bf16.f32 v14;
	v9 =	vmul.f32 v16, v6;
	v7 =	vmul.f32 v13, v6  }
0x19b: {  	v13 =	vmul.f32 v14, v4;
	v14 =	vmul.f32 v17, v4;
	[tilespmem:s0+$0xFFFFFFC0] =	vst v15  }
0x19c: {  	s4 =	simm.s32 $0x4;
	s5 =	simm.s32 $0x880A;
	[tilespmem:s0+$0xFFFFFFD0] =	vst v18;
	v15 =	vunpack.i.l.bf16.f32 v12;
	v16 =	vunpack.i.u.bf16.f32 v11;
	v17 =	vunpack.i.l.bf16.f32 v11  }
0x19d: {  	s10 =	sor.u32 $0x100, s10;
	s26 =	simm.s32 $0xCA10;
	s19 =	simm.s32 $0xA950;
	v11 =	vunpack.i.u.bf16.f32 v12;
	[tilespmem:s0+$0xFFFFFF80] =	vst v13;
	v12 =	vld [tilespmem:s21+$0xFFFFFFF0];
	v13 =	vmul.f32 v17, v10;
	v10 =	vmul.f32 v16, v10  }
.LBB2_12:
0x19e: {  	v16 =	vld.msk [tilespmem:s5+$0x1 ss:$0x0], $0xffff;
	[tilespmem:s0+$0xFFFFFF90] =	vst v14;
	v14 =	vunpack.i.u.bf16.f32 v8;
	v8 =	vunpack.i.l.bf16.f32 v8;
	s21 =	sadd.s32 $0x80, s21;
	v15 =	vmul.f32 v15, v2  }
0x19f: {  	v11 =	vmul.f32 v11, v2;
	v2 =	vmov v6;
	v17 =	vld [tilespmem:s21+$0x20];
	[tilespmem:s0+$0x0] =	vst v9;
	v9 =	vmul.f32 v14, v3  }
0x1a0: {  	s4 =	sadd.s32 $0x4, s4;
	v18 =	vmul.f32 v8, v3;
	v14 =	vld [tilespmem:s21+$0xFFFFFFC0];
	[tilespmem:s0+$0x10] =	vst v7  }
0x1a1: {  	p1 =	slt.u32 s4, $0x7C;
	v7 =	vld [tilespmem:s21+$0xFFFFFFE0];
	[tilespmem:s0+$0x70] =	vst v9  }
0x1a2: {  	v8 =	vld [tilespmem:s21+$0x0];
	v19 =	vunpack.i.u.bf16.f32 v12;
	v6 =	vunpack.i.l.bf16.f32 v12;
	[tilespmem:s12+$0xFFFFFFA0] =	vst v13  }
0x1a3: {  	v9 =	vmul.f32 v6, v5;
	v12 =	vmul.f32 v19, v5;
	v5 =	vld.msk [tilespmem:s5+$0xFFFFFFFF ss:$0x0], $0xffff;
	[tilespmem:s12+$0xFFFFFFB0] =	vst v10  }
0x1a4: {  	v3 =	vmov v16;
	v6 =	vld.msk [tilespmem:s5+$0x0 ss:$0x0], $0xffff;
	v10 =	vunpack.i.l.bf16.f32 v17;
	[tilespmem:s12+$0x20] =	vst v15  }
0x1a5: {  	v15 =	vunpack.i.u.bf16.f32 v17;
	v16 =	vld.msk [tilespmem:s5+$0xFFFFFFFE ss:$0x0], $0xffff;
	v13 =	vunpack.i.u.bf16.f32 v14;
	v10 =	vmul.f32 v10, v3;
	[tilespmem:s0+$0xFFFFFFE0] =	vst v9  }
0x1a6: {  	v14 =	vunpack.i.l.bf16.f32 v14;
	v15 =	vmul.f32 v15, v3;
	s0 =	sadd.s32 $0x100, s0;
	v9 =	vunpack.i.u.bf16.f32 v7;
	v17 =	vld [tilespmem:s19+$0xFFFFFFD0];
	[tilespmem:s26+$0xFFFFFFF0] =	vst v12  }
0x1a7: {  	v7 =	vunpack.i.l.bf16.f32 v7;
	v12 =	vunpack.i.u.bf16.f32 v8;
	v19 =	vunpack.i.l.bf16.f32 v8;
	[tilespmem:s0+$0x40] =	vst v10;
	v10 =	vld [tilespmem:s19+$0x10];
	s19 =	smov.u32 s21  }
0x1a8: {  	[tilespmem:s0+$0x50] =	vst v15  }
.Ltmp4:
0x1a9: {  	v15 =	vmul.f32 v7, v5;
	v20 =	vmul.f32 v9, v5;
	v8 =	vld [tilespmem:s21+$0x30];
	[tilespmem:s12+$0x30] =	vst v11;
	s12 =	smov.u32 s26;
	s26 =	smov.u32 s0;
	(pc) =	sbr.rel @p1 .LBB2_12-.Ltmp4, $4  }
0x1aa: {  	v9 =	vmul.f32 v19, v6;
	v7 =	vmul.f32 v12, v6;
	[tilespmem:s12+$0x60] =	vst v18  }
0x1ab: {  	v12 =	vmul.f32 v14, v16;
	v14 =	vmul.f32 v13, v16;
	[tilespmem:s0+$0xFFFFFFC0] =	vst v15;
	v18 =	vunpack.i.u.bf16.f32 v17  }
0x1ac: {  	v13 =	vunpack.i.l.bf16.f32 v17;
	[tilespmem:s0+$0xFFFFFFD0] =	vst v20;
	v11 =	vunpack.i.u.bf16.f32 v10;
	v15 =	vunpack.i.l.bf16.f32 v10  }
0x1ad: {  	s5 =	sadd.s32 $0x4, s5;
	v13 =	vmul.f32 v13, v4;
	v10 =	vmul.f32 v18, v4;
	v4 =	vmov v16;
	[tilespmem:s0+$0xFFFFFF80] =	vst v12;
	v12 =	vld [tilespmem:s21+$0xFFFFFFF0]  }
0x1ae: {  	[tilespmem:s0+$0xFFFFFF90] =	vst v14  }
0x1af: {  	[tilespmem:s0+$0x0] =	vst v9  }
0x1b0: {  	v14 =	vunpack.i.u.bf16.f32 v8;
	[tilespmem:s0+$0x10] =	vst v7  }
0x1b1: {  	v8 =	vunpack.i.l.bf16.f32 v8;
	v9 =	vmul.f32 v14, v3;
	v7 =	vld [tilespmem:s19+$0xFFFFFFD0];
	[tilespmem:s12+$0xFFFFFFA0] =	vst v13  }
0x1b2: {  	[tilespmem:s12+$0xFFFFFFB0] =	vst v10;
	v10 =	vld [tilespmem:s19+$0x10];
	v3 =	vmul.f32 v8, v3  }
0x1b3: {  	[tilespmem:s0+$0x70] =	vst v9;
	v9 =	vmul.f32 v15, v2  }
0x1b4: {  	v2 =	vmul.f32 v11, v2;
	v14 =	vunpack.i.l.bf16.f32 v12;
	[tilespmem:s26+$0x60] =	vst v3  }
0x1b5: {  	v12 =	vunpack.i.u.bf16.f32 v12;
	v13 =	vmul.f32 v14, v5;
	[tilespmem:s12+$0x20] =	vst v9  }
0x1b6: {  	v5 =	vmul.f32 v12, v5;
	[tilespmem:s12+$0x30] =	vst v2;
	v2 =	vunpack.i.u.bf16.f32 v7  }
0x1b7: {  	v3 =	vunpack.i.l.bf16.f32 v10;
	[tilespmem:s0+$0xFFFFFFE0] =	vst v13;
	v2 =	vmul.f32 v2, v4  }
0x1b8: {  	v3 =	vmul.f32 v3, v6;
	[tilespmem:s26+$0xFFFFFFF0] =	vst v5;
	v5 =	vunpack.i.l.bf16.f32 v7  }
0x1b9: {  	v5 =	vmul.f32 v5, v4;
	v4 =	vunpack.i.u.bf16.f32 v10;
	[tilespmem:s26+$0xFFFFFFB0] =	vst v2  }
0x1ba: {  	[tilespmem:s26+$0x20] =	vst v3;
	v4 =	vmul.f32 v4, v6  }
0x1bb: {  	[tilespmem:s26+$0xFFFFFFA0] =	vst v5  }
0x1bc: {  	s19 =	sadd.s32 $0x4800, s10;
	[tilespmem:s26+$0x30] =	vst v4  }
0x1bd: {  	[spmem:s1] =	stream.indirect.scatter.add.f32 [tilespmem:s25], [sflag:$0x5], $0x40, s19, s30, $0xb8;
	[tilespmem:$0x1A890] =	vst v63  }
0x1be: {  	s4 =	simm.s32 @!p0 $0x80;
	s5 =	simm.s32 @!p0 $0xA890;
	s0 =	sadd.s32 @!p0 $0x300, s11  }
0x1bf: {  	[tilespmem:s5], [sflag:$0x3] =	stream.indirect.gather @!p0 [hbm4b:s17+s4], $0x20, s0, s4, $0xb8;
	[tilespmem:$0x1A890] =	vst v63  }
0x1c0: {  	v2 =	vld.idx.msk [tilespmem:v1+s9+$0x2800 ss:$0x1], $0xffff;
	_ =	sdelay $0x6  }
0x1c1: {  	v3 =	vld.idx.msk [tilespmem:v1+s9+$0x6800 ss:$0x1], $0xffff  }
0x1c2: {  	v2 =	vld.idx.msk [tilespmem:v2+s2+$0x0], $0xffff;
	_ =	sdelay $0x4  }
0x1c3: {  	v2 =	vmul.f32 v2, v3;
	_ =	sdelay $0x1  }
0x1c4: {  	[tilespmem:$0x8800] =	vst v2  }
0x1c5: {  	v2 =	vld.idx.msk [tilespmem:v1+s9+$0x2810 ss:$0x1], $0xffff;
	_ =	sdelay $0x6  }
0x1c6: {  	v3 =	vld.idx.msk [tilespmem:v1+s9+$0x6810 ss:$0x1], $0xffff  }
0x1c7: {  	v2 =	vld.idx.msk [tilespmem:v2+s2+$0x0], $0xffff;
	_ =	sdelay $0x4  }
0x1c8: {  	v2 =	vmul.f32 v2, v3;
	_ =	sdelay $0x1  }
0x1c9: {  	[tilespmem:$0x8810] =	vst v2  }
0x1ca: {  	v2 =	vld.idx.msk [tilespmem:v1+s9+$0x2820 ss:$0x1], $0xffff;
	_ =	sdelay $0x6  }
0x1cb: {  	v3 =	vld.idx.msk [tilespmem:v1+s9+$0x6820 ss:$0x1], $0xffff  }
0x1cc: {  	v2 =	vld.idx.msk [tilespmem:v2+s2+$0x0], $0xffff;
	_ =	sdelay $0x4  }
0x1cd: {  	v2 =	vmul.f32 v2, v3;
	_ =	sdelay $0x1  }
0x1ce: {  	[tilespmem:$0x8820] =	vst v2  }
0x1cf: {  	v2 =	vld.idx.msk [tilespmem:v1+s9+$0x2830 ss:$0x1], $0xffff;
	_ =	sdelay $0x6  }
0x1d0: {  	v3 =	vld.idx.msk [tilespmem:v1+s9+$0x6830 ss:$0x1], $0xffff  }
0x1d1: {  	v2 =	vld.idx.msk [tilespmem:v2+s2+$0x0], $0xffff;
	_ =	sdelay $0x4  }
0x1d2: {  	v2 =	vmul.f32 v2, v3;
	_ =	sdelay $0x1  }
0x1d3: {  	[tilespmem:$0x8830] =	vst v2  }
0x1d4: {  	v2 =	vld.idx.msk [tilespmem:v1+s9+$0x2840 ss:$0x1], $0xffff;
	_ =	sdelay $0x6  }
0x1d5: {  	v3 =	vld.idx.msk [tilespmem:v1+s9+$0x6840 ss:$0x1], $0xffff  }
0x1d6: {  	v2 =	vld.idx.msk [tilespmem:v2+s2+$0x0], $0xffff;
	_ =	sdelay $0x4  }
0x1d7: {  	v2 =	vmul.f32 v2, v3;
	_ =	sdelay $0x1  }
0x1d8: {  	[tilespmem:$0x8840] =	vst v2  }
0x1d9: {  	v2 =	vld.idx.msk [tilespmem:v1+s9+$0x2850 ss:$0x1], $0xffff;
	_ =	sdelay $0x6  }
0x1da: {  	v3 =	vld.idx.msk [tilespmem:v1+s9+$0x6850 ss:$0x1], $0xffff  }
0x1db: {  	v2 =	vld.idx.msk [tilespmem:v2+s2+$0x0], $0xffff;
	_ =	sdelay $0x4  }
0x1dc: {  	v2 =	vmul.f32 v2, v3;
	_ =	sdelay $0x1  }
0x1dd: {  	[tilespmem:$0x8850] =	vst v2  }
0x1de: {  	v2 =	vld.idx.msk [tilespmem:v1+s9+$0x2860 ss:$0x1], $0xffff;
	_ =	sdelay $0x6  }
0x1df: {  	v3 =	vld.idx.msk [tilespmem:v1+s9+$0x6860 ss:$0x1], $0xffff  }
0x1e0: {  	v2 =	vld.idx.msk [tilespmem:v2+s2+$0x0], $0xffff;
	_ =	sdelay $0x4  }
0x1e1: {  	v2 =	vmul.f32 v2, v3;
	_ =	sdelay $0x1  }
0x1e2: {  	[tilespmem:$0x8860] =	vst v2  }
0x1e3: {  	v2 =	vld.idx.msk [tilespmem:v1+s9+$0x2870 ss:$0x1], $0xffff;
	_ =	sdelay $0x6  }
0x1e4: {  	v3 =	vld.idx.msk [tilespmem:v1+s9+$0x6870 ss:$0x1], $0xffff  }
0x1e5: {  	v2 =	vld.idx.msk [tilespmem:v2+s2+$0x0], $0xffff;
	_ =	sdelay $0x4  }
0x1e6: {  	v2 =	vmul.f32 v2, v3;
	_ =	sdelay $0x1  }
0x1e7: {  	[tilespmem:$0x8870] =	vst v2  }
0x1e8: {  	_ =	swait.ge [sflag:s15], $0x1000  }
0x1e9: {  	[sflag:s15] =	ssyncset.done $0x0  }
0x1ea: {  	[sflag:s15] =	ssyncadd.s32 $0xFFFFF000  }
0x1eb: {  	_ =	swait.ge [sflag:s18], $0x2000  }
0x1ec: {  	[sflag:s18] =	ssyncset.done $0x0  }
0x1ed: {  	s21 =	simm.s32 $0xB8D0;
	[sflag:s18] =	ssyncadd.s32 $0xFFFFE000  }
0x1ee: {  	s26 =	simm.s32 $0x8802;
	v2 =	vld [tilespmem:s21+$0x20]  }
0x1ef: {  	v7 =	vld.msk [tilespmem:s26+$0x1 ss:$0x0], $0xffff  }
0x1f0: {  	v3 =	vld [tilespmem:s21+$0xFFFFFFE0]  }
0x1f1: {  	v4 =	vld.msk [tilespmem:s26+$0xFFFFFFFF ss:$0x0], $0xffff;
	_ =	sdelay $0x1  }
0x1f2: {  	v5 =	vunpack.i.l.bf16.f32 v2  }
0x1f3: {  	v2 =	vunpack.i.u.bf16.f32 v2;
	v5 =	vmul.f32 v5, v7  }
0x1f4: {  	s10 =	simm.s32 $0xE910;
	v6 =	vld [tilespmem:s21+$0xFFFFFFC0];
	v8 =	vunpack.i.l.bf16.f32 v3;
	v3 =	vunpack.i.u.bf16.f32 v3;
	v2 =	vmul.f32 v2, v7  }
0x1f5: {  	v10 =	vld.msk [tilespmem:s26+$0xFFFFFFFE ss:$0x0], $0xffff;
	v3 =	vmul.f32 v3, v4;
	[tilespmem:s10+$0x40] =	vst v5  }
0x1f6: {  	v9 =	vld [tilespmem:s21+$0x0];
	v5 =	vmul.f32 v8, v4;
	[tilespmem:s10+$0x50] =	vst v2  }
0x1f7: {  	v2 =	vld.msk [tilespmem:s26+$0x0 ss:$0x0], $0xffff;
	[tilespmem:s10+$0xFFFFFFD0] =	vst v3  }
0x1f8: {  	v8 =	vld [tilespmem:s21+$0x30];
	[tilespmem:s10+$0xFFFFFFC0] =	vst v5  }
0x1f9: {  	s11 =	simm.s32 $0xB950;
	v5 =	vunpack.i.l.bf16.f32 v6;
	v11 =	vld [tilespmem:s21+$0xFFFFFFF0]  }
0x1fa: {  	v12 =	vld [tilespmem:s11+$0x20];
	v6 =	vunpack.i.u.bf16.f32 v6;
	v5 =	vmul.f32 v5, v10  }
0x1fb: {  	s31 =	simm.s32 $0x8806;
	v14 =	vld [tilespmem:s11+$0xFFFFFFC0];
	v13 =	vunpack.i.l.bf16.f32 v9;
	v6 =	vmul.f32 v6, v10  }
0x1fc: {  	v9 =	vunpack.i.u.bf16.f32 v9;
	v3 =	vld.msk [tilespmem:s31+$0x1 ss:$0x0], $0xffff;
	v13 =	vmul.f32 v13, v2;
	[tilespmem:s10+$0xFFFFFF80] =	vst v5  }
0x1fd: {  	v15 =	vld [tilespmem:s11+$0xFFFFFFE0];
	v9 =	vmul.f32 v9, v2;
	[tilespmem:s10+$0xFFFFFF90] =	vst v6;
	v5 =	vunpack.i.u.bf16.f32 v8  }
0x1fe: {  	v16 =	vld [tilespmem:s11+$0x0];
	[tilespmem:s10+$0x0] =	vst v13;
	v13 =	vmul.f32 v5, v7;
	v6 =	vunpack.i.l.bf16.f32 v11  }
0x1ff: {  	v5 =	vld.msk [tilespmem:s31+$0xFFFFFFFF ss:$0x0], $0xffff;
	[tilespmem:s10+$0x10] =	vst v9;
	v9 =	vunpack.i.u.bf16.f32 v11;
	v11 =	vmul.f32 v6, v4  }
0x200: {  	v6 =	vld.msk [tilespmem:s31+$0x0 ss:$0x0], $0xffff;
	[tilespmem:s10+$0x70] =	vst v13;
	v9 =	vmul.f32 v9, v4;
	v13 =	vunpack.i.l.bf16.f32 v12  }
0x201: {  	v8 =	vunpack.i.l.bf16.f32 v8;
	v4 =	vld.msk [tilespmem:s31+$0xFFFFFFFE ss:$0x0], $0xffff;
	v12 =	vunpack.i.u.bf16.f32 v12;
	v13 =	vmul.f32 v13, v3;
	[tilespmem:s10+$0xFFFFFFE0] =	vst v11  }
0x202: {  	s0 =	simm.s32 $0xEA10;
	v8 =	vmul.f32 v8, v7;
	v7 =	vmul.f32 v12, v3;
	v12 =	vld [tilespmem:s21+$0x10];
	[tilespmem:s10+$0xFFFFFFF0] =	vst v9  }
0x203: {  	v17 =	vunpack.i.u.bf16.f32 v14;
	v11 =	vld [tilespmem:s21+$0xFFFFFFD0];
	[tilespmem:s0+$0x40] =	vst v13  }
0x204: {  	v9 =	vunpack.i.u.bf16.f32 v15;
	v15 =	vunpack.i.l.bf16.f32 v15;
	v13 =	vunpack.i.u.bf16.f32 v16;
	[tilespmem:s0+$0x50] =	vst v7  }
0x205: {  	[tilespmem:s10+$0x60] =	vst v8;
	v16 =	vunpack.i.l.bf16.f32 v16;
	v15 =	vmul.f32 v15, v5;
	v18 =	vmul.f32 v9, v5;
	v8 =	vld [tilespmem:s11+$0x30]  }
0x206: {  	v14 =	vunpack.i.l.bf16.f32 v14;
	v9 =	vmul.f32 v16, v6;
	v7 =	vmul.f32 v13, v6  }
0x207: {  	v13 =	vmul.f32 v14, v4;
	v14 =	vmul.f32 v17, v4;
	[tilespmem:s0+$0xFFFFFFC0] =	vst v15  }
0x208: {  	s12 =	simm.s32 $0xEA10;
	s19 =	simm.s32 $0xB950;
	[tilespmem:s0+$0xFFFFFFD0] =	vst v18;
	v15 =	vunpack.i.l.bf16.f32 v12;
	v16 =	vunpack.i.u.bf16.f32 v11;
	v17 =	vunpack.i.l.bf16.f32 v11  }
0x209: {  	s4 =	simm.s32 $0x4;
	s5 =	simm.s32 $0x880A;
	s9 =	sadd.s32 s23, s9;
	v11 =	vunpack.i.u.bf16.f32 v12;
	[tilespmem:s0+$0xFFFFFF80] =	vst v13;
	v12 =	vld [tilespmem:s11+$0xFFFFFFF0];
	v13 =	vmul.f32 v17, v10;
	v10 =	vmul.f32 v16, v10  }
.LBB2_14:
0x20a: {  	v16 =	vld.msk [tilespmem:s5+$0x1 ss:$0x0], $0xffff;
	[tilespmem:s0+$0xFFFFFF90] =	vst v14;
	v14 =	vunpack.i.u.bf16.f32 v8;
	v8 =	vunpack.i.l.bf16.f32 v8;
	s11 =	sadd.s32 $0x80, s11;
	v15 =	vmul.f32 v15, v2  }
0x20b: {  	v11 =	vmul.f32 v11, v2;
	v2 =	vmov v6;
	v17 =	vld [tilespmem:s11+$0x20];
	[tilespmem:s0+$0x0] =	vst v9;
	v9 =	vmul.f32 v14, v3  }
0x20c: {  	s4 =	sadd.s32 $0x4, s4;
	v18 =	vmul.f32 v8, v3;
	v14 =	vld [tilespmem:s11+$0xFFFFFFC0];
	[tilespmem:s0+$0x10] =	vst v7  }
0x20d: {  	p0 =	slt.u32 s4, $0x7C;
	v7 =	vld [tilespmem:s11+$0xFFFFFFE0];
	[tilespmem:s0+$0x70] =	vst v9  }
0x20e: {  	v8 =	vld [tilespmem:s11+$0x0];
	v19 =	vunpack.i.u.bf16.f32 v12;
	v6 =	vunpack.i.l.bf16.f32 v12;
	[tilespmem:s10+$0xFFFFFFA0] =	vst v13  }
0x20f: {  	v9 =	vmul.f32 v6, v5;
	v12 =	vmul.f32 v19, v5;
	v5 =	vld.msk [tilespmem:s5+$0xFFFFFFFF ss:$0x0], $0xffff;
	[tilespmem:s10+$0xFFFFFFB0] =	vst v10  }
0x210: {  	v3 =	vmov v16;
	v6 =	vld.msk [tilespmem:s5+$0x0 ss:$0x0], $0xffff;
	v10 =	vunpack.i.l.bf16.f32 v17;
	[tilespmem:s10+$0x20] =	vst v15  }
0x211: {  	v15 =	vunpack.i.u.bf16.f32 v17;
	v16 =	vld.msk [tilespmem:s5+$0xFFFFFFFE ss:$0x0], $0xffff;
	v13 =	vunpack.i.u.bf16.f32 v14;
	v10 =	vmul.f32 v10, v3;
	[tilespmem:s0+$0xFFFFFFE0] =	vst v9  }
0x212: {  	v14 =	vunpack.i.l.bf16.f32 v14;
	v15 =	vmul.f32 v15, v3;
	s0 =	sadd.s32 $0x100, s0;
	v9 =	vunpack.i.u.bf16.f32 v7;
	v17 =	vld [tilespmem:s19+$0xFFFFFFD0];
	[tilespmem:s12+$0xFFFFFFF0] =	vst v12  }
0x213: {  	v7 =	vunpack.i.l.bf16.f32 v7;
	v12 =	vunpack.i.u.bf16.f32 v8;
	v19 =	vunpack.i.l.bf16.f32 v8;
	[tilespmem:s0+$0x40] =	vst v10;
	v10 =	vld [tilespmem:s19+$0x10];
	s19 =	smov.u32 s11  }
0x214: {  	[tilespmem:s0+$0x50] =	vst v15  }
.Ltmp5:
0x215: {  	v15 =	vmul.f32 v7, v5;
	v20 =	vmul.f32 v9, v5;
	v8 =	vld [tilespmem:s11+$0x30];
	[tilespmem:s10+$0x30] =	vst v11;
	s10 =	smov.u32 s12;
	s12 =	smov.u32 s0;
	(pc) =	sbr.rel @p0 .LBB2_14-.Ltmp5, $4  }
0x216: {  	v9 =	vmul.f32 v19, v6;
	v7 =	vmul.f32 v12, v6;
	[tilespmem:s10+$0x60] =	vst v18  }
0x217: {  	v12 =	vmul.f32 v14, v16;
	v14 =	vmul.f32 v13, v16;
	[tilespmem:s0+$0xFFFFFFC0] =	vst v15;
	v18 =	vunpack.i.u.bf16.f32 v17  }
0x218: {  	v13 =	vunpack.i.l.bf16.f32 v17;
	[tilespmem:s0+$0xFFFFFFD0] =	vst v20;
	v11 =	vunpack.i.u.bf16.f32 v10;
	v15 =	vunpack.i.l.bf16.f32 v10  }
0x219: {  	s5 =	sadd.s32 $0x4, s5;
	v13 =	vmul.f32 v13, v4;
	v10 =	vmul.f32 v18, v4;
	v4 =	vmov v16;
	[tilespmem:s0+$0xFFFFFF80] =	vst v12;
	v12 =	vld [tilespmem:s11+$0xFFFFFFF0]  }
0x21a: {  	[tilespmem:s0+$0xFFFFFF90] =	vst v14  }
0x21b: {  	[tilespmem:s0+$0x0] =	vst v9  }
0x21c: {  	[tilespmem:s0+$0x10] =	vst v7  }
0x21d: {  	v55 =	vmul.f32 v15, v2;
	v54 =	vld [tilespmem:s19+$0xFFFFFFD0];
	[tilespmem:s10+$0xFFFFFFA0] =	vst v13  }
0x21e: {  	v52 =	vunpack.i.u.bf16.f32 v8;
	v2 =	vmul.f32 v11, v2;
	[tilespmem:s10+$0xFFFFFFB0] =	vst v10  }
0x21f: {  	v61 =	vunpack.i.l.bf16.f32 v8;
	v53 =	vmul.f32 v52, v3;
	v59 =	vld [tilespmem:s19+$0x10];
	[tilespmem:s10+$0x20] =	vst v55  }
0x220: {  	v3 =	vmul.f32 v61, v3;
	[tilespmem:s10+$0x30] =	vst v2;
	v56 =	vunpack.i.l.bf16.f32 v12  }
0x221: {  	[tilespmem:s0+$0x70] =	vst v53;
	v57 =	vunpack.i.u.bf16.f32 v12;
	v58 =	vmul.f32 v56, v5  }
0x222: {  	[tilespmem:s12+$0x60] =	vst v3;
	v60 =	vmul.f32 v57, v5;
	v62 =	vunpack.i.l.bf16.f32 v54  }
0x223: {  	s8 =	sadd.s32 $0x1, s8;
	v2 =	vunpack.i.u.bf16.f32 v54;
	[tilespmem:s0+$0xFFFFFFE0] =	vst v58;
	v5 =	vmul.f32 v62, v4  }
0x224: {  	p0 =	sne.s32 s8, $0x8;
	v3 =	vunpack.i.l.bf16.f32 v59;
	v2 =	vmul.f32 v2, v4;
	[tilespmem:s12+$0xFFFFFFF0] =	vst v60  }
.Ltmp6:
0x225: {  	v63 =	vunpack.i.u.bf16.f32 v59;
	v3 =	vmul.f32 v3, v6;
	[tilespmem:s12+$0xFFFFFFA0] =	vst v5;
	(pc) =	sbr.rel @p0 .LBB2_7-.Ltmp6, $4  }
0x226: {  	v4 =	vmul.f32 v63, v6;
	[tilespmem:s12+$0xFFFFFFB0] =	vst v2  }
0x227: {  	[tilespmem:s12+$0x20] =	vst v3  }
0x228: {  	s31 =	sadd.s32 $0x4800, s9;
	[tilespmem:s12+$0x30] =	vst v4  }
0x229: {  	[spmem:s1] =	stream.indirect.scatter.add.f32 [tilespmem:s7], [sflag:$0x6], $0x40, s31, s30, $0xb8;
	[tilespmem:$0x1A890] =	vst v63  }
0x22a: {  	s22 =	sadd.s32 $0x1, s22  }
0x22b: {  	_ =	swait.ge [sflag:s14], $0x2000;
	p0 =	sne.s32 s22, $0x5  }
.Ltmp7:
0x22c: {  	[sflag:s14] =	ssyncset.done $0x0;
	(pc) =	sbr.rel @p0 .LBB2_4-.Ltmp7, $4  }
0x22d: {  	[sflag:s14] =	ssyncadd.s32 $0xFFFFE000  }
0x22e: {  	_ =	swait.ge [sflag:s18], $0x2000  }
0x22f: {  	[sflag:s18] =	ssyncset.done $0x0  }
0x230: {  	[sflag:s18] =	ssyncadd.s32 $0xFFFFE000  }
0x231: {  	s0 =	stileid.u32;
	[bflag:$0x0] =	sbarrier.arrive $0xFFFF  }
0x232: {  	s0 =	sshll.u32 s0, $0x6;
	s19 =	rddreg [dreg:$0x6]  }
0x233: {  	s5 =	rddreg [dreg:$0x10];
	s0 =	sor.u32 $0x1C09, s0;
	s4 =	sshrl.u32 s19, $0x3  }
0x234: {  	[hbm:s5], [sflag:s0] =	dma.local [spmem:s4], $0x400  }
0x235: {  	s5 =	simm.s32 $0x9  }
0x236: {  	_ =	swait.ge [sflag:s5], $0x400  }
0x237: {  	[sflag:s5] =	ssyncset.done $0x0;
	s21 =	rddreg [dreg:$0x7]  }
0x238: {  	s8 =	rddreg [dreg:$0x11];
	[sflag:s5] =	ssyncadd.s32 $0xFFFFFC00;
	s24 =	sshrl.u32 s21, $0x3  }
0x239: {  	[hbm:s8], [sflag:s0] =	dma.local [spmem:s24], $0x400  }
0x23a: {  	_ =	swait.ge [sflag:s5], $0x400  }
0x23b: {  	[sflag:s5] =	ssyncset.done $0x0;
	s22 =	rddreg [dreg:$0x8]  }
0x23c: {  	s31 =	rddreg [dreg:$0x12];
	[sflag:s5] =	ssyncadd.s32 $0xFFFFFC00;
	s26 =	sshrl.u32 s22, $0x3  }
0x23d: {  	[hbm:s31], [sflag:s0] =	dma.local [spmem:s26], $0x400  }
0x23e: {  	_ =	swait.ge [sflag:s5], $0x400  }
0x23f: {  	[sflag:s5] =	ssyncset.done $0x0;
	s23 =	rddreg [dreg:$0x9]  }
0x240: {  	s10 =	rddreg [dreg:$0x13];
	[sflag:s5] =	ssyncadd.s32 $0xFFFFFC00;
	s9 =	sshrl.u32 s23, $0x3  }
0x241: {  	[hbm:s10], [sflag:s0] =	dma.local [spmem:s9], $0x400  }
0x242: {  	_ =	swait.ge [sflag:s5], $0x400  }
0x243: {  	[sflag:s5] =	ssyncset.done $0x0;
	s24 =	rddreg [dreg:$0xa]  }
0x244: {  	s12 =	rddreg [dreg:$0x14];
	[sflag:s5] =	ssyncadd.s32 $0xFFFFFC00;
	s11 =	sshrl.u32 s24, $0x3  }
0x245: {  	[hbm:s12], [sflag:s0] =	dma.local [spmem:s11], $0x400  }
0x246: {  	_ =	swait.ge [sflag:s5], $0x400  }
0x247: {  	s26 =	rddreg [dreg:$0x15]  }
0x248: {  	s31 =	rddreg [dreg:$0xf];
	s4 =	sadd.s32 $0x1, s26  }
0x249: {  	p0 =	sne.s32 s4, s31  }
.Ltmp8:
0x24a: {  	_ = 	snop;
	(pc) =	sbr.rel @p0 .LBB2_1-.Ltmp8, $3  }
0x24b: {  	_ =	sdelay $0x1  }
0x24c: {  	[sflag:s5] =	ssyncset.done $0x0  }
0x24d: {  	[sflag:s5] =	ssyncadd.s32 $0xFFFFFC00  }
0x24e: {  	_ =	sfence.sel $0x180000  }
0x24f: {  	[bflag:$0x0] =	sbarrier.arrive $0xFFFF  }
0x250: {  	_ =	strace $0x9000004A  }
0x251: {  	s0 =	stileid.u32;
	[bflag:$0x2] =	sbarrier.arrive $0xFFFF  }
0x252: {  	p0 =	sne.s32 s0, $0x0;
	s0 =	rddreg [dreg:$0x3]  }
0x253: {  	s0 =	sadd.s32 @!p0 $0x100000, s0  }
0x254: {  	[sflag:s0] =	ssyncadd.tile.s32 @!p0 $0x1;
	_ =	shalt  }
.Lfunc_end2:
_tile_overlayer_lowered:
.L_overlay_start_2:
0x255: {  	(tag) =	ssettag $0x2  }
0x256: {  	s0 =	rddreg [dreg:$0x0];
	s2 =	stileid.u32  }
0x257: {  	s1 =	rddreg [dreg:$0x1];
	p0 =	sne.s32 s2, $0x0  }
0x258: {  	s3 =	rddreg [dreg:$0x2];
	[bflag:$0x3] =	sbarrier.arrive $0xFFFF;
	s2 =	simm.s32 @!p0 $0x1C09  }
0x259: {  	[timem:s3], [sflag:s2] =	dma.local @!p0 [hbm:s0], s1  }
0x25a: {  	s0 =	simm.s32 @!p0 $0x9  }
0x25b: {  	_ =	swait.ge @!p0 [sflag:s0], s1  }
0x25c: {  	s1 =	ssub.s32 @!p0 $0x0, s1;
	[sflag:s0] =	ssyncset.done @!p0 $0x0  }
0x25d: {  	[sflag:s0] =	ssyncadd.s32 @!p0 s1  }
0x25e: {  	[bflag:$0x3] =	sbarrier.arrive $0xFFFF  }
0x25f: {  	_ =	shalt  }

// kernel: kernel.7.cloned.1.call-start
scs
__scs_entry_jumppad:
0x0: {  	(pc) =	sbr.rel $0x88, $3  }
0x1: {  	(tag) =	ssettag $0x0;
	lr =	simm.s32 $0x1  }
0x2: {  	[smem:$0x3F9C] =	sst lr;
	_ =	strace $0xD0000000  }
0x3: {  	_ = 	snop  }
0x4: {  	_ = 	snop  }
0x5: {  	_ = 	snop  }
0x6: {  	_ = 	snop  }
0x7: {  	_ = 	snop  }
__scs_overlays_trampoline_lowered:
0x8: {  	[smem:$0x3FAB] =	sst s0  }
0x9: {  	[smem:$0x3FAC] =	sst s1  }
0xa: {  	[smem:$0x3FAD] =	sst s2  }
0xb: {  	[smem:$0x3FAE] =	sst s3  }
0xc: {  	[smem:$0x3FAF] =	sst s4  }
0xd: {  	[smem:$0x3FB0] =	sst s5  }
0xe: {  	[smem:$0x3FB1] =	sst s6  }
0xf: {  	[smem:$0x3FB2] =	sst s7  }
0x10: {  	[smem:$0x3FB3] =	sst s8  }
0x11: {  	[smem:$0x3FB4] =	sst s9;
	s0 =	simm.s32 @!p0 $0x0  }
0x12: {  	s1 =	sld [smem:$0x3F9A];
	s0 =	simm.s32 @p0 $0x1  }
0x13: {  	[smem:$0x3FB5] =	sst s0;
	s0 =	simm.s32 @!p1 $0x0  }
0x14: {  	s2 =	sld [smem:$0x3F99];
	s0 =	simm.s32 @p1 $0x1  }
0x15: {  	[smem:$0x3FB6] =	sst s0;
	s0 =	simm.s32 @!p2 $0x0  }
0x16: {  	s3 =	sld [smem:$0x3FDB];
	s0 =	simm.s32 @p2 $0x1  }
0x17: {  	s4 =	simm.s32 $0x1BF5;
	[smem:$0x3FB8] =	sst s0  }
0x18: {  	s0 =	sld [smem:$0x3F9B];
	_ =	swait.ge [sflag:s4], $0x0  }
0x19: {  	s7 =	sld [smem:$0x3F9C]  }
0x1a: {  	s8 =	sadd.s32 $0xFFFFE003, lr  }
0x1b: {  	s9 =	sadd.s32 $0xFFFFFEF7, lr;
	s5 =	simm.s32 $0xFFFFFFFF;
	p2 =	slt.u32 s8, $0xFFFFF086  }
0x1c: {  	p1 =	slt.u32 s9, $0xF7A;
	s5 =	simm.s32 @!p2 $0x0  }
0x1d: {  	s5 =	simm.s32 @p1 $0x1;
	p0 =	seq.s32 s7, s2  }
0x1e: {  	s7 =	smul.u32 @!p0 $0xF7A, s2;
	p2 =	seq.s32 @!p0 s5, $0x0  }
0x1f: {  	s9 =	smul.u32 $0xF7A, s1;
	s8 =	simm.s32 @!p0 $0x1BF5;
	p2 =	por !p2, p0  }
0x20: {  	[sflag:s8] =	ssyncset.s32 @!p0 $0xFFFFF086;
	s6 =	sadd.s32 @!p0 s3, s7;
	s7 =	simm.s32 @!p0 $0x108  }
0x21: {  	s3 =	sadd.s32 s3, s9;
	s6 =	sadd.s32 @!p0 $0x88, s6;
	s7 =	simm.s32 @p2 $0x1082  }
0x22: {  	[simem:s7], [sflag:s8] =	dma.local @!p0 [hbm:s6], $0xF7A  }
0x23: {  	s9 =	sor.u32 $0xD0000000, s2;
	s6 =	simm.s32 $0x108;
	_ =	swait.ge @!p0 [sflag:s8], $0x0  }
0x24: {  	s3 =	sadd.s32 $0x88, s3;
	s6 =	simm.s32 @!p1 $0x1082;
	[sflag:s4] =	ssyncset.s32 $0xFFFFF086  }
0x25: {  	[simem:s6], [sflag:s4] =	dma.local [hbm:s3], $0xF7A  }
0x26: {  	[smem:$0x3F9C] =	sst s1;
	(tag) =	ssettag s2;
	_ =	strace s9  }
0x27: {  	s1 =	sld [smem:$0x3FAC]  }
0x28: {  	s2 =	sld [smem:$0x3FAD]  }
0x29: {  	s4 =	sld [smem:$0x3FAF]  }
0x2a: {  	p0 =	seq.s32 s5, $0x0;
	s5 =	sld [smem:$0x3FB0]  }
0x2b: {  	s6 =	sld [smem:$0x3FB1]  }
0x2c: {  	s7 =	sld [smem:$0x3FB2]  }
0x2d: {  	s3 =	simm.s32 $0x108;
	s8 =	sld [smem:$0x3FB3]  }
0x2e: {  	s3 =	simm.s32 @!p0 $0x1082;
	s9 =	sld [smem:$0x3FB4]  }
0x2f: {  	lr =	sadd.s32 s0, s3;
	s0 =	sld [smem:$0x3FAB]  }
0x30: {  	s3 =	sld [smem:$0x3FAE]  }
0x31: {  	[smem:$0x3FB7] =	sst s10  }
0x32: {  	s10 =	sld [smem:$0x3FB5];
	_ =	sdelay $0x3  }
0x33: {  	p0 =	seq.s32 s10, $0x1;
	s10 =	sld [smem:$0x3FB7];
	_ =	sdelay $0x3  }
0x34: {  	[smem:$0x3FB7] =	sst s10  }
0x35: {  	s10 =	sld [smem:$0x3FB6];
	_ =	sdelay $0x3  }
0x36: {  	p1 =	seq.s32 s10, $0x1;
	s10 =	sld [smem:$0x3FB7];
	_ =	sdelay $0x3  }
0x37: {  	[smem:$0x3FB7] =	sst s10  }
0x38: {  	s10 =	sld [smem:$0x3FB8]  }
0x39: {  	_ = 	snop;
	(pc) =	sbr.ind lr, $3  }
0x3a: {  	_ = 	snop  }
0x3b: {  	_ = 	snop  }
0x3c: {  	p2 =	seq.s32 s10, $0x1;
	s10 =	sld [smem:$0x3FB7]  }
0x3d: {  	_ =	shalt  }
0x3e: {  	_ =	shalt  }
0x3f: {  	_ =	shalt  }
0x40: {  	_ =	shalt  }
0x41: {  	_ =	shalt  }
0x42: {  	_ =	shalt  }
0x43: {  	_ =	shalt  }
0x44: {  	_ =	shalt  }
0x45: {  	_ =	shalt  }
0x46: {  	_ =	shalt  }
0x47: {  	_ =	shalt  }
0x48: {  	_ =	shalt  }
0x49: {  	_ =	shalt  }
0x4a: {  	_ =	shalt  }
0x4b: {  	_ =	shalt  }
0x4c: {  	_ =	shalt  }
0x4d: {  	_ =	shalt  }
0x4e: {  	_ =	shalt  }
0x4f: {  	_ =	shalt  }
0x50: {  	_ =	shalt  }
0x51: {  	_ =	shalt  }
0x52: {  	_ =	shalt  }
0x53: {  	_ =	shalt  }
0x54: {  	_ =	shalt  }
0x55: {  	_ =	shalt  }
0x56: {  	_ =	shalt  }
0x57: {  	_ =	shalt  }
0x58: {  	_ =	shalt  }
0x59: {  	_ =	shalt  }
0x5a: {  	_ =	shalt  }
0x5b: {  	_ =	shalt  }
0x5c: {  	_ =	shalt  }
0x5d: {  	_ =	shalt  }
0x5e: {  	_ =	shalt  }
0x5f: {  	_ =	shalt  }
0x60: {  	_ =	shalt  }
0x61: {  	_ =	shalt  }
0x62: {  	_ =	shalt  }
0x63: {  	_ =	shalt  }
0x64: {  	_ =	shalt  }
0x65: {  	_ =	shalt  }
0x66: {  	_ =	shalt  }
0x67: {  	_ =	shalt  }
0x68: {  	_ =	shalt  }
0x69: {  	_ =	shalt  }
0x6a: {  	_ =	shalt  }
0x6b: {  	_ =	shalt  }
0x6c: {  	_ =	shalt  }
0x6d: {  	_ =	shalt  }
0x6e: {  	_ =	shalt  }
0x6f: {  	_ =	shalt  }
0x70: {  	_ =	shalt  }
0x71: {  	_ =	shalt  }
0x72: {  	_ =	shalt  }
0x73: {  	_ =	shalt  }
0x74: {  	_ =	shalt  }
0x75: {  	_ =	shalt  }
0x76: {  	_ =	shalt  }
0x77: {  	_ =	shalt  }
0x78: {  	_ =	shalt  }
0x79: {  	_ =	shalt  }
0x7a: {  	_ =	shalt  }
0x7b: {  	_ =	shalt  }
0x7c: {  	_ =	shalt  }
0x7d: {  	_ =	shalt  }
0x7e: {  	_ =	shalt  }
0x7f: {  	_ =	shalt  }
0x80: {  	_ =	shalt  }
0x81: {  	_ =	shalt  }
0x82: {  	_ =	shalt  }
0x83: {  	_ =	shalt  }
0x84: {  	_ =	shalt  }
0x85: {  	_ =	shalt  }
0x86: {  	_ =	shalt  }
0x87: {  	_ =	shalt  }
.Lfunc_end0:
.L_simem_size_0:
called_computation_lowered:
.L_overlay_start_0:
0x88: {  	s2 =	sld [smem:$0x3FD9]  }
0x89: {  	s3 =	sld [smem:$0x3FFE];
	_ =	sdelay $0x1  }
0x8a: {  	s1 =	srdreg.scid  }
0x8b: {  	s0 =	sand.u32 $0x1, s1  }
0x8c: {  	s16 =	sshll.u32 s0, $0xA;
	s2 =	sadd.s32 s3, s2  }
0x8d: {  	s2 =	sadd.s32 s2, s16  }
0x8e: {  	[smem:$0x3FC3] =	sst s2  }
0x8f: {  	_ = 	snop  }
0x90: {  	(tm) =	ssettm $0x1  }
0x91: {  	s17 =	sld [smem:$0x3FFB];
	_ =	sdelay $0x3  }
0x92: {  	_ =	strace s17  }
0x93: {  	s2 =	sld [smem:$0x3FFC];
	_ =	sdelay $0x3  }
0x94: {  	_ =	strace s2  }
0x95: {  	s2 =	sld [smem:$0x3FFD];
	_ =	sdelay $0x3  }
0x96: {  	_ =	strace s2  }
0x97: {  	_ =	strace $0x8FFFFFFF  }
0x98: {  	s18 =	sld [smem:$0x3FDB];
	_ =	sdelay $0x1  }
0x99: {  	s19 =	simm.s32 $_scs_section_size  }
0x9a: {  	s4 =	simm.s32 $_size__tile_overlayer_lowered;
	s5 =	simm.s32 $_tile_overlayer_lowered  }
0x9b: {  	s22 =	simm.s32 $0x1BFF;
	s21 =	sshll.u32 s5, $0x1;
	s2 =	sadd.s32 s19, s18  }
0x9c: {  	s6 =	simm.s32 $0x0;
	s20 =	sshll.u32 s4, $0x1;
	s4 =	sadd.s32 s21, s2  }
0x9d: {  	[timem:s6], [sflag:s22] =	dma.local [hbm:s4], s20  }
0x9e: {  	_ =	swait.ge [sflag:s22], s20  }
0x9f: {  	s3 =	ssub.s32 $0x0, s20;
	[sflag:s22] =	ssyncset.done $0x0  }
0xa0: {  	[sflag:s22] =	ssyncadd.s32 s3;
	_ =	sdelay $0x1  }
0xa1: {  	s23 =	simm.s32 $0x1B8B  }
0xa2: {  	_ =	swait.ge [sflag:s23], $0x1  }
0xa3: {  	[sflag:s23] =	ssyncset.done $0x0  }
0xa4: {  	s25 =	simm.s32 $0x1B8E;
	s24 =	sld [smem:$0x3FFE];
	[sflag:s23] =	ssyncadd.s32 $0xFFFFFFFF  }
0xa5: {  	s26 =	simm.s32 $execute0_lowered;
	[smem:$0x3FD2] =	sst s25  }
0xa6: {  	s4 =	sshll.u32 s26, $0x1;
	_ =	strace $0x80000046;
	[dreg:$0x1] =	wrdreg $0xFFFFFFFF  }
0xa7: {  	s28 =	simm.s32 $_size_execute0_lowered;
	s2 =	sadd.s32 s2, s4;
	[dreg:$0x0] =	wrdreg $0x0  }
0xa8: {  	s4 =	sshll.u32 s28, $0x1;
	[dreg:$0x2] =	wrdreg s2  }
0xa9: {  	[dreg:$0x3] =	wrdreg s4  }
0xaa: {  	[dreg:$0x4] =	wrdreg $0xC0  }
0xab: {  	_ =	task [dreg:s6], $0x5FFFF  }
0xac: {  	[dreg:$0x1] =	wrdreg $0xFFFFFFFF  }
0xad: {  	[dreg:$0x0] =	wrdreg $0x60  }
0xae: {  	[dreg:$0x2] =	wrdreg s24  }
0xaf: {  	[dreg:$0x3] =	wrdreg $0x11C800  }
0xb0: {  	[dreg:$0x4] =	wrdreg $0x9  }
0xb1: {  	_ =	task.clear_ibuf [dreg:s6], $0x5FFFF;
	_ =	strace $0x90000046  }
0xb2: {  	s29 =	simm.s32 $0x9;
	_ =	strace $0x80000048  }
0xb3: {  	_ =	swait.ge [sflag:s29], $0x1  }
0xb4: {  	[sflag:s29] =	ssyncadd.s32 $0xFFFFFFFF  }
0xb5: {  	_ =	strace $0x90000048  }
0xb6: {  	_ =	sfence  }
0xb7: {  	s30 =	sld [smem:$0x0];
	_ =	sdelay $0x2  }
0xb8: {  	s31 =	sshll.u32 s1, $0xD;
	s1 =	sshrl.u32 s1, $0x2  }
0xb9: {  	s3 =	sand.u32 $0x4000, s31;
	s1 =	sadd.s32 s1, s30  }
0xba: {  	s0 =	sor.u32 s3, s0;
	s1 =	sshll.u32 s1, $0x11  }
0xbb: {  	s0 =	sor.u32 s1, s0  }
0xbc: {  	s0 =	sadd.s32 $0x8F2B, s0  }
0xbd: {  	[sflag:s0] =	ssyncadd.remote.s32 $0x1  }
0xbe: {  	_ =	sfence.sel $0xFFFF  }
0xbf: {  	[dreg:$0x0] =	wrdreg $0xFFFFFFFF;
	(pc) =	sbr.abs _section_cstart, $3  }
0xc0: {  	[dreg:$0x1] =	wrdreg $0xFFFFFFFF  }
0xc1: {  	_ =	task.clear_ibuf [dreg:s6], $0x2FFFF;
	_ =	strace $0x9FFFFFFF  }
0xc2: {  	(tm) =	ssettm $0x7FFFFFFF  }
0xc3: {  	_ =	shalt  }
tec
execute0_lowered:
.L_overlay_start_1:
0x0: {  	(tag) =	ssettag $0x1  }
0x1: {  	s5 =	rddreg [dreg:$0x0]  }
0x2: {  	s1 =	rddreg [dreg:$0x1]  }
0x3: {  	s0 =	rddreg [dreg:$0x2]  }
0x4: {  	s3 =	srdreg.scid;
	s17 =	stileid.u32;
	s2 =	simm.s32 $0x0  }
0x5: {  	s12 =	simm.s32 $0x2800;
	s13 =	simm.s32 $0x5000;
	s14 =	simm.s32 $0x7800  }
0x6: {  	s15 =	simm.s32 $0xC800;
	s16 =	simm.s32 $0xA000;
	s18 =	simm.s32 $0x11C00  }
0x7: {  	s19 =	simm.s32 $0xF000;
	s20 =	simm.s32 $0x0;
	s4 =	sand.u32 $0x1, s3  }
0x8: {  	s29 =	sshll.u32 s17, $0x1;
	[smem:$0x7FF] =	sst s2;
	s31 =	sshll.u32 s17, $0xA  }
0x9: {  	p1 =	sgt.u32 s17, $0x9;
	p0 =	sne.s32 s17, $0x0;
	s17 =	simm.s32 $0x50  }
0xa: {  	s3 =	sor.u32 s4, s29;
	_ =	strace $0x80000047;
	s7 =	smul.u32 $0x500, s4  }
0xb: {  	s8 =	ssub.s32 $0x2, s4;
	s4 =	sadd.s32 $0xA00, s5;
	s6 =	smul.u32 $0x500, s3  }
0xc: {  	s3 =	sadd.s32 $0x400, s5;
	s30 =	sshrl.u32 s8, $0x1;
	s10 =	sadd.s32 s7, s5  }
0xd: {  	v0 =	vlaneseq.u32;
	s11 =	ssub.s32 s8, s30;
	s8 =	sadd.s32 s31, s1;
	s9 =	sadd.s32 s6, s5  }
0xe: {  	v1 =	vimm.f32 $0.0e+00;
	v2 =	vor.u32 $0x10, v0;
	s5 =	sadd.s32 $0x1000, s9;
	s6 =	sadd.s32 $0xB000, s9;
	s7 =	sadd.s32 $0x15A00, s9  }
0xf: {  	v3 =	vor.u32 $0x20, v0;
	v4 =	vor.u32 $0x30, v0;
	v5 =	vor.u32 $0x40, v0;
	s9 =	sadd.s32 $0x15000, s10;
	s10 =	smax.u32 s11, $0x1;
	s11 =	simm.s32 $0x1  }
.LBB2_1:
0x10: {  	[tilespmem:s2], [sflag:$0x1] =	stream.linear.gather [hbm4b:s3+s2], $0x2800, $0x38;
	[tilespmem:$0x11F00] =	vst v63  }
0x11: {  	_ =	swait.ge [sflag:s11], $0x2800  }
0x12: {  	[sflag:s11] =	ssyncset.done $0x0  }
0x13: {  	[sflag:s11] =	ssyncadd.s32 $0xFFFFD800  }
0x14: {  	[tilespmem:s12], [sflag:$0x1] =	stream.linear.gather [hbm4b:s4+s2], $0x2800, $0x38;
	[tilespmem:$0x11F00] =	vst v63  }
0x15: {  	_ =	swait.ge [sflag:s11], $0x2800  }
0x16: {  	[sflag:s11] =	ssyncset.done $0x0  }
0x17: {  	[sflag:s11] =	ssyncadd.s32 $0xFFFFD800  }
0x18: {  	[tilespmem:s13], [sflag:$0x1] =	stream.linear.gather [hbm4b:s5+s2], $0x2800, $0x38;
	[tilespmem:$0x11F00] =	vst v63  }
0x19: {  	_ =	swait.ge [sflag:s11], $0x2800  }
0x1a: {  	[sflag:s11] =	ssyncset.done $0x0  }
0x1b: {  	[sflag:s11] =	ssyncadd.s32 $0xFFFFD800  }
0x1c: {  	[tilespmem:s14], [sflag:$0x1] =	stream.linear.gather [hbm4b:s6+s2], $0x2800, $0x38;
	[tilespmem:$0x11F00] =	vst v63  }
0x1d: {  	_ =	swait.ge [sflag:s11], $0x2800  }
0x1e: {  	[sflag:s11] =	ssyncset.done $0x0  }
0x1f: {  	s21 =	simm.s32 $0x0;
	[sflag:s11] =	ssyncadd.s32 $0xFFFFD800  }
.LBB2_2:
0x20: {  	p2 =	sne.s32 s21, $0x9FC0  }
.Ltmp0:
0x21: {  	_ = 	snop;
	(pc) =	sbr.rel @p2 .LBB2_2-.Ltmp0, $3  }
0x22: {  	_ =	sdelay $0x1  }
0x23: {  	s22 =	sshra.s32 s21, $0x2  }
0x24: {  	s21 =	sadd.s32 $0x40, s21;
	[tilespmem:s22+$0xC800] =	vst v1  }
0x25: {  	s21 =	simm.s32 $0x0  }
0x26: {  	s22 =	sand.u32 $0xE00, s21  }
0x27: {  	s23 =	sand.u32 $0x70, s21;
	s24 =	sshrl.u32 s22, $0x2  }
0x28: {  	s22 =	simm.s32 $0x40;
	s23 =	sor.u32 s23, s24  }
.LBB2_4:
0x29: {  	p2 =	sne.s32 s22, $0xFC0  }
0x2a: {  	[tilespmem:s23+$0x11800] =	vst v1;
	s21 =	sadd.s32 $0x10, s21;
	s23 =	smov.u32 s22;
	s22 =	sadd.s32 $0x40, s22  }
.Ltmp1:
0x2b: {  	(pc) =	sbr.rel @p2 .LBB2_4-.Ltmp1, $4  }
0x2c: {  	_ = 	snop  }
0x2d: {  	s23 =	sand.u32 $0xE00, s23  }
0x2e: {  	s24 =	sand.u32 $0x70, s21;
	s23 =	sshrl.u32 s23, $0x2  }
0x2f: {  	s23 =	sor.u32 s24, s23  }
0x30: {  	[tilespmem:s23+$0x11800] =	vst v1  }
0x31: {  	[tilespmem:$0x11C00] =	vst v0  }
0x32: {  	[tilespmem:$0x11C10] =	vst v2  }
0x33: {  	[tilespmem:$0x11C20] =	vst v3  }
0x34: {  	[tilespmem:$0x11C30] =	vst v4  }
0x35: {  	s21 =	simm.s32 $0x5020;
	[tilespmem:$0x11C40] =	vst v5  }
0x36: {  	s22 =	simm.s32 $0x7820;
	v18 =	vld [tilespmem:s21+$0xFFFFFFF0]  }
0x37: {  	v13 =	vld [tilespmem:s22+$0xFFFFFFF0]  }
0x38: {  	v15 =	vld [tilespmem:s22+$0x0]  }
0x39: {  	v19 =	vld [tilespmem:s22+$0x10]  }
0x3a: {  	v8 =	vld [tilespmem:s21+$0x0]  }
0x3b: {  	v7 =	vld [tilespmem:s21+$0x10]  }
0x3c: {  	v20 =	vld [tilespmem:s22+$0xFFFFFFE0]  }
0x3d: {  	v6 =	vld [tilespmem:s21+$0xFFFFFFE0]  }
0x3e: {  	v9 =	vld.idx.msk [tilespmem:v18+s12+$0x0], $0xffff  }
0x3f: {  	v10 =	vld.idx.msk [tilespmem:v13+s2+$0x0], $0xffff  }
0x40: {  	v11 =	vld.idx.msk [tilespmem:v15+s2+$0x0], $0xffff  }
0x41: {  	v12 =	vld.idx.msk [tilespmem:v19+s2+$0x0], $0xffff  }
0x42: {  	v14 =	vld.idx.msk [tilespmem:v8+s12+$0x0], $0xffff  }
0x43: {  	v16 =	vld.idx.msk [tilespmem:v7+s12+$0x0], $0xffff;
	_ =	sdelay $0x2  }
0x44: {  	v10 =	vadd.f32 v9, v10  }
0x45: {  	v17 =	vld.idx.msk [tilespmem:v20+s2+$0x0], $0xffff;
	v11 =	vadd.f32 v14, v11  }
0x46: {  	v21 =	vld.idx.msk [tilespmem:v6+s12+$0x0], $0xffff;
	v12 =	vadd.f32 v16, v12;
	v22 =	vmul.f32 $2.000000030e-01, v10  }
0x47: {  	vm0 =	vge.f32 v10, $0.0e+00;
	v14 =	vmul.f32 $2.000000030e-01, v11  }
0x48: {  	s31 =	simm.s32 $0x7860;
	v16 =	vmul.f32 $2.000000030e-01, v12;
	v10 =	vsel vm0, v10, v22;
	vm0 =	vge.f32 v11, $0.0e+00  }
0x49: {  	v24 =	vld [tilespmem:s31+$0x10];
	v10 =	vmul.f32 $1.442695020e+00, v10;
	v11 =	vsel vm0, v11, v14;
	vm0 =	vge.f32 v12, $0.0e+00  }
0x4a: {  	s21 =	simm.s32 $0x5060;
	v23 =	vld [tilespmem:s31+$0xFFFFFFF0];
	v11 =	vmul.f32 $1.442695020e+00, v11;
	v12 =	vsel vm0, v12, v16  }
0x4b: {  	v9 =	vld [tilespmem:s21+$0xFFFFFFF0];
	v21 =	vadd.f32 v21, v17;
	(erf) = vpow2.f32 v10;
	v14 =	vmul.f32 $1.442695020e+00, v12  }
0x4c: {  	v25 =	vld [tilespmem:s31+$0xFFFFFFE0];
	(erf) = vpow2.f32 v11  }
0x4d: {  	v22 =	vld [tilespmem:s31+$0x0];
	(erf) = vpow2.f32 v14;
	v14 =	vmul.f32 $2.000000030e-01, v21  }
0x4e: {  	vm0 =	vge.f32 v21, $0.0e+00;
	v10 =	vld [tilespmem:s21+$0x0]  }
0x4f: {  	v12 =	vld [tilespmem:s21+$0x10];
	v21 =	vsel vm0, v21, v14  }
0x50: {  	v11 =	vld [tilespmem:s21+$0xFFFFFFE0];
	v21 =	vmul.f32 $1.442695020e+00, v21  }
0x51: {  	vm1 =	veq.s32 v8, v15;
	v15 =	vld.idx.msk [tilespmem:v24+s2+$0x0], $0xffff  }
0x52: {  	v17 =	vld.idx.msk [tilespmem:v23+s2+$0x0], $0xffff;
	(erf) = vpow2.f32 v21  }
0x53: {  	v16 =	vld.idx.msk [tilespmem:v9+s12+$0x0], $0xffff  }
0x54: {  	vm2 =	veq.s32 v7, v19;
	vm0 =	veq.s32 v18, v13;
	v13 =	vld.idx.msk [tilespmem:v25+s2+$0x0], $0xffff  }
0x55: {  	vm3 =	veq.s32 v6, v20;
	vm6 =	vmmov vm1;
	v14 =	vld.idx.msk [tilespmem:v22+s2+$0x0], $0xffff;
	vm0 =	vmmov vm0;
	v20 =	vpop (erf)  }
0x56: {  	vm1 =	vmmov vm2;
	vm2 =	veq.s32 v10, v22;
	v19 =	vld.idx.msk [tilespmem:v10+s12+$0x0], $0xffff;
	v22 =	vsel vm0, $0x0, v20  }
0x57: {  	s22 =	simm.s32 $0xA020;
	vm7 =	veq.s32 v9, v23;
	v21 =	vld.idx.msk [tilespmem:v12+s12+$0x0], $0xffff  }
0x58: {  	vm4 =	vmmov vm3;
	vm5 =	veq.s32 v12, v24;
	vm3 =	veq.s32 v11, v25;
	v20 =	vld.idx.msk [tilespmem:v11+s12+$0x0], $0xffff;
	v23 =	vpop (erf);
	[tilespmem:s22+$0xFFFFFFF0] =	vst v22  }
0x59: {  	s24 =	simm.s32 $0x4;
	s25 =	simm.s32 $0x78A0;
	s23 =	simm.s32 $0xA020;
	vm2 =	vmmov vm2;
	vm0 =	vmmov vm7;
	[tilespmem:v18+s15+$0x0] =	vst.idx.add.f32.msk $0xffff, v22;
	v18 =	vsel vm6, $0x0, v23;
	v22 =	vpop (erf)  }
.LBB2_6:
0x5a: {  	v23 =	vld [tilespmem:s25+$0xFFFFFFF0];
	s24 =	sadd.s32 $0x4, s24;
	v16 =	vadd.f32 v16, v17;
	s21 =	sadd.s32 $0x40, s21;
	[tilespmem:s22+$0x0] =	vst v18;
	v17 =	vsel vm1, $0x0, v22;
	s23 =	sadd.s32 $0x40, s23;
	vm1 =	vmmov vm5  }
0x5b: {  	v22 =	vld [tilespmem:s25+$0xFFFFFFE0];
	p2 =	slt.u32 s24, $0x27C;
	[tilespmem:s22+$0x10] =	vst v17;
	v24 =	vpop (erf)  }
0x5c: {  	v14 =	vadd.f32 v19, v14;
	v25 =	vld [tilespmem:s21+$0xFFFFFFF0];
	v26 =	vmul.f32 $2.000000030e-01, v16  }
0x5d: {  	vm5 =	vge.f32 v16, $0.0e+00;
	v15 =	vadd.f32 v21, v15;
	v19 =	vsel vm4, $0x0, v24;
	[tilespmem:v7+s15+$0x0] =	vst.idx.add.f32.msk $0xffff, v17;
	v7 =	vmovc v12  }
0x5e: {  	v13 =	vadd.f32 v20, v13;
	v12 =	vsel vm5, v16, v26;
	v16 =	vmul.f32 $2.000000030e-01, v14;
	[tilespmem:v8+s15+$0x0] =	vst.idx.add.f32.msk $0xffff, v18  }
0x5f: {  	vm4 =	vge.f32 v14, $0.0e+00;
	v17 =	vmul.f32 $2.000000030e-01, v15;
	v8 =	vmovc v10;
	v18 =	vld [tilespmem:s25+$0x0];
	v12 =	vmul.f32 $1.442695020e+00, v12;
	[tilespmem:s22+$0xFFFFFFE0] =	vst v19;
	s22 =	smov.u32 s23  }
0x60: {  	v21 =	vmul.f32 $2.000000030e-01, v13;
	v20 =	vld [tilespmem:s25+$0x10];
	v10 =	vsel vm4, v14, v16;
	vm4 =	vge.f32 v15, $0.0e+00  }
0x61: {  	v14 =	vmul.f32 $1.442695020e+00, v10;
	v15 =	vsel vm4, v15, v17;
	(erf) = vpow2.f32 v12;
	[tilespmem:v6+s15+$0x0] =	vst.idx.add.f32.msk $0xffff, v19;
	v6 =	vmovc v11  }
0x62: {  	vm6 =	veq.s32 v25, v23;
	vm4 =	vge.f32 v13, $0.0e+00;
	v10 =	vld [tilespmem:s21+$0x0];
	v15 =	vmul.f32 $1.442695020e+00, v15  }
0x63: {  	v13 =	vsel vm4, v13, v21;
	vm4 =	vmmov vm3;
	v12 =	vld [tilespmem:s21+$0x10];
	(erf) = vpow2.f32 v14  }
0x64: {  	v13 =	vmul.f32 $1.442695020e+00, v13;
	v11 =	vld [tilespmem:s21+$0xFFFFFFE0];
	(erf) = vpow2.f32 v15  }
0x65: {  	v16 =	vld.idx.msk [tilespmem:v25+s12+$0x0], $0xffff  }
0x66: {  	v17 =	vld.idx.msk [tilespmem:v23+s2+$0x0], $0xffff;
	(erf) = vpow2.f32 v13  }
0x67: {  	v14 =	vld.idx.msk [tilespmem:v18+s2+$0x0], $0xffff;
	vm7 =	veq.s32 v10, v18  }
0x68: {  	v15 =	vld.idx.msk [tilespmem:v20+s2+$0x0], $0xffff;
	vm5 =	veq.s32 v12, v20  }
.Ltmp2:
0x69: {  	v13 =	vld.idx.msk [tilespmem:v22+s2+$0x0], $0xffff;
	vm3 =	veq.s32 v11, v22;
	(pc) =	sbr.rel @p2 .LBB2_6-.Ltmp2, $4  }
0x6a: {  	v19 =	vld.idx.msk [tilespmem:v10+s12+$0x0], $0xffff;
	v18 =	vpop (erf)  }
0x6b: {  	v21 =	vld.idx.msk [tilespmem:v12+s12+$0x0], $0xffff;
	v18 =	vsel vm0, $0x0, v18;
	vm0 =	vmmov vm6  }
0x6c: {  	v20 =	vld.idx.msk [tilespmem:v11+s12+$0x0], $0xffff;
	[tilespmem:s23+$0xFFFFFFF0] =	vst v18;
	v22 =	vpop (erf)  }
0x6d: {  	s25 =	sadd.s32 $0x40, s25;
	[tilespmem:v9+s15+$0x0] =	vst.idx.add.f32.msk $0xffff, v18;
	v18 =	vsel vm2, $0x0, v22;
	v22 =	vpop (erf);
	v9 =	vmov v25;
	vm2 =	vmmov vm7  }
0x6e: {  	v16 =	vadd.f32 v16, v17;
	_ =	sdelay $0x1  }
0x6f: {  	v14 =	vadd.f32 v19, v14;
	v17 =	vmul.f32 $2.000000030e-01, v16  }
0x70: {  	vm6 =	vge.f32 v16, $0.0e+00;
	v15 =	vadd.f32 v21, v15  }
0x71: {  	v59 =	vmul.f32 $2.000000030e-01, v14;
	v16 =	vsel vm6, v16, v17  }
0x72: {  	vm11 =	vge.f32 v14, $0.0e+00;
	v60 =	vmul.f32 $2.000000030e-01, v15;
	v16 =	vmul.f32 $1.442695020e+00, v16  }
0x73: {  	v13 =	vadd.f32 v20, v13;
	vm12 =	vge.f32 v15, $0.0e+00;
	v14 =	vsel vm11, v14, v59  }
0x74: {  	v14 =	vmul.f32 $1.442695020e+00, v14;
	v15 =	vsel vm12, v15, v60;
	(erf) = vpow2.f32 v16  }
0x75: {  	v61 =	vmul.f32 $2.000000030e-01, v13;
	v15 =	vmul.f32 $1.442695020e+00, v15  }
0x76: {  	vm13 =	vge.f32 v13, $0.0e+00;
	(erf) = vpow2.f32 v14  }
0x77: {  	v13 =	vsel vm13, v13, v61;
	(erf) = vpow2.f32 v15  }
0x78: {  	v13 =	vmul.f32 $1.442695020e+00, v13  }
0x79: {  	[tilespmem:s22+$0x0] =	vst v18;
	v62 =	vsel vm1, $0x0, v22  }
0x7a: {  	[tilespmem:s22+$0x10] =	vst v62;
	(erf) = vpow2.f32 v13  }
0x7b: {  	v63 =	vpop (erf);
	[tilespmem:v8+s15+$0x0] =	vst.idx.add.f32.msk $0xffff, v18  }
0x7c: {  	[tilespmem:v7+s15+$0x0] =	vst.idx.add.f32.msk $0xffff, v62;
	v7 =	vsel vm4, $0x0, v63  }
0x7d: {  	[tilespmem:s22+$0xFFFFFFE0] =	vst v7;
	v8 =	vpop (erf)  }
0x7e: {  	s21 =	sadd.s32 $0x40, s23;
	[tilespmem:v6+s15+$0x0] =	vst.idx.add.f32.msk $0xffff, v7;
	v6 =	vsel vm0, $0x0, v8  }
0x7f: {  	v7 =	vpop (erf);
	[tilespmem:s21+$0xFFFFFFF0] =	vst v6  }
0x80: {  	vm14 =	vmmov vm5;
	[tilespmem:v9+s15+$0x0] =	vst.idx.add.f32.msk $0xffff, v6;
	v6 =	vsel vm2, $0x0, v7;
	v7 =	vpop (erf)  }
0x81: {  	[tilespmem:s21+$0x0] =	vst v6;
	v7 =	vsel vm14, $0x0, v7  }
0x82: {  	[tilespmem:s21+$0x10] =	vst v7  }
0x83: {  	vm15 =	vmmov vm3;
	v8 =	vpop (erf);
	[tilespmem:v10+s15+$0x0] =	vst.idx.add.f32.msk $0xffff, v6  }
0x84: {  	[tilespmem:v12+s15+$0x0] =	vst.idx.add.f32.msk $0xffff, v7;
	v7 =	vsel vm15, $0x0, v8  }
0x85: {  	[tilespmem:s21+$0xFFFFFFE0] =	vst v7  }
0x86: {  	s29 =	simm.s32 $0x0;
	[tilespmem:v11+s15+$0x0] =	vst.idx.add.f32.msk $0xffff, v7  }
0x87: {  	[hbm4b:s7+s29] =	stream.linear.scatter [tilespmem:s16], [sflag:$0x1], $0x2800, $0x38;
	[tilespmem:$0x11F00] =	vst v63  }
0x88: {  	_ =	swait.ge [sflag:s11], $0x2800  }
0x89: {  	[sflag:s11] =	ssyncset.done $0x0  }
0x8a: {  	s31 =	simm.s32 $0x0;
	[sflag:s11] =	ssyncadd.s32 $0xFFFFD800  }
0x8b: {  	v6 =	vld [tilespmem:s31+$0xC800]  }
0x8c: {  	s30 =	sand.u32 $0xFE00, s29  }
0x8d: {  	s24 =	sand.u32 $0x70, s29;
	s22 =	sshrl.u32 s30, $0x2  }
0x8e: {  	s23 =	sor.u32 s24, s22;
	s22 =	simm.s32 $0x40;
	s21 =	simm.s32 $0x10  }
.LBB2_8:
0x8f: {  	s24 =	sshra.s32 s22, $0x2  }
0x90: {  	p2 =	sne.s32 s21, $0x27F0;
	[tilespmem:s23+$0xF000] =	vst v6;
	s23 =	smov.u32 s21;
	s21 =	sadd.s32 $0x10, s21  }
.Ltmp3:
0x91: {  	v6 =	vld [tilespmem:s24+$0xC800];
	(pc) =	sbr.rel @p2 .LBB2_8-.Ltmp3, $4  }
0x92: {  	_ = 	snop  }
0x93: {  	s24 =	sand.u32 $0xFE00, s22  }
0x94: {  	s23 =	sand.u32 $0x70, s23;
	s24 =	sshrl.u32 s24, $0x2  }
0x95: {  	s22 =	sadd.s32 $0x40, s22;
	s23 =	sor.u32 s23, s24  }
0x96: {  	[tilespmem:s23+$0xF000] =	vst v6;
	s21 =	simm.s32 @!p1 $0x11800  }
0x97: {  	[spmem:s8] =	stream.linear.scatter @!p1 [tilespmem:s21], [sflag:$0x1], $0x400, $0x38;
	[tilespmem:$0x11F00] =	vst v63  }
0x98: {  	s21 =	simm.s32 @!p1 $0x1  }
0x99: {  	_ =	swait.ge @!p1 [sflag:s21], $0x400  }
0x9a: {  	[sflag:s21] =	ssyncset.done @!p1 $0x0  }
0x9b: {  	[sflag:s21] =	ssyncadd.s32 @!p1 $0xFFFFFC00  }
0x9c: {  	[bflag:$0x0] =	sbarrier.arrive $0xFFFF  }
0x9d: {  	[spmem:s1] =	stream.indirect.scatter.add.f32 [tilespmem:s19], [sflag:$0x1], $0x80, s18, s17, $0xb8;
	[tilespmem:$0x11F00] =	vst v63  }
0x9e: {  	_ =	swait.ge [sflag:s11], $0x2800  }
0x9f: {  	[sflag:s11] =	ssyncset.done $0x0  }
0xa0: {  	s22 =	simm.s32 @!p0 $0x1C01;
	s20 =	sadd.s32 $0x1, s20;
	[sflag:s11] =	ssyncadd.s32 $0xFFFFD800  }
0xa1: {  	p2 =	sne.s32 s20, s10;
	s21 =	sshrl.u32 @!p0 s1, $0x3;
	[bflag:$0x0] =	sbarrier.arrive $0xFFFF  }
0xa2: {  	[hbm:s9], [sflag:s22] =	dma.local @!p0 [spmem:s21], $0x500  }
.Ltmp4:
0xa3: {  	_ = 	snop;
	(pc) =	sbr.rel @p2 .LBB2_1-.Ltmp4, $4  }
0xa4: {  	s21 =	simm.s32 @!p0 $0x1  }
0xa5: {  	_ =	swait.ge @!p0 [sflag:s21], $0x500  }
0xa6: {  	[sflag:s21] =	ssyncset.done @!p0 $0x0  }
0xa7: {  	[sflag:s21] =	ssyncadd.s32 @!p0 $0xFFFFFB00  }
0xa8: {  	_ =	sfence.sel $0x180000  }
0xa9: {  	[bflag:$0x0] =	sbarrier.arrive $0xFFFF  }
0xaa: {  	_ =	strace $0x90000047  }
0xab: {  	s0 =	sadd.s32 @!p0 $0x100000, s0;
	[bflag:$0x2] =	sbarrier.arrive $0xFFFF  }
0xac: {  	[sflag:s0] =	ssyncadd.tile.s32 @!p0 $0x1;
	_ =	shalt  }
.Lfunc_end2:
_tile_overlayer_lowered:
.L_overlay_start_2:
0xad: {  	(tag) =	ssettag $0x2  }
0xae: {  	s0 =	rddreg [dreg:$0x0];
	s2 =	stileid.u32  }
0xaf: {  	s1 =	rddreg [dreg:$0x1];
	p0 =	sne.s32 s2, $0x0  }
0xb0: {  	s3 =	rddreg [dreg:$0x2];
	[bflag:$0x3] =	sbarrier.arrive $0xFFFF;
	s2 =	simm.s32 @!p0 $0x1C01  }
0xb1: {  	[timem:s3], [sflag:s2] =	dma.local @!p0 [hbm:s0], s1  }
0xb2: {  	s0 =	simm.s32 @!p0 $0x1  }
0xb3: {  	_ =	swait.ge @!p0 [sflag:s0], s1  }
0xb4: {  	s1 =	ssub.s32 @!p0 $0x0, s1;
	[sflag:s0] =	ssyncset.done @!p0 $0x0  }
0xb5: {  	[sflag:s0] =	ssyncadd.s32 @!p0 s1  }
0xb6: {  	[bflag:$0x3] =	sbarrier.arrive $0xFFFF  }
0xb7: {  	_ =	shalt  }

</sc_bundles>
